<compile_context>
chip_gen: v7x
topology: tpu7x:2x2x1
jax: 0.10.2.dev20260603
libtpu: 0.0.44.dev20260713+nightly
codegen_flags: <defaults>
</compile_context>

<pallas_src>
import functools

import jax
import jax.numpy as jnp
from jax import lax
from jax.experimental import pallas as pl
from jax.experimental.pallas import tpu as pltpu
from jax.experimental.pallas import tpu_sc as plsc

N = 4096
D_FEAT = 256
EMB = 128
NUM_CLASS = 40
BASE_ROWS = 100000
TOPK = 8
RETRIEVE_W = 0.3
LABEL_W = 0.3

_RB = 512
_NB = N // _RB

_NC, _NS = 2, 16
_NW = _NC * _NS
_CH = 128
_NFULL = BASE_ROWS // _CH
_NCHUNK = 25
_NEG = -3.0e38



def _gcn_body(f_ref, w_ref, a_ref, g_ref, q_ref, h_scr, p_scr, cs_scr):
    i = pl.program_id(0)

    @pl.when(i == 0)
    def _():
        h_scr[...] = jnp.dot(f_ref[...], w_ref[...],
                             preferred_element_type=jnp.float32)
        cs_scr[...] = jnp.zeros_like(cs_scr)

    ablk = a_ref[...]
    p_scr[pl.ds(i * _RB, _RB), :] = jnp.tanh(
        jnp.dot(ablk, h_scr[...], preferred_element_type=jnp.float32))
    cs_scr[...] += jnp.sum(ablk, axis=0, keepdims=True)

    @pl.when(i == _NB - 1)
    def _():
        p_all = p_scr[...]
        g_ref[...] = jnp.sum(p_all, axis=0, keepdims=True) * (1.0 / N)
        q_ref[...] = jnp.dot(cs_scr[...] * (1.0 / N), p_all,
                             preferred_element_type=jnp.float32)


def _gcn_call(features, adj, W_pre, interpret=False):
    return pl.pallas_call(
        _gcn_body,
        grid=(_NB,),
        in_specs=[
            pl.BlockSpec((N, D_FEAT), lambda i: (0, 0)),
            pl.BlockSpec((D_FEAT, EMB), lambda i: (0, 0)),
            pl.BlockSpec((_RB, N), lambda i: (i, 0)),
        ],
        out_specs=[
            pl.BlockSpec((1, EMB), lambda i: (0, 0)),
            pl.BlockSpec((1, EMB), lambda i: (0, 0)),
        ],
        out_shape=[jax.ShapeDtypeStruct((1, EMB), jnp.float32)] * 2,
        scratch_shapes=[
            pltpu.VMEM((N, EMB), jnp.float32),
            pltpu.VMEM((N, EMB), jnp.float32),
            pltpu.VMEM((1, N), jnp.float32),
        ],
        interpret=interpret,
    )(features, W_pre, adj)



def _merge_top16(tv, ti, cv, ci):
    cvr = lax.rev(cv, (0,))
    cir = lax.rev(ci, (0,))
    keep = tv >= cvr
    mv = jnp.where(keep, tv, cvr)
    mi = jnp.where(keep, ti, cir)
    rv, ri = plsc.sort_key_val(mv, mi, descending=True)
    return rv, ri


def _scan_call(base_emb, g_vec):
    mesh = plsc.VectorSubcoreMesh(core_axis_name="c", subcore_axis_name="s",
                                  num_cores=_NC, num_subcores=_NS)

    @functools.partial(
        pl.kernel,
        out_type=(jax.ShapeDtypeStruct((_NW * 16,), jnp.float32),
                  jax.ShapeDtypeStruct((_NW * 16,), jnp.int32)),
        mesh=mesh,
        scratch_types=[
            pltpu.VMEM((2, _CH, EMB), jnp.float32),
            pltpu.VMEM((EMB,), jnp.float32),
            pltpu.VMEM((EMB * 16,), jnp.float32),
            pltpu.VMEM((16,), jnp.float32),
            pltpu.VMEM((16,), jnp.int32),
            pltpu.SemaphoreType.DMA,
            pltpu.SemaphoreType.DMA,
        ],
        compiler_params=pltpu.CompilerParams(needs_layout_passes=False),
    )
    def scan_k(emb_hbm, g_hbm, keys_out, rows_out,
               ebuf, qbuf, qrot, tvbuf, tibuf, sem0, sem1):
        cid = lax.axis_index("c")
        sid = lax.axis_index("s")
        wid = sid * _NC + cid
        lanes = lax.iota(jnp.int32, 16)

        def chunk_row0(t):
            c_eff = jnp.minimum(wid + _NW * t, _NFULL)
            row0 = jnp.minimum(c_eff * _CH, BASE_ROWS - _CH)
            return pl.multiple_of(row0, 8)

        pltpu.sync_copy(g_hbm, qbuf)

        def build_qrot(c, carry):
            qv = plsc.load_gather(qbuf,
                                  [jnp.bitwise_and(c + lanes, EMB - 1)])
            qrot[pl.ds(c * 16, 16)] = qv
            return carry

        lax.fori_loop(0, EMB, build_qrot, 0)

        sems = (sem0, sem1)

        def dma_start(t, slot):
            pltpu.async_copy(emb_hbm.at[pl.ds(chunk_row0(t), _CH)],
                             ebuf.at[slot], sems[slot])

        def dma_wait(slot):
            pltpu.make_async_copy(emb_hbm.at[pl.ds(0, _CH)],
                                  ebuf.at[slot], sems[slot]).wait()

        def compute_chunk(t, slot, tv, ti):
            c = wid + _NW * t
            in_range = c <= _NFULL
            c_eff = jnp.minimum(c, _NFULL)
            row0 = chunk_row0(t)
            slot_vec = jnp.full((16,), slot, jnp.int32)
            for half in range(_CH // 128):
                rowvs, valids, ivs = [], [], []
                for gi in range(8):
                    roff = half * 128 + gi * 16 + lanes
                    grow = row0 + roff
                    validv = jnp.logical_and(
                        jnp.logical_and(grow >= c_eff * _CH,
                                        grow < BASE_ROWS),
                        in_range)
                    rowvs.append(roff)
                    valids.append(validv)
                    ivs.append(grow)

                def colpair(cb, carry):
                    accs = list(carry[0])
                    nacs = list(carry[1])
                    for j in range(2):
                        cc = cb * 2 + j
                        cl = jnp.bitwise_and(cc + lanes, EMB - 1)
                        qv = qrot[pl.ds(cc * 16, 16)]
                        for gi in range(8):
                            v = plsc.load_gather(ebuf,
                                                 [slot_vec, rowvs[gi], cl])
                            accs[gi] = accs[gi] + v * qv
                            nacs[gi] = nacs[gi] + v * v
                    return tuple(accs), tuple(nacs)

                z = tuple(jnp.zeros((16,), jnp.float32) for _ in range(8))
                accs, nacs = lax.fori_loop(0, EMB // 2, colpair, (z, z))
                for gi in range(8):
                    key = accs[gi] * jnp.abs(accs[gi]) / nacs[gi]
                    key = jnp.where(valids[gi], key, _NEG)
                    cv, ci = plsc.sort_key_val(key, ivs[gi],
                                               descending=True)
                    tv, ti = _merge_top16(tv, ti, cv, ci)
            return tv, ti

        tv = jnp.full((16,), _NEG, jnp.float32)
        ti = jnp.zeros((16,), jnp.int32)
        dma_start(0, 0)
        dma_start(1, 1)

        def pair(c2, c):
            tv, ti = c
            ch0 = 2 * c2
            dma_wait(0)
            tv, ti = compute_chunk(ch0, 0, tv, ti)
            dma_start(ch0 + 2, 0)

            dma_wait(1)
            tv, ti = compute_chunk(ch0 + 1, 1, tv, ti)

            @pl.when(ch0 + 3 < _NCHUNK)
            def _():
                dma_start(ch0 + 3, 1)

            return tv, ti

        tv, ti = lax.fori_loop(0, (_NCHUNK - 1) // 2, pair, (tv, ti))
        dma_wait(0)
        tv, ti = compute_chunk(jnp.int32(_NCHUNK - 1), 0, tv, ti)

        tvbuf[...] = tv
        tibuf[...] = ti
        pltpu.sync_copy(tvbuf, keys_out.at[pl.ds(wid * 16, 16)])
        pltpu.sync_copy(tibuf, rows_out.at[pl.ds(wid * 16, 16)])

    return scan_k(base_emb, g_vec)



def _pick_call(base_emb, keys, rows):
    mesh = plsc.VectorSubcoreMesh(core_axis_name="c", subcore_axis_name="s",
                                  num_cores=_NC, num_subcores=_NS)

    @functools.partial(
        pl.kernel,
        out_type=(jax.ShapeDtypeStruct((EMB,), jnp.float32),
                  jax.ShapeDtypeStruct((16,), jnp.int32)),
        mesh=mesh,
        scratch_types=[
            pltpu.VMEM((_NW * 16,), jnp.float32),
            pltpu.VMEM((_NW * 16,), jnp.int32),
            pltpu.VMEM((16,), jnp.int32),
            pltpu.VMEM((16, EMB), jnp.float32),
            pltpu.VMEM((EMB,), jnp.float32),
            pltpu.SemaphoreType.DMA,
        ],
        compiler_params=pltpu.CompilerParams(needs_layout_passes=False),
    )
    def pick_k(emb_hbm, keys_hbm, rows_hbm, re_out, top8_out,
               kb, ib, tib, eb, oe, sem):
        cid = lax.axis_index("c")
        sid = lax.axis_index("s")

        @pl.when((cid == 0) & (sid == 0))
        def _():
            pltpu.sync_copy(keys_hbm, kb)
            pltpu.sync_copy(rows_hbm, ib)

            def mrg(w, c):
                tv, ti = c
                tv, ti = _merge_top16(tv, ti, kb[pl.ds(w * 16, 16)],
                                      ib[pl.ds(w * 16, 16)])
                return tv, ti

            tv = jnp.full((16,), _NEG, jnp.float32)
            ti = jnp.zeros((16,), jnp.int32)
            tv, ti = lax.fori_loop(0, _NW, mrg, (tv, ti))

            tib[...] = ti
            pltpu.sync_copy(tib, top8_out)
            pltpu.async_copy(emb_hbm.at[tib], eb, sem).wait()

            for k in range(8):
                s = jnp.zeros((16,), jnp.float32)
                for p in range(TOPK):
                    s = s + eb[p, pl.ds(16 * k, 16)]
                oe[pl.ds(16 * k, 16)] = s
            pltpu.sync_copy(oe, re_out)

    return pick_k(base_emb, keys, rows)



def _decode_body(idx_ref, lab_ref, q_ref, re_ref, w1_ref, b1_ref, w2_ref,
                 b2_ref, o_ref, acc_scr):
    i = pl.program_id(0)

    @pl.when(i == 0)
    def _():
        acc_scr[...] = jnp.zeros_like(acc_scr)

    col = idx_ref[i]
    b = col // 128
    c_in = col - b * 128
    tile = lab_ref[...]
    li = lax.broadcasted_iota(jnp.int32, (NUM_CLASS, 128), 1)
    tile = jnp.where(li < BASE_ROWS - b * 128, tile, 0.0)
    sel = (lax.broadcasted_iota(jnp.int32, (1, 128), 1)
           == c_in).astype(jnp.float32)
    acc_scr[...] += lax.dot_general(sel, tile, (((1,), (1,)), ((), ())),
                                    preferred_element_type=jnp.float32)

    @pl.when(i == TOPK - 1)
    def _():
        rag_label = acc_scr[...] * (1.0 / TOPK)
        hidden = (q_ref[...] * (1.0 - RETRIEVE_W)
                  + re_ref[...] * RETRIEVE_W)
        h1 = jnp.dot(hidden, w1_ref[...],
                     preferred_element_type=jnp.float32) + b1_ref[...]
        h1 = jnp.maximum(h1, 0.0)
        logits = jnp.dot(h1, w2_ref[...],
                         preferred_element_type=jnp.float32) + b2_ref[...]
        m = jnp.max(logits, axis=1, keepdims=True)
        e = jnp.exp(logits - m)
        sm = e / jnp.sum(e, axis=1, keepdims=True)
        o_ref[...] = sm * (1.0 - LABEL_W) + rag_label * LABEL_W


def _decode_call(top8, labels3d, q, rag_e, W1, b1, W2, b2, interpret=False):
    grid_spec = pltpu.PrefetchScalarGridSpec(
        num_scalar_prefetch=1,
        grid=(TOPK,),
        in_specs=[
            pl.BlockSpec((NUM_CLASS, 128), lambda i, idx: (0, idx[i] // 128)),
            pl.BlockSpec((1, EMB), lambda i, idx: (0, 0)),
            pl.BlockSpec((1, EMB), lambda i, idx: (0, 0)),
            pl.BlockSpec((EMB, EMB), lambda i, idx: (0, 0)),
            pl.BlockSpec((1, EMB), lambda i, idx: (0, 0)),
            pl.BlockSpec((EMB, NUM_CLASS), lambda i, idx: (0, 0)),
            pl.BlockSpec((1, NUM_CLASS), lambda i, idx: (0, 0)),
        ],
        out_specs=pl.BlockSpec((1, NUM_CLASS), lambda i, idx: (0, 0)),
        scratch_shapes=[pltpu.VMEM((1, NUM_CLASS), jnp.float32)],
    )
    return pl.pallas_call(
        _decode_body,
        grid_spec=grid_spec,
        out_shape=jax.ShapeDtypeStruct((1, NUM_CLASS), jnp.float32),
        interpret=interpret,
    )(top8, labels3d, q, rag_e, W1, b1, W2, b2)



def kernel(features, adj, W_pre, base_emb, base_labels, W1, b1, W2, b2):
    g2d, q2d = _gcn_call(features, adj, W_pre)
    keys, rows = _scan_call(base_emb, g2d.reshape((EMB,)))
    rag_e, top8 = _pick_call(base_emb, keys, rows)
    return _decode_call(top8, base_labels.T,
                        q2d, rag_e.reshape((1, EMB)),
                        W1, b1.reshape((1, EMB)), W2,
                        b2.reshape((1, NUM_CLASS)))

# --- scband reference (transcript-rebuilt; emitter-appended) ---
"""Pipeline reference for scband-ragraph-61108794687797 (READ-ONLY COPY).

The authoritative reference and input builder live on the scoring server;
editing this copy changes nothing except your own understanding.
"""

import jax, jax.numpy as jnp
import numpy as np

N = 4096          # nodes in query graph
D_FEAT = 256      # input feature size
EMB = 128         # emb_size
NUM_CLASS = 40
BASE = 100000     # number of toy graphs in retrieval base (keys)
TOPK = 8          # retrieved neighbors
RETRIEVE_W = 0.3
LABEL_W = 0.3


def setup_inputs(seed: int = 0) -> dict:
    key = jax.random.key(seed)
    ks = jax.random.split(key, 8)
    features = jax.random.normal(ks[0], (N, D_FEAT), dtype=jnp.float32)
    # sparse-ish normalized adjacency (avg degree ~16)
    adj = (jax.random.uniform(ks[1], (N, N), dtype=jnp.float32) < 0.004).astype(jnp.float32)
    adj = adj / jnp.maximum(adj.sum(axis=1, keepdims=True), 1.0)
    # pretrain_model (frozen 1-layer GCN) params
    W_pre = jax.random.normal(ks[2], (D_FEAT, EMB), dtype=jnp.float32) * 0.05
    # toy graph base: key embeddings + soft labels
    base_emb = jax.random.normal(ks[3], (BASE, EMB), dtype=jnp.float32)
    base_labels = jax.nn.softmax(jax.random.normal(ks[4], (BASE, NUM_CLASS), dtype=jnp.float32), axis=-1)
    # TaskDecoder: 2-layer MLP emb -> emb -> num_class
    W1 = jax.random.normal(ks[5], (EMB, EMB), dtype=jnp.float32) * 0.05
    b1 = jnp.zeros((EMB,), jnp.float32)
    W2 = jax.random.normal(ks[6], (EMB, NUM_CLASS), dtype=jnp.float32) * 0.05
    b2 = jnp.zeros((NUM_CLASS,), jnp.float32)
    return {"features": features, "adj": adj, "W_pre": W_pre,
            "base_emb": base_emb, "base_labels": base_labels,
            "W1": W1, "b1": b1, "W2": W2, "b2": b2}


def reference(features, adj, W_pre, base_emb, base_labels, W1, b1, W2, b2):
    # pretrain_model.inference(features, adj): 1-layer GCN encoder
    pretrain_embeddings = jnp.tanh(adj @ (features @ W_pre))          # [N, EMB]
    pretrain_graph_embedding = jnp.mean(pretrain_embeddings, axis=0)  # [EMB]
    # toy_graph_base.retrieve: cosine-similarity top-k over base graph embeddings
    qn = pretrain_graph_embedding / (jnp.linalg.norm(pretrain_graph_embedding) + 1e-8)
    bn = base_emb / (jnp.linalg.norm(base_emb, axis=1, keepdims=True) + 1e-8)
    sims = bn @ qn                                                    # [BASE]
    _top_vals, top_idx = jax.lax.top_k(sims, TOPK)
    rag_embeddings = jnp.take(base_emb, top_idx, axis=0)[None]        # [1, TOPK, EMB]
    rag_labels = jnp.take(base_labels, top_idx, axis=0)[None]         # [1, TOPK, C]
    # finetune branch
    rag_label = jnp.mean(rag_labels, axis=1)                          # [1, C]
    rag_embedding = jnp.sum(rag_embeddings, axis=1)                   # [1, EMB]
    # Propagation.aggregate_k_hop_features(adj, pretrain_embeddings, 1)
    query_embeddings = adj @ pretrain_embeddings                      # [N, EMB]
    query_embedding = jnp.mean(query_embeddings, axis=0)              # [EMB]
    hidden = query_embedding[None, :] * (1.0 - RETRIEVE_W) + rag_embedding * RETRIEVE_W  # [1, EMB]
    # TaskDecoder: 2-layer MLP
    decode = jnp.maximum(hidden @ W1 + b1, 0.0) @ W2 + b2             # [1, C]
    decode = jax.nn.softmax(decode, axis=1)
    label_logits = decode * (1.0 - LABEL_W) + rag_label * LABEL_W
    return label_logits

if __name__ == "__main__":
    import jax
    _d = setup_inputs()
    print(jax.jit(kernel)(*tuple(_d.values())))

</pallas_src>

<mosaic_0001>
#map = affine_map<(d0, d1) -> (0, 0)>
#map1 = affine_map<(d0, d1) -> (0)>
module attributes {stable_mosaic.version = 14 : i64} {
  func.func @pick_k(%arg0: i32, %arg1: i32, %arg2: memref<100000x128xf32, #tpu.memory_space<hbm>>, %arg3: memref<512xf32, #tpu.memory_space<hbm>>, %arg4: memref<512xi32, #tpu.memory_space<hbm>>, %arg5: memref<128xf32, #tpu.memory_space<hbm>>, %arg6: memref<16xi32, #tpu.memory_space<hbm>>, %arg7: memref<512xf32, #tpu.memory_space<vmem>>, %arg8: memref<512xi32, #tpu.memory_space<vmem>>, %arg9: memref<16xi32, #tpu.memory_space<vmem>>, %arg10: memref<16x128xf32, #tpu.memory_space<vmem>>, %arg11: memref<128xf32, #tpu.memory_space<vmem>>, %arg12: memref<!tpu.dma_semaphore, #tpu.memory_space<semaphore_mem>>) attributes {dimension_semantics = [#tpu.dimension_semantics<core_parallel>, #tpu.dimension_semantics<subcore_parallel>], iteration_bounds = array<i64: 2, 16>, scalar_prefetch = 0 : i64, scratch_operands = 6 : i64, tpu.core_type = #tpu.core_type<sc_vector_subcore>, window_params = [{transform_indices = #map}, {transform_indices = #map1}, {transform_indices = #map1}, {transform_indices = #map1}, {transform_indices = #map1}]} {
    %eq3A = arith.constant 0 : i32
    %eq3A_0 = arith.cmpi eq, %arg0, %eq3A : i32
    %eq3A_1 = arith.constant 0 : i32
    %eq3A_2 = arith.cmpi eq, %arg1, %eq3A_1 : i32
    %and3A = arith.andi %eq3A_0, %eq3A_2 : i1
    %convert_element_type3A = arith.extui %and3A : i1 to i32
    %cond3A = arith.constant 0 : i32
    %cond3A_3 = arith.cmpi ne, %convert_element_type3A, %cond3A : i32
    scf.if %cond3A_3 {
      "tpu.region"() ({
        %run_scoped3A = tpu.sem_alloc : memref<!tpu.dma_semaphore, #tpu.memory_space<semaphore_mem>>
        tpu.enqueue_dma source(%arg3 : memref<512xf32, #tpu.memory_space<hbm>>) target(%arg7 : memref<512xf32, #tpu.memory_space<vmem>>) target_semaphore(%run_scoped3A : memref<!tpu.dma_semaphore, #tpu.memory_space<semaphore_mem>>)
        tpu.wait_dma2 semaphore(%run_scoped3A : memref<!tpu.dma_semaphore, #tpu.memory_space<semaphore_mem>>) src(%arg3 : memref<512xf32, #tpu.memory_space<hbm>>) dst(%arg7 : memref<512xf32, #tpu.memory_space<vmem>>)
        tpu.yield
      }) : () -> ()
      "tpu.region"() ({
        %run_scoped3A = tpu.sem_alloc : memref<!tpu.dma_semaphore, #tpu.memory_space<semaphore_mem>>
        tpu.enqueue_dma source(%arg4 : memref<512xi32, #tpu.memory_space<hbm>>) target(%arg8 : memref<512xi32, #tpu.memory_space<vmem>>) target_semaphore(%run_scoped3A : memref<!tpu.dma_semaphore, #tpu.memory_space<semaphore_mem>>)
        tpu.wait_dma2 semaphore(%run_scoped3A : memref<!tpu.dma_semaphore, #tpu.memory_space<semaphore_mem>>) src(%arg4 : memref<512xi32, #tpu.memory_space<hbm>>) dst(%arg8 : memref<512xi32, #tpu.memory_space<vmem>>)
        tpu.yield
      }) : () -> ()
      %broadcast_in_dim3A = arith.constant -3.000000e+38 : f32
      %broadcast_in_dim3A_4 = vector.broadcast %broadcast_in_dim3A : f32 to vector<16xf32>
      %broadcast_in_dim3A_5 = arith.constant 0 : i32
      %broadcast_in_dim3A_6 = vector.broadcast %broadcast_in_dim3A_5 : i32 to vector<16xi32>
      %scan3A = arith.constant 0 : i32
      %scan3A_7 = arith.constant 32 : i32
      %scan3A_8 = arith.addi %scan3A, %scan3A_7 : i32
      %scan3A_9 = arith.constant 1 : i32
      %scan3A_10:2 = scf.for %scan3A_367 = %scan3A to %scan3A_8 step %scan3A_9 iter_args(%scan3A_368 = %broadcast_in_dim3A_4, %scan3A_369 = %broadcast_in_dim3A_6) -> (vector<16xf32>, vector<16xi32>)  : i32 {
        %mul3A = arith.constant 16 : i32
        %mul3A_370 = arith.muli %scan3A_367, %mul3A : i32
        %get3A_371 = arith.index_cast %mul3A_370 : i32 to index
        %get3A_372 = tpu.vector_load %arg7[%get3A_371] {strides = array<i32>} : memref<512xf32, #tpu.memory_space<vmem>>, vector<16xf32>,
        %mul3A_373 = arith.constant 16 : i32
        %mul3A_374 = arith.muli %scan3A_367, %mul3A_373 : i32
        %get3A_375 = arith.index_cast %mul3A_374 : i32 to index
        %get3A_376 = tpu.vector_load %arg8[%get3A_375] {strides = array<i32>} : memref<512xi32, #tpu.memory_space<vmem>>, vector<16xi32>,
        %rev3A = arith.constant 15 : i32
        %rev3A_377 = vector.broadcast %rev3A : i32 to vector<16xi32>
        %rev3A_378 = tpu.iota {dimensions = array<i32: 0>} : vector<16xi32>
        %rev3A_379 = arith.subi %rev3A_377, %rev3A_378 : vector<16xi32>
        %rev3A_380 = tpu.dynamic_gather %get3A_372[%rev3A_379] in [0] : vector<16xf32>, vector<16xi32> -> vector<16xf32>
        %rev3A_381 = arith.constant 15 : i32
        %rev3A_382 = vector.broadcast %rev3A_381 : i32 to vector<16xi32>
        %rev3A_383 = tpu.iota {dimensions = array<i32: 0>} : vector<16xi32>
        %rev3A_384 = arith.subi %rev3A_382, %rev3A_383 : vector<16xi32>
        %rev3A_385 = tpu.dynamic_gather %get3A_376[%rev3A_384] in [0] : vector<16xi32>, vector<16xi32> -> vector<16xi32>
        %ge3A = arith.cmpf oge, %scan3A_368, %rev3A_380 : vector<16xf32>
        %select_n3A = arith.select %ge3A, %scan3A_368, %rev3A_380 : vector<16xi1>, vector<16xf32>
        %select_n3A_386 = arith.select %ge3A, %scan3A_369, %rev3A_385 : vector<16xi1>, vector<16xi32>
        %masked_sort3A = arith.constant dense<true> : vector<16xi1>
        %masked_sort3A_387, %masked_sort3A_388, %masked_sort3A_389 = tpu.sort %select_n3A, %select_n3A_386 masked %masked_sort3A {descending = true} : (vector<16xf32>, vector<16xi32>, vector<16xi1>) -> (vector<16xi1>, vector<16xf32>, vector<16xi32>)
        scf.yield %masked_sort3A_388, %masked_sort3A_389 : vector<16xf32>, vector<16xi32>
      }
      %scan3A_11 = arith.constant 32 : i32
      %swap3A = arith.constant 0 : index
      %swap3A_12 = tpu.vector_load %arg9[%swap3A] {strides = array<i32>} : memref<16xi32, #tpu.memory_space<vmem>>, vector<16xi32>,
      tpu.vector_store %arg9[%swap3A], %scan3A_10#1 {strides = array<i32>} : memref<16xi32, #tpu.memory_space<vmem>>, vector<16xi32>,
      "tpu.region"() ({
        %run_scoped3A = tpu.sem_alloc : memref<!tpu.dma_semaphore, #tpu.memory_space<semaphore_mem>>
        tpu.enqueue_dma source(%arg9 : memref<16xi32, #tpu.memory_space<vmem>>) target(%arg6 : memref<16xi32, #tpu.memory_space<hbm>>) target_semaphore(%run_scoped3A : memref<!tpu.dma_semaphore, #tpu.memory_space<semaphore_mem>>)
        tpu.wait_dma2 semaphore(%run_scoped3A : memref<!tpu.dma_semaphore, #tpu.memory_space<semaphore_mem>>) src(%arg9 : memref<16xi32, #tpu.memory_space<vmem>>) dst(%arg6 : memref<16xi32, #tpu.memory_space<hbm>>)
        tpu.yield
      }) : () -> ()
      %dma_start3A = arith.constant 0 : i32
      %dma_start3A_13 = arith.constant 0 : i32
      %dma_start3A_14 = tpu.memref_slice %arg2[%dma_start3A, %dma_start3A_13] : memref<100000x128xf32, #tpu.memory_space<hbm>> -> memref<100000x128xf32, #tpu.memory_space<hbm>>
      tpu.enqueue_indirect_dma source(%dma_start3A_14 : memref<100000x128xf32, #tpu.memory_space<hbm>>) target(%arg10 : memref<16x128xf32, #tpu.memory_space<vmem>>) offsets(%arg9 : memref<16xi32, #tpu.memory_space<vmem>>) semaphore(%arg12 : memref<!tpu.dma_semaphore, #tpu.memory_space<semaphore_mem>>)
      %dma_wait3A = arith.constant 0 : i32
      %dma_wait3A_15 = arith.constant 0 : i32
      %dma_wait3A_16 = tpu.memref_slice %arg2[%dma_wait3A, %dma_wait3A_15] : memref<100000x128xf32, #tpu.memory_space<hbm>> -> memref<100000x128xf32, #tpu.memory_space<hbm>>
      tpu.wait_indirect_dma semaphore(%arg12 : memref<!tpu.dma_semaphore, #tpu.memory_space<semaphore_mem>>) src(%dma_wait3A_16 : memref<100000x128xf32, #tpu.memory_space<hbm>>) dst(%arg10 : memref<16x128xf32, #tpu.memory_space<vmem>>)
      %broadcast_in_dim3A_17 = arith.constant 0.000000e+00 : f32
      %broadcast_in_dim3A_18 = vector.broadcast %broadcast_in_dim3A_17 : f32 to vector<16xf32>
      %get3A = arith.constant 0 : i32
      %get3A_19 = arith.index_cast %get3A : i32 to index
      %get3A_20 = arith.constant 0 : index
      %get3A_21 = tpu.vector_load %arg10[%get3A_19, %get3A_20] {strides = array<i32>} : memref<16x128xf32, #tpu.memory_space<vmem>>, vector<16xf32>,
      %add3A = arith.addf %broadcast_in_dim3A_18, %get3A_21 : vector<16xf32>
      %get3A_22 = arith.constant 1 : i32
      %get3A_23 = arith.index_cast %get3A_22 : i32 to index
      %get3A_24 = arith.constant 0 : index
      %get3A_25 = tpu.vector_load %arg10[%get3A_23, %get3A_24] {strides = array<i32>} : memref<16x128xf32, #tpu.memory_space<vmem>>, vector<16xf32>,
      %add3A_26 = arith.addf %add3A, %get3A_25 : vector<16xf32>
      %get3A_27 = arith.constant 2 : i32
      %get3A_28 = arith.index_cast %get3A_27 : i32 to index
      %get3A_29 = arith.constant 0 : index
      %get3A_30 = tpu.vector_load %arg10[%get3A_28, %get3A_29] {strides = array<i32>} : memref<16x128xf32, #tpu.memory_space<vmem>>, vector<16xf32>,
      %add3A_31 = arith.addf %add3A_26, %get3A_30 : vector<16xf32>
      %get3A_32 = arith.constant 3 : i32
      %get3A_33 = arith.index_cast %get3A_32 : i32 to index
      %get3A_34 = arith.constant 0 : index
      %get3A_35 = tpu.vector_load %arg10[%get3A_33, %get3A_34] {strides = array<i32>} : memref<16x128xf32, #tpu.memory_space<vmem>>, vector<16xf32>,
      %add3A_36 = arith.addf %add3A_31, %get3A_35 : vector<16xf32>
      %get3A_37 = arith.constant 4 : i32
      %get3A_38 = arith.index_cast %get3A_37 : i32 to index
      %get3A_39 = arith.constant 0 : index
      %get3A_40 = tpu.vector_load %arg10[%get3A_38, %get3A_39] {strides = array<i32>} : memref<16x128xf32, #tpu.memory_space<vmem>>, vector<16xf32>,
      %add3A_41 = arith.addf %add3A_36, %get3A_40 : vector<16xf32>
      %get3A_42 = arith.constant 5 : i32
      %get3A_43 = arith.index_cast %get3A_42 : i32 to index
      %get3A_44 = arith.constant 0 : index
      %get3A_45 = tpu.vector_load %arg10[%get3A_43, %get3A_44] {strides = array<i32>} : memref<16x128xf32, #tpu.memory_space<vmem>>, vector<16xf32>,
      %add3A_46 = arith.addf %add3A_41, %get3A_45 : vector<16xf32>
      %get3A_47 = arith.constant 6 : i32
      %get3A_48 = arith.index_cast %get3A_47 : i32 to index
      %get3A_49 = arith.constant 0 : index
      %get3A_50 = tpu.vector_load %arg10[%get3A_48, %get3A_49] {strides = array<i32>} : memref<16x128xf32, #tpu.memory_space<vmem>>, vector<16xf32>,
      %add3A_51 = arith.addf %add3A_46, %get3A_50 : vector<16xf32>
      %get3A_52 = arith.constant 7 : i32
      %get3A_53 = arith.index_cast %get3A_52 : i32 to index
      %get3A_54 = arith.constant 0 : index
      %get3A_55 = tpu.vector_load %arg10[%get3A_53, %get3A_54] {strides = array<i32>} : memref<16x128xf32, #tpu.memory_space<vmem>>, vector<16xf32>,
      %add3A_56 = arith.addf %add3A_51, %get3A_55 : vector<16xf32>
      %swap3A_57 = arith.constant 0 : index
      %swap3A_58 = tpu.vector_load %arg11[%swap3A_57] {strides = array<i32>} : memref<128xf32, #tpu.memory_space<vmem>>, vector<16xf32>,
      tpu.vector_store %arg11[%swap3A_57], %add3A_56 {strides = array<i32>} : memref<128xf32, #tpu.memory_space<vmem>>, vector<16xf32>,
      %broadcast_in_dim3A_59 = arith.constant 0.000000e+00 : f32
      %broadcast_in_dim3A_60 = vector.broadcast %broadcast_in_dim3A_59 : f32 to vector<16xf32>
      %get3A_61 = arith.constant 0 : i32
      %get3A_62 = arith.index_cast %get3A_61 : i32 to index
      %get3A_63 = arith.constant 16 : index
      %get3A_64 = tpu.vector_load %arg10[%get3A_62, %get3A_63] {strides = array<i32>} : memref<16x128xf32, #tpu.memory_space<vmem>>, vector<16xf32>,
      %add3A_65 = arith.addf %broadcast_in_dim3A_60, %get3A_64 : vector<16xf32>
      %get3A_66 = arith.constant 1 : i32
      %get3A_67 = arith.index_cast %get3A_66 : i32 to index
      %get3A_68 = arith.constant 16 : index
      %get3A_69 = tpu.vector_load %arg10[%get3A_67, %get3A_68] {strides = array<i32>} : memref<16x128xf32, #tpu.memory_space<vmem>>, vector<16xf32>,
      %add3A_70 = arith.addf %add3A_65, %get3A_69 : vector<16xf32>
      %get3A_71 = arith.constant 2 : i32
      %get3A_72 = arith.index_cast %get3A_71 : i32 to index
      %get3A_73 = arith.constant 16 : index
      %get3A_74 = tpu.vector_load %arg10[%get3A_72, %get3A_73] {strides = array<i32>} : memref<16x128xf32, #tpu.memory_space<vmem>>, vector<16xf32>,
      %add3A_75 = arith.addf %add3A_70, %get3A_74 : vector<16xf32>
      %get3A_76 = arith.constant 3 : i32
      %get3A_77 = arith.index_cast %get3A_76 : i32 to index
      %get3A_78 = arith.constant 16 : index
      %get3A_79 = tpu.vector_load %arg10[%get3A_77, %get3A_78] {strides = array<i32>} : memref<16x128xf32, #tpu.memory_space<vmem>>, vector<16xf32>,
      %add3A_80 = arith.addf %add3A_75, %get3A_79 : vector<16xf32>
      %get3A_81 = arith.constant 4 : i32
      %get3A_82 = arith.index_cast %get3A_81 : i32 to index
      %get3A_83 = arith.constant 16 : index
      %get3A_84 = tpu.vector_load %arg10[%get3A_82, %get3A_83] {strides = array<i32>} : memref<16x128xf32, #tpu.memory_space<vmem>>, vector<16xf32>,
      %add3A_85 = arith.addf %add3A_80, %get3A_84 : vector<16xf32>
      %get3A_86 = arith.constant 5 : i32
      %get3A_87 = arith.index_cast %get3A_86 : i32 to index
      %get3A_88 = arith.constant 16 : index
      %get3A_89 = tpu.vector_load %arg10[%get3A_87, %get3A_88] {strides = array<i32>} : memref<16x128xf32, #tpu.memory_space<vmem>>, vector<16xf32>,
      %add3A_90 = arith.addf %add3A_85, %get3A_89 : vector<16xf32>
      %get3A_91 = arith.constant 6 : i32
      %get3A_92 = arith.index_cast %get3A_91 : i32 to index
      %get3A_93 = arith.constant 16 : index
      %get3A_94 = tpu.vector_load %arg10[%get3A_92, %get3A_93] {strides = array<i32>} : memref<16x128xf32, #tpu.memory_space<vmem>>, vector<16xf32>,
      %add3A_95 = arith.addf %add3A_90, %get3A_94 : vector<16xf32>
      %get3A_96 = arith.constant 7 : i32
      %get3A_97 = arith.index_cast %get3A_96 : i32 to index
      %get3A_98 = arith.constant 16 : index
      %get3A_99 = tpu.vector_load %arg10[%get3A_97, %get3A_98] {strides = array<i32>} : memref<16x128xf32, #tpu.memory_space<vmem>>, vector<16xf32>,
      %add3A_100 = arith.addf %add3A_95, %get3A_99 : vector<16xf32>
      %swap3A_101 = arith.constant 16 : index
      %swap3A_102 = tpu.vector_load %arg11[%swap3A_101] {strides = array<i32>} : memref<128xf32, #tpu.memory_space<vmem>>, vector<16xf32>,
      tpu.vector_store %arg11[%swap3A_101], %add3A_100 {strides = array<i32>} : memref<128xf32, #tpu.memory_space<vmem>>, vector<16xf32>,
      %broadcast_in_dim3A_103 = arith.constant 0.000000e+00 : f32
      %broadcast_in_dim3A_104 = vector.broadcast %broadcast_in_dim3A_103 : f32 to vector<16xf32>
      %get3A_105 = arith.constant 0 : i32
      %get3A_106 = arith.index_cast %get3A_105 : i32 to index
      %get3A_107 = arith.constant 32 : index
      %get3A_108 = tpu.vector_load %arg10[%get3A_106, %get3A_107] {strides = array<i32>} : memref<16x128xf32, #tpu.memory_space<vmem>>, vector<16xf32>,
      %add3A_109 = arith.addf %broadcast_in_dim3A_104, %get3A_108 : vector<16xf32>
      %get3A_110 = arith.constant 1 : i32
      %get3A_111 = arith.index_cast %get3A_110 : i32 to index
      %get3A_112 = arith.constant 32 : index
      %get3A_113 = tpu.vector_load %arg10[%get3A_111, %get3A_112] {strides = array<i32>} : memref<16x128xf32, #tpu.memory_space<vmem>>, vector<16xf32>,
      %add3A_114 = arith.addf %add3A_109, %get3A_113 : vector<16xf32>
      %get3A_115 = arith.constant 2 : i32
      %get3A_116 = arith.index_cast %get3A_115 : i32 to index
      %get3A_117 = arith.constant 32 : index
      %get3A_118 = tpu.vector_load %arg10[%get3A_116, %get3A_117] {strides = array<i32>} : memref<16x128xf32, #tpu.memory_space<vmem>>, vector<16xf32>,
      %add3A_119 = arith.addf %add3A_114, %get3A_118 : vector<16xf32>
      %get3A_120 = arith.constant 3 : i32
      %get3A_121 = arith.index_cast %get3A_120 : i32 to index
      %get3A_122 = arith.constant 32 : index
      %get3A_123 = tpu.vector_load %arg10[%get3A_121, %get3A_122] {strides = array<i32>} : memref<16x128xf32, #tpu.memory_space<vmem>>, vector<16xf32>,
      %add3A_124 = arith.addf %add3A_119, %get3A_123 : vector<16xf32>
      %get3A_125 = arith.constant 4 : i32
      %get3A_126 = arith.index_cast %get3A_125 : i32 to index
      %get3A_127 = arith.constant 32 : index
      %get3A_128 = tpu.vector_load %arg10[%get3A_126, %get3A_127] {strides = array<i32>} : memref<16x128xf32, #tpu.memory_space<vmem>>, vector<16xf32>,
      %add3A_129 = arith.addf %add3A_124, %get3A_128 : vector<16xf32>
      %get3A_130 = arith.constant 5 : i32
      %get3A_131 = arith.index_cast %get3A_130 : i32 to index
      %get3A_132 = arith.constant 32 : index
      %get3A_133 = tpu.vector_load %arg10[%get3A_131, %get3A_132] {strides = array<i32>} : memref<16x128xf32, #tpu.memory_space<vmem>>, vector<16xf32>,
      %add3A_134 = arith.addf %add3A_129, %get3A_133 : vector<16xf32>
      %get3A_135 = arith.constant 6 : i32
      %get3A_136 = arith.index_cast %get3A_135 : i32 to index
      %get3A_137 = arith.constant 32 : index
      %get3A_138 = tpu.vector_load %arg10[%get3A_136, %get3A_137] {strides = array<i32>} : memref<16x128xf32, #tpu.memory_space<vmem>>, vector<16xf32>,
      %add3A_139 = arith.addf %add3A_134, %get3A_138 : vector<16xf32>
      %get3A_140 = arith.constant 7 : i32
      %get3A_141 = arith.index_cast %get3A_140 : i32 to index
      %get3A_142 = arith.constant 32 : index
      %get3A_143 = tpu.vector_load %arg10[%get3A_141, %get3A_142] {strides = array<i32>} : memref<16x128xf32, #tpu.memory_space<vmem>>, vector<16xf32>,
      %add3A_144 = arith.addf %add3A_139, %get3A_143 : vector<16xf32>
      %swap3A_145 = arith.constant 32 : index
      %swap3A_146 = tpu.vector_load %arg11[%swap3A_145] {strides = array<i32>} : memref<128xf32, #tpu.memory_space<vmem>>, vector<16xf32>,
      tpu.vector_store %arg11[%swap3A_145], %add3A_144 {strides = array<i32>} : memref<128xf32, #tpu.memory_space<vmem>>, vector<16xf32>,
      %broadcast_in_dim3A_147 = arith.constant 0.000000e+00 : f32
      %broadcast_in_dim3A_148 = vector.broadcast %broadcast_in_dim3A_147 : f32 to vector<16xf32>
      %get3A_149 = arith.constant 0 : i32
      %get3A_150 = arith.index_cast %get3A_149 : i32 to index
      %get3A_151 = arith.constant 48 : index
      %get3A_152 = tpu.vector_load %arg10[%get3A_150, %get3A_151] {strides = array<i32>} : memref<16x128xf32, #tpu.memory_space<vmem>>, vector<16xf32>,
      %add3A_153 = arith.addf %broadcast_in_dim3A_148, %get3A_152 : vector<16xf32>
      %get3A_154 = arith.constant 1 : i32
      %get3A_155 = arith.index_cast %get3A_154 : i32 to index
      %get3A_156 = arith.constant 48 : index
      %get3A_157 = tpu.vector_load %arg10[%get3A_155, %get3A_156] {strides = array<i32>} : memref<16x128xf32, #tpu.memory_space<vmem>>, vector<16xf32>,
      %add3A_158 = arith.addf %add3A_153, %get3A_157 : vector<16xf32>
      %get3A_159 = arith.constant 2 : i32
      %get3A_160 = arith.index_cast %get3A_159 : i32 to index
      %get3A_161 = arith.constant 48 : index
      %get3A_162 = tpu.vector_load %arg10[%get3A_160, %get3A_161] {strides = array<i32>} : memref<16x128xf32, #tpu.memory_space<vmem>>, vector<16xf32>,
      %add3A_163 = arith.addf %add3A_158, %get3A_162 : vector<16xf32>
      %get3A_164 = arith.constant 3 : i32
      %get3A_165 = arith.index_cast %get3A_164 : i32 to index
      %get3A_166 = arith.constant 48 : index
      %get3A_167 = tpu.vector_load %arg10[%get3A_165, %get3A_166] {strides = array<i32>} : memref<16x128xf32, #tpu.memory_space<vmem>>, vector<16xf32>,
      %add3A_168 = arith.addf %add3A_163, %get3A_167 : vector<16xf32>
      %get3A_169 = arith.constant 4 : i32
      %get3A_170 = arith.index_cast %get3A_169 : i32 to index
      %get3A_171 = arith.constant 48 : index
      %get3A_172 = tpu.vector_load %arg10[%get3A_170, %get3A_171] {strides = array<i32>} : memref<16x128xf32, #tpu.memory_space<vmem>>, vector<16xf32>,
      %add3A_173 = arith.addf %add3A_168, %get3A_172 : vector<16xf32>
      %get3A_174 = arith.constant 5 : i32
      %get3A_175 = arith.index_cast %get3A_174 : i32 to index
      %get3A_176 = arith.constant 48 : index
      %get3A_177 = tpu.vector_load %arg10[%get3A_175, %get3A_176] {strides = array<i32>} : memref<16x128xf32, #tpu.memory_space<vmem>>, vector<16xf32>,
      %add3A_178 = arith.addf %add3A_173, %get3A_177 : vector<16xf32>
      %get3A_179 = arith.constant 6 : i32
      %get3A_180 = arith.index_cast %get3A_179 : i32 to index
      %get3A_181 = arith.constant 48 : index
      %get3A_182 = tpu.vector_load %arg10[%get3A_180, %get3A_181] {strides = array<i32>} : memref<16x128xf32, #tpu.memory_space<vmem>>, vector<16xf32>,
      %add3A_183 = arith.addf %add3A_178, %get3A_182 : vector<16xf32>
      %get3A_184 = arith.constant 7 : i32
      %get3A_185 = arith.index_cast %get3A_184 : i32 to index
      %get3A_186 = arith.constant 48 : index
      %get3A_187 = tpu.vector_load %arg10[%get3A_185, %get3A_186] {strides = array<i32>} : memref<16x128xf32, #tpu.memory_space<vmem>>, vector<16xf32>,
      %add3A_188 = arith.addf %add3A_183, %get3A_187 : vector<16xf32>
      %swap3A_189 = arith.constant 48 : index
      %swap3A_190 = tpu.vector_load %arg11[%swap3A_189] {strides = array<i32>} : memref<128xf32, #tpu.memory_space<vmem>>, vector<16xf32>,
      tpu.vector_store %arg11[%swap3A_189], %add3A_188 {strides = array<i32>} : memref<128xf32, #tpu.memory_space<vmem>>, vector<16xf32>,
      %broadcast_in_dim3A_191 = arith.constant 0.000000e+00 : f32
      %broadcast_in_dim3A_192 = vector.broadcast %broadcast_in_dim3A_191 : f32 to vector<16xf32>
      %get3A_193 = arith.constant 0 : i32
      %get3A_194 = arith.index_cast %get3A_193 : i32 to index
      %get3A_195 = arith.constant 64 : index
      %get3A_196 = tpu.vector_load %arg10[%get3A_194, %get3A_195] {strides = array<i32>} : memref<16x128xf32, #tpu.memory_space<vmem>>, vector<16xf32>,
      %add3A_197 = arith.addf %broadcast_in_dim3A_192, %get3A_196 : vector<16xf32>
      %get3A_198 = arith.constant 1 : i32
      %get3A_199 = arith.index_cast %get3A_198 : i32 to index
      %get3A_200 = arith.constant 64 : index
      %get3A_201 = tpu.vector_load %arg10[%get3A_199, %get3A_200] {strides = array<i32>} : memref<16x128xf32, #tpu.memory_space<vmem>>, vector<16xf32>,
      %add3A_202 = arith.addf %add3A_197, %get3A_201 : vector<16xf32>
      %get3A_203 = arith.constant 2 : i32
      %get3A_204 = arith.index_cast %get3A_203 : i32 to index
      %get3A_205 = arith.constant 64 : index
      %get3A_206 = tpu.vector_load %arg10[%get3A_204, %get3A_205] {strides = array<i32>} : memref<16x128xf32, #tpu.memory_space<vmem>>, vector<16xf32>,
      %add3A_207 = arith.addf %add3A_202, %get3A_206 : vector<16xf32>
      %get3A_208 = arith.constant 3 : i32
      %get3A_209 = arith.index_cast %get3A_208 : i32 to index
      %get3A_210 = arith.constant 64 : index
      %get3A_211 = tpu.vector_load %arg10[%get3A_209, %get3A_210] {strides = array<i32>} : memref<16x128xf32, #tpu.memory_space<vmem>>, vector<16xf32>,
      %add3A_212 = arith.addf %add3A_207, %get3A_211 : vector<16xf32>
      %get3A_213 = arith.constant 4 : i32
      %get3A_214 = arith.index_cast %get3A_213 : i32 to index
      %get3A_215 = arith.constant 64 : index
      %get3A_216 = tpu.vector_load %arg10[%get3A_214, %get3A_215] {strides = array<i32>} : memref<16x128xf32, #tpu.memory_space<vmem>>, vector<16xf32>,
      %add3A_217 = arith.addf %add3A_212, %get3A_216 : vector<16xf32>
      %get3A_218 = arith.constant 5 : i32
      %get3A_219 = arith.index_cast %get3A_218 : i32 to index
      %get3A_220 = arith.constant 64 : index
      %get3A_221 = tpu.vector_load %arg10[%get3A_219, %get3A_220] {strides = array<i32>} : memref<16x128xf32, #tpu.memory_space<vmem>>, vector<16xf32>,
      %add3A_222 = arith.addf %add3A_217, %get3A_221 : vector<16xf32>
      %get3A_223 = arith.constant 6 : i32
      %get3A_224 = arith.index_cast %get3A_223 : i32 to index
      %get3A_225 = arith.constant 64 : index
      %get3A_226 = tpu.vector_load %arg10[%get3A_224, %get3A_225] {strides = array<i32>} : memref<16x128xf32, #tpu.memory_space<vmem>>, vector<16xf32>,
      %add3A_227 = arith.addf %add3A_222, %get3A_226 : vector<16xf32>
      %get3A_228 = arith.constant 7 : i32
      %get3A_229 = arith.index_cast %get3A_228 : i32 to index
      %get3A_230 = arith.constant 64 : index
      %get3A_231 = tpu.vector_load %arg10[%get3A_229, %get3A_230] {strides = array<i32>} : memref<16x128xf32, #tpu.memory_space<vmem>>, vector<16xf32>,
      %add3A_232 = arith.addf %add3A_227, %get3A_231 : vector<16xf32>
      %swap3A_233 = arith.constant 64 : index
      %swap3A_234 = tpu.vector_load %arg11[%swap3A_233] {strides = array<i32>} : memref<128xf32, #tpu.memory_space<vmem>>, vector<16xf32>,
      tpu.vector_store %arg11[%swap3A_233], %add3A_232 {strides = array<i32>} : memref<128xf32, #tpu.memory_space<vmem>>, vector<16xf32>,
      %broadcast_in_dim3A_235 = arith.constant 0.000000e+00 : f32
      %broadcast_in_dim3A_236 = vector.broadcast %broadcast_in_dim3A_235 : f32 to vector<16xf32>
      %get3A_237 = arith.constant 0 : i32
      %get3A_238 = arith.index_cast %get3A_237 : i32 to index
      %get3A_239 = arith.constant 80 : index
      %get3A_240 = tpu.vector_load %arg10[%get3A_238, %get3A_239] {strides = array<i32>} : memref<16x128xf32, #tpu.memory_space<vmem>>, vector<16xf32>,
      %add3A_241 = arith.addf %broadcast_in_dim3A_236, %get3A_240 : vector<16xf32>
      %get3A_242 = arith.constant 1 : i32
      %get3A_243 = arith.index_cast %get3A_242 : i32 to index
      %get3A_244 = arith.constant 80 : index
      %get3A_245 = tpu.vector_load %arg10[%get3A_243, %get3A_244] {strides = array<i32>} : memref<16x128xf32, #tpu.memory_space<vmem>>, vector<16xf32>,
      %add3A_246 = arith.addf %add3A_241, %get3A_245 : vector<16xf32>
      %get3A_247 = arith.constant 2 : i32
      %get3A_248 = arith.index_cast %get3A_247 : i32 to index
      %get3A_249 = arith.constant 80 : index
      %get3A_250 = tpu.vector_load %arg10[%get3A_248, %get3A_249] {strides = array<i32>} : memref<16x128xf32, #tpu.memory_space<vmem>>, vector<16xf32>,
      %add3A_251 = arith.addf %add3A_246, %get3A_250 : vector<16xf32>
      %get3A_252 = arith.constant 3 : i32
      %get3A_253 = arith.index_cast %get3A_252 : i32 to index
      %get3A_254 = arith.constant 80 : index
      %get3A_255 = tpu.vector_load %arg10[%get3A_253, %get3A_254] {strides = array<i32>} : memref<16x128xf32, #tpu.memory_space<vmem>>, vector<16xf32>,
      %add3A_256 = arith.addf %add3A_251, %get3A_255 : vector<16xf32>
      %get3A_257 = arith.constant 4 : i32
      %get3A_258 = arith.index_cast %get3A_257 : i32 to index
      %get3A_259 = arith.constant 80 : index
      %get3A_260 = tpu.vector_load %arg10[%get3A_258, %get3A_259] {strides = array<i32>} : memref<16x128xf32, #tpu.memory_space<vmem>>, vector<16xf32>,
      %add3A_261 = arith.addf %add3A_256, %get3A_260 : vector<16xf32>
      %get3A_262 = arith.constant 5 : i32
      %get3A_263 = arith.index_cast %get3A_262 : i32 to index
      %get3A_264 = arith.constant 80 : index
      %get3A_265 = tpu.vector_load %arg10[%get3A_263, %get3A_264] {strides = array<i32>} : memref<16x128xf32, #tpu.memory_space<vmem>>, vector<16xf32>,
      %add3A_266 = arith.addf %add3A_261, %get3A_265 : vector<16xf32>
      %get3A_267 = arith.constant 6 : i32
      %get3A_268 = arith.index_cast %get3A_267 : i32 to index
      %get3A_269 = arith.constant 80 : index
      %get3A_270 = tpu.vector_load %arg10[%get3A_268, %get3A_269] {strides = array<i32>} : memref<16x128xf32, #tpu.memory_space<vmem>>, vector<16xf32>,
      %add3A_271 = arith.addf %add3A_266, %get3A_270 : vector<16xf32>
      %get3A_272 = arith.constant 7 : i32
      %get3A_273 = arith.index_cast %get3A_272 : i32 to index
      %get3A_274 = arith.constant 80 : index
      %get3A_275 = tpu.vector_load %arg10[%get3A_273, %get3A_274] {strides = array<i32>} : memref<16x128xf32, #tpu.memory_space<vmem>>, vector<16xf32>,
      %add3A_276 = arith.addf %add3A_271, %get3A_275 : vector<16xf32>
      %swap3A_277 = arith.constant 80 : index
      %swap3A_278 = tpu.vector_load %arg11[%swap3A_277] {strides = array<i32>} : memref<128xf32, #tpu.memory_space<vmem>>, vector<16xf32>,
      tpu.vector_store %arg11[%swap3A_277], %add3A_276 {strides = array<i32>} : memref<128xf32, #tpu.memory_space<vmem>>, vector<16xf32>,
      %broadcast_in_dim3A_279 = arith.constant 0.000000e+00 : f32
      %broadcast_in_dim3A_280 = vector.broadcast %broadcast_in_dim3A_279 : f32 to vector<16xf32>
      %get3A_281 = arith.constant 0 : i32
      %get3A_282 = arith.index_cast %get3A_281 : i32 to index
      %get3A_283 = arith.constant 96 : index
      %get3A_284 = tpu.vector_load %arg10[%get3A_282, %get3A_283] {strides = array<i32>} : memref<16x128xf32, #tpu.memory_space<vmem>>, vector<16xf32>,
      %add3A_285 = arith.addf %broadcast_in_dim3A_280, %get3A_284 : vector<16xf32>
      %get3A_286 = arith.constant 1 : i32
      %get3A_287 = arith.index_cast %get3A_286 : i32 to index
      %get3A_288 = arith.constant 96 : index
      %get3A_289 = tpu.vector_load %arg10[%get3A_287, %get3A_288] {strides = array<i32>} : memref<16x128xf32, #tpu.memory_space<vmem>>, vector<16xf32>,
      %add3A_290 = arith.addf %add3A_285, %get3A_289 : vector<16xf32>
      %get3A_291 = arith.constant 2 : i32
      %get3A_292 = arith.index_cast %get3A_291 : i32 to index
      %get3A_293 = arith.constant 96 : index
      %get3A_294 = tpu.vector_load %arg10[%get3A_292, %get3A_293] {strides = array<i32>} : memref<16x128xf32, #tpu.memory_space<vmem>>, vector<16xf32>,
      %add3A_295 = arith.addf %add3A_290, %get3A_294 : vector<16xf32>
      %get3A_296 = arith.constant 3 : i32
      %get3A_297 = arith.index_cast %get3A_296 : i32 to index
      %get3A_298 = arith.constant 96 : index
      %get3A_299 = tpu.vector_load %arg10[%get3A_297, %get3A_298] {strides = array<i32>} : memref<16x128xf32, #tpu.memory_space<vmem>>, vector<16xf32>,
      %add3A_300 = arith.addf %add3A_295, %get3A_299 : vector<16xf32>
      %get3A_301 = arith.constant 4 : i32
      %get3A_302 = arith.index_cast %get3A_301 : i32 to index
      %get3A_303 = arith.constant 96 : index
      %get3A_304 = tpu.vector_load %arg10[%get3A_302, %get3A_303] {strides = array<i32>} : memref<16x128xf32, #tpu.memory_space<vmem>>, vector<16xf32>,
      %add3A_305 = arith.addf %add3A_300, %get3A_304 : vector<16xf32>
      %get3A_306 = arith.constant 5 : i32
      %get3A_307 = arith.index_cast %get3A_306 : i32 to index
      %get3A_308 = arith.constant 96 : index
      %get3A_309 = tpu.vector_load %arg10[%get3A_307, %get3A_308] {strides = array<i32>} : memref<16x128xf32, #tpu.memory_space<vmem>>, vector<16xf32>,
      %add3A_310 = arith.addf %add3A_305, %get3A_309 : vector<16xf32>
      %get3A_311 = arith.constant 6 : i32
      %get3A_312 = arith.index_cast %get3A_311 : i32 to index
      %get3A_313 = arith.constant 96 : index
      %get3A_314 = tpu.vector_load %arg10[%get3A_312, %get3A_313] {strides = array<i32>} : memref<16x128xf32, #tpu.memory_space<vmem>>, vector<16xf32>,
      %add3A_315 = arith.addf %add3A_310, %get3A_314 : vector<16xf32>
      %get3A_316 = arith.constant 7 : i32
      %get3A_317 = arith.index_cast %get3A_316 : i32 to index
      %get3A_318 = arith.constant 96 : index
      %get3A_319 = tpu.vector_load %arg10[%get3A_317, %get3A_318] {strides = array<i32>} : memref<16x128xf32, #tpu.memory_space<vmem>>, vector<16xf32>,
      %add3A_320 = arith.addf %add3A_315, %get3A_319 : vector<16xf32>
      %swap3A_321 = arith.constant 96 : index
      %swap3A_322 = tpu.vector_load %arg11[%swap3A_321] {strides = array<i32>} : memref<128xf32, #tpu.memory_space<vmem>>, vector<16xf32>,
      tpu.vector_store %arg11[%swap3A_321], %add3A_320 {strides = array<i32>} : memref<128xf32, #tpu.memory_space<vmem>>, vector<16xf32>,
      %broadcast_in_dim3A_323 = arith.constant 0.000000e+00 : f32
      %broadcast_in_dim3A_324 = vector.broadcast %broadcast_in_dim3A_323 : f32 to vector<16xf32>
      %get3A_325 = arith.constant 0 : i32
      %get3A_326 = arith.index_cast %get3A_325 : i32 to index
      %get3A_327 = arith.constant 112 : index
      %get3A_328 = tpu.vector_load %arg10[%get3A_326, %get3A_327] {strides = array<i32>} : memref<16x128xf32, #tpu.memory_space<vmem>>, vector<16xf32>,
      %add3A_329 = arith.addf %broadcast_in_dim3A_324, %get3A_328 : vector<16xf32>
      %get3A_330 = arith.constant 1 : i32
      %get3A_331 = arith.index_cast %get3A_330 : i32 to index
      %get3A_332 = arith.constant 112 : index
      %get3A_333 = tpu.vector_load %arg10[%get3A_331, %get3A_332] {strides = array<i32>} : memref<16x128xf32, #tpu.memory_space<vmem>>, vector<16xf32>,
      %add3A_334 = arith.addf %add3A_329, %get3A_333 : vector<16xf32>
      %get3A_335 = arith.constant 2 : i32
      %get3A_336 = arith.index_cast %get3A_335 : i32 to index
      %get3A_337 = arith.constant 112 : index
      %get3A_338 = tpu.vector_load %arg10[%get3A_336, %get3A_337] {strides = array<i32>} : memref<16x128xf32, #tpu.memory_space<vmem>>, vector<16xf32>,
      %add3A_339 = arith.addf %add3A_334, %get3A_338 : vector<16xf32>
      %get3A_340 = arith.constant 3 : i32
      %get3A_341 = arith.index_cast %get3A_340 : i32 to index
      %get3A_342 = arith.constant 112 : index
      %get3A_343 = tpu.vector_load %arg10[%get3A_341, %get3A_342] {strides = array<i32>} : memref<16x128xf32, #tpu.memory_space<vmem>>, vector<16xf32>,
      %add3A_344 = arith.addf %add3A_339, %get3A_343 : vector<16xf32>
      %get3A_345 = arith.constant 4 : i32
      %get3A_346 = arith.index_cast %get3A_345 : i32 to index
      %get3A_347 = arith.constant 112 : index
      %get3A_348 = tpu.vector_load %arg10[%get3A_346, %get3A_347] {strides = array<i32>} : memref<16x128xf32, #tpu.memory_space<vmem>>, vector<16xf32>,
      %add3A_349 = arith.addf %add3A_344, %get3A_348 : vector<16xf32>
      %get3A_350 = arith.constant 5 : i32
      %get3A_351 = arith.index_cast %get3A_350 : i32 to index
      %get3A_352 = arith.constant 112 : index
      %get3A_353 = tpu.vector_load %arg10[%get3A_351, %get3A_352] {strides = array<i32>} : memref<16x128xf32, #tpu.memory_space<vmem>>, vector<16xf32>,
      %add3A_354 = arith.addf %add3A_349, %get3A_353 : vector<16xf32>
      %get3A_355 = arith.constant 6 : i32
      %get3A_356 = arith.index_cast %get3A_355 : i32 to index
      %get3A_357 = arith.constant 112 : index
      %get3A_358 = tpu.vector_load %arg10[%get3A_356, %get3A_357] {strides = array<i32>} : memref<16x128xf32, #tpu.memory_space<vmem>>, vector<16xf32>,
      %add3A_359 = arith.addf %add3A_354, %get3A_358 : vector<16xf32>
      %get3A_360 = arith.constant 7 : i32
      %get3A_361 = arith.index_cast %get3A_360 : i32 to index
      %get3A_362 = arith.constant 112 : index
      %get3A_363 = tpu.vector_load %arg10[%get3A_361, %get3A_362] {strides = array<i32>} : memref<16x128xf32, #tpu.memory_space<vmem>>, vector<16xf32>,
      %add3A_364 = arith.addf %add3A_359, %get3A_363 : vector<16xf32>
      %swap3A_365 = arith.constant 112 : index
      %swap3A_366 = tpu.vector_load %arg11[%swap3A_365] {strides = array<i32>} : memref<128xf32, #tpu.memory_space<vmem>>, vector<16xf32>,
      tpu.vector_store %arg11[%swap3A_365], %add3A_364 {strides = array<i32>} : memref<128xf32, #tpu.memory_space<vmem>>, vector<16xf32>,
      "tpu.region"() ({
        %run_scoped3A = tpu.sem_alloc : memref<!tpu.dma_semaphore, #tpu.memory_space<semaphore_mem>>
        tpu.enqueue_dma source(%arg11 : memref<128xf32, #tpu.memory_space<vmem>>) target(%arg5 : memref<128xf32, #tpu.memory_space<hbm>>) target_semaphore(%run_scoped3A : memref<!tpu.dma_semaphore, #tpu.memory_space<semaphore_mem>>)
        tpu.wait_dma2 semaphore(%run_scoped3A : memref<!tpu.dma_semaphore, #tpu.memory_space<semaphore_mem>>) src(%arg11 : memref<128xf32, #tpu.memory_space<vmem>>) dst(%arg5 : memref<128xf32, #tpu.memory_space<hbm>>)
        tpu.yield
      }) : () -> ()
    } else {
    }
    return
  }
}

#map = affine_map<(d0, d1) -> (0, 0)>
#map1 = affine_map<(d0, d1) -> (0)>
module attributes {stable_mosaic.version = 14 : i64} {
  func.func @scan_k(%arg0: i32, %arg1: i32, %arg2: memref<100000x128xf32, #tpu.memory_space<hbm>>, %arg3: memref<128xf32, #tpu.memory_space<hbm>>, %arg4: memref<512xf32, #tpu.memory_space<hbm>>, %arg5: memref<512xi32, #tpu.memory_space<hbm>>, %arg6: memref<2x128x128xf32, #tpu.memory_space<vmem>>, %arg7: memref<128xf32, #tpu.memory_space<vmem>>, %arg8: memref<2048xf32, #tpu.memory_space<vmem>>, %arg9: memref<16xf32, #tpu.memory_space<vmem>>, %arg10: memref<16xi32, #tpu.memory_space<vmem>>, %arg11: memref<!tpu.dma_semaphore, #tpu.memory_space<semaphore_mem>>, %arg12: memref<!tpu.dma_semaphore, #tpu.memory_space<semaphore_mem>>) attributes {dimension_semantics = [#tpu.dimension_semantics<core_parallel>, #tpu.dimension_semantics<subcore_parallel>], iteration_bounds = array<i64: 2, 16>, scalar_prefetch = 0 : i64, scratch_operands = 7 : i64, tpu.core_type = #tpu.core_type<sc_vector_subcore>, window_params = [{transform_indices = #map}, {transform_indices = #map1}, {transform_indices = #map1}, {transform_indices = #map1}]} {
    %mul3A = arith.constant 2 : i32
    %mul3A_0 = arith.muli %arg1, %mul3A : i32
    %add3A = arith.addi %mul3A_0, %arg0 : i32
    %iota3A = tpu.iota {dimensions = array<i32: 0>} : vector<16xi32>
    "tpu.region"() ({
      %run_scoped3A = tpu.sem_alloc : memref<!tpu.dma_semaphore, #tpu.memory_space<semaphore_mem>>
      tpu.enqueue_dma source(%arg3 : memref<128xf32, #tpu.memory_space<hbm>>) target(%arg7 : memref<128xf32, #tpu.memory_space<vmem>>) target_semaphore(%run_scoped3A : memref<!tpu.dma_semaphore, #tpu.memory_space<semaphore_mem>>)
      tpu.wait_dma2 semaphore(%run_scoped3A : memref<!tpu.dma_semaphore, #tpu.memory_space<semaphore_mem>>) src(%arg3 : memref<128xf32, #tpu.memory_space<hbm>>) dst(%arg7 : memref<128xf32, #tpu.memory_space<vmem>>)
      tpu.yield
    }) : () -> ()
    %scan3A = arith.constant 0 : i32
    %scan3A_1 = arith.constant 0 : i32
    %scan3A_2 = arith.constant 128 : i32
    %scan3A_3 = arith.addi %scan3A_1, %scan3A_2 : i32
    %scan3A_4 = arith.constant 1 : i32
    scf.for %scan3A_446 = %scan3A_1 to %scan3A_3 step %scan3A_4  : i32 {
      %add3A_447 = vector.broadcast %scan3A_446 : i32 to vector<16xi32>
      %add3A_448 = arith.addi %add3A_447, %iota3A : vector<16xi32>
      %and3A_449 = arith.constant 127 : i32
      %and3A_450 = vector.broadcast %and3A_449 : i32 to vector<16xi32>
      %and3A_451 = arith.andi %add3A_448, %and3A_450 : vector<16xi32>
      %gather3A = tpu.vector_load_idx %arg7[%and3A_451] : memref<128xf32, #tpu.memory_space<vmem>>[vector<16xi32>], vector<16xf32>,
      %mul3A_452 = arith.constant 16 : i32
      %mul3A_453 = arith.muli %scan3A_446, %mul3A_452 : i32
      %swap3A_454 = arith.index_cast %mul3A_453 : i32 to index
      %swap3A_455 = tpu.vector_load %arg8[%swap3A_454] {strides = array<i32>} : memref<2048xf32, #tpu.memory_space<vmem>>, vector<16xf32>,
      tpu.vector_store %arg8[%swap3A_454], %gather3A {strides = array<i32>} : memref<2048xf32, #tpu.memory_space<vmem>>, vector<16xf32>,
    }
    %scan3A_5 = arith.constant 128 : i32
    %broadcast_in_dim3A = arith.constant -3.000000e+38 : f32
    %broadcast_in_dim3A_6 = vector.broadcast %broadcast_in_dim3A : f32 to vector<16xf32>
    %broadcast_in_dim3A_7 = arith.constant 0 : i32
    %broadcast_in_dim3A_8 = vector.broadcast %broadcast_in_dim3A_7 : i32 to vector<16xi32>
    %add3A_9 = arith.constant 0 : i32
    %add3A_10 = arith.addi %add3A, %add3A_9 : i32
    %min3A = arith.constant 781 : i32
    %min3A_11 = arith.minsi %add3A_10, %min3A : i32
    %mul3A_12 = arith.constant 128 : i32
    %mul3A_13 = arith.muli %min3A_11, %mul3A_12 : i32
    %min3A_14 = arith.constant 99872 : i32
    %min3A_15 = arith.minsi %mul3A_13, %min3A_14 : i32
    %multiple_of3A = tpu.assume_multiple %min3A_15, 8 : i32
    %dma_start3A = arith.constant 0 : i32
    %dma_start3A_16 = arith.constant 0 : i32
    %dma_start3A_17 = arith.constant 0 : i32
    %dma_start3A_18 = tpu.memref_slice %arg6[%dma_start3A, %dma_start3A_16, %dma_start3A_17] : memref<2x128x128xf32, #tpu.memory_space<vmem>> -> memref<1x128x128xf32, #tpu.memory_space<vmem>>
    %dma_start3A_19 = tpu.memref_squeeze %dma_start3A_18 : memref<1x128x128xf32, #tpu.memory_space<vmem>> -> memref<128x128xf32, #tpu.memory_space<vmem>>
    %dma_start3A_20 = arith.constant 0 : i32
    %dma_start3A_21 = tpu.memref_slice %arg2[%multiple_of3A, %dma_start3A_20] : memref<100000x128xf32, #tpu.memory_space<hbm>> -> memref<128x128xf32, #tpu.memory_space<hbm>>
    %dma_start3A_22 = arith.constant 0 : i32
    %dma_start3A_23 = arith.constant 0 : i32
    %dma_start3A_24 = tpu.memref_slice %arg6[%dma_start3A, %dma_start3A_22, %dma_start3A_23] : memref<2x128x128xf32, #tpu.memory_space<vmem>> -> memref<1x128x128xf32, #tpu.memory_space<vmem>>
    %dma_start3A_25 = tpu.memref_squeeze %dma_start3A_24 : memref<1x128x128xf32, #tpu.memory_space<vmem>> -> memref<128x128xf32, #tpu.memory_space<vmem>>
    %dma_start3A_26 = arith.constant 0 : i32
    %dma_start3A_27 = tpu.memref_slice %arg2[%multiple_of3A, %dma_start3A_26] : memref<100000x128xf32, #tpu.memory_space<hbm>> -> memref<128x128xf32, #tpu.memory_space<hbm>>
    tpu.enqueue_dma source(%dma_start3A_27 : memref<128x128xf32, #tpu.memory_space<hbm>>) target(%dma_start3A_25 : memref<128x128xf32, #tpu.memory_space<vmem>>) target_semaphore(%arg11 : memref<!tpu.dma_semaphore, #tpu.memory_space<semaphore_mem>>)
    %add3A_28 = arith.constant 32 : i32
    %add3A_29 = arith.addi %add3A, %add3A_28 : i32
    %min3A_30 = arith.constant 781 : i32
    %min3A_31 = arith.minsi %add3A_29, %min3A_30 : i32
    %mul3A_32 = arith.constant 128 : i32
    %mul3A_33 = arith.muli %min3A_31, %mul3A_32 : i32
    %min3A_34 = arith.constant 99872 : i32
    %min3A_35 = arith.minsi %mul3A_33, %min3A_34 : i32
    %multiple_of3A_36 = tpu.assume_multiple %min3A_35, 8 : i32
    %dma_start3A_37 = arith.constant 1 : i32
    %dma_start3A_38 = arith.constant 0 : i32
    %dma_start3A_39 = arith.constant 0 : i32
    %dma_start3A_40 = tpu.memref_slice %arg6[%dma_start3A_37, %dma_start3A_38, %dma_start3A_39] : memref<2x128x128xf32, #tpu.memory_space<vmem>> -> memref<1x128x128xf32, #tpu.memory_space<vmem>>
    %dma_start3A_41 = tpu.memref_squeeze %dma_start3A_40 : memref<1x128x128xf32, #tpu.memory_space<vmem>> -> memref<128x128xf32, #tpu.memory_space<vmem>>
    %dma_start3A_42 = arith.constant 0 : i32
    %dma_start3A_43 = tpu.memref_slice %arg2[%multiple_of3A_36, %dma_start3A_42] : memref<100000x128xf32, #tpu.memory_space<hbm>> -> memref<128x128xf32, #tpu.memory_space<hbm>>
    %dma_start3A_44 = arith.constant 0 : i32
    %dma_start3A_45 = arith.constant 0 : i32
    %dma_start3A_46 = tpu.memref_slice %arg6[%dma_start3A_37, %dma_start3A_44, %dma_start3A_45] : memref<2x128x128xf32, #tpu.memory_space<vmem>> -> memref<1x128x128xf32, #tpu.memory_space<vmem>>
    %dma_start3A_47 = tpu.memref_squeeze %dma_start3A_46 : memref<1x128x128xf32, #tpu.memory_space<vmem>> -> memref<128x128xf32, #tpu.memory_space<vmem>>
    %dma_start3A_48 = arith.constant 0 : i32
    %dma_start3A_49 = tpu.memref_slice %arg2[%multiple_of3A_36, %dma_start3A_48] : memref<100000x128xf32, #tpu.memory_space<hbm>> -> memref<128x128xf32, #tpu.memory_space<hbm>>
    tpu.enqueue_dma source(%dma_start3A_49 : memref<128x128xf32, #tpu.memory_space<hbm>>) target(%dma_start3A_47 : memref<128x128xf32, #tpu.memory_space<vmem>>) target_semaphore(%arg12 : memref<!tpu.dma_semaphore, #tpu.memory_space<semaphore_mem>>)
    %scan3A_50 = arith.constant 0 : i32
    %scan3A_51 = arith.constant 12 : i32
    %scan3A_52 = arith.addi %scan3A_50, %scan3A_51 : i32
    %scan3A_53 = arith.constant 1 : i32
    %scan3A_54:2 = scf.for %scan3A_446 = %scan3A_50 to %scan3A_52 step %scan3A_53 iter_args(%scan3A_447 = %broadcast_in_dim3A_6, %scan3A_448 = %broadcast_in_dim3A_8) -> (vector<16xf32>, vector<16xi32>)  : i32 {
      %mul3A_449 = arith.constant 2 : i32
      %mul3A_450 = arith.muli %mul3A_449, %scan3A_446 : i32
      %dma_wait3A_451 = arith.constant 0 : i32
      %dma_wait3A_452 = arith.constant 0 : i32
      %dma_wait3A_453 = arith.constant 0 : i32
      %dma_wait3A_454 = tpu.memref_slice %arg6[%dma_wait3A_451, %dma_wait3A_452, %dma_wait3A_453] : memref<2x128x128xf32, #tpu.memory_space<vmem>> -> memref<1x128x128xf32, #tpu.memory_space<vmem>>
      %dma_wait3A_455 = tpu.memref_squeeze %dma_wait3A_454 : memref<1x128x128xf32, #tpu.memory_space<vmem>> -> memref<128x128xf32, #tpu.memory_space<vmem>>
      %dma_wait3A_456 = arith.constant 0 : i32
      %dma_wait3A_457 = arith.constant 0 : i32
      %dma_wait3A_458 = tpu.memref_slice %arg2[%dma_wait3A_456, %dma_wait3A_457] : memref<100000x128xf32, #tpu.memory_space<hbm>> -> memref<128x128xf32, #tpu.memory_space<hbm>>
      %dma_wait3A_459 = arith.constant 0 : i32
      %dma_wait3A_460 = arith.constant 0 : i32
      %dma_wait3A_461 = tpu.memref_slice %arg6[%dma_wait3A_451, %dma_wait3A_459, %dma_wait3A_460] : memref<2x128x128xf32, #tpu.memory_space<vmem>> -> memref<1x128x128xf32, #tpu.memory_space<vmem>>
      %dma_wait3A_462 = tpu.memref_squeeze %dma_wait3A_461 : memref<1x128x128xf32, #tpu.memory_space<vmem>> -> memref<128x128xf32, #tpu.memory_space<vmem>>
      %dma_wait3A_463 = arith.constant 0 : i32
      %dma_wait3A_464 = arith.constant 0 : i32
      %dma_wait3A_465 = tpu.memref_slice %arg2[%dma_wait3A_463, %dma_wait3A_464] : memref<100000x128xf32, #tpu.memory_space<hbm>> -> memref<128x128xf32, #tpu.memory_space<hbm>>
      tpu.wait_dma2 semaphore(%arg11 : memref<!tpu.dma_semaphore, #tpu.memory_space<semaphore_mem>>) src(%dma_wait3A_465 : memref<128x128xf32, #tpu.memory_space<hbm>>) dst(%dma_wait3A_462 : memref<128x128xf32, #tpu.memory_space<vmem>>)
      %mul3A_466 = arith.constant 32 : i32
      %mul3A_467 = arith.muli %mul3A_466, %mul3A_450 : i32
      %add3A_468 = arith.addi %add3A, %mul3A_467 : i32
      %le3A_469 = arith.constant 781 : i32
      %le3A_470 = arith.cmpi sle, %add3A_468, %le3A_469 : i32
      %min3A_471 = arith.constant 781 : i32
      %min3A_472 = arith.minsi %add3A_468, %min3A_471 : i32
      %mul3A_473 = arith.constant 32 : i32
      %mul3A_474 = arith.muli %mul3A_473, %mul3A_450 : i32
      %add3A_475 = arith.addi %add3A, %mul3A_474 : i32
      %min3A_476 = arith.constant 781 : i32
      %min3A_477 = arith.minsi %add3A_475, %min3A_476 : i32
      %mul3A_478 = arith.constant 128 : i32
      %mul3A_479 = arith.muli %min3A_477, %mul3A_478 : i32
      %min3A_480 = arith.constant 99872 : i32
      %min3A_481 = arith.minsi %mul3A_479, %min3A_480 : i32
      %multiple_of3A_482 = tpu.assume_multiple %min3A_481, 8 : i32
      %broadcast_in_dim3A_483 = arith.constant 0 : i32
      %broadcast_in_dim3A_484 = vector.broadcast %broadcast_in_dim3A_483 : i32 to vector<16xi32>
      %add3A_485 = arith.constant 0 : i32
      %add3A_486 = vector.broadcast %add3A_485 : i32 to vector<16xi32>
      %add3A_487 = arith.addi %add3A_486, %iota3A : vector<16xi32>
      %add3A_488 = vector.broadcast %multiple_of3A_482 : i32 to vector<16xi32>
      %add3A_489 = arith.addi %add3A_488, %add3A_487 : vector<16xi32>
      %mul3A_490 = arith.constant 128 : i32
      %mul3A_491 = arith.muli %min3A_472, %mul3A_490 : i32
      %ge3A_492 = vector.broadcast %mul3A_491 : i32 to vector<16xi32>
      %ge3A_493 = arith.cmpi sge, %add3A_489, %ge3A_492 : vector<16xi32>
      %lt3A_494 = arith.constant 100000 : i32
      %lt3A_495 = vector.broadcast %lt3A_494 : i32 to vector<16xi32>
      %lt3A_496 = arith.cmpi slt, %add3A_489, %lt3A_495 : vector<16xi32>
      %and3A_497 = arith.andi %ge3A_493, %lt3A_496 : vector<16xi1>
      %and3A_498 = vector.broadcast %le3A_470 : i1 to vector<16xi1>
      %and3A_499 = arith.andi %and3A_497, %and3A_498 : vector<16xi1>
      %add3A_500 = arith.constant 16 : i32
      %add3A_501 = vector.broadcast %add3A_500 : i32 to vector<16xi32>
      %add3A_502 = arith.addi %add3A_501, %iota3A : vector<16xi32>
      %add3A_503 = vector.broadcast %multiple_of3A_482 : i32 to vector<16xi32>
      %add3A_504 = arith.addi %add3A_503, %add3A_502 : vector<16xi32>
      %mul3A_505 = arith.constant 128 : i32
      %mul3A_506 = arith.muli %min3A_472, %mul3A_505 : i32
      %ge3A_507 = vector.broadcast %mul3A_506 : i32 to vector<16xi32>
      %ge3A_508 = arith.cmpi sge, %add3A_504, %ge3A_507 : vector<16xi32>
      %lt3A_509 = arith.constant 100000 : i32
      %lt3A_510 = vector.broadcast %lt3A_509 : i32 to vector<16xi32>
      %lt3A_511 = arith.cmpi slt, %add3A_504, %lt3A_510 : vector<16xi32>
      %and3A_512 = arith.andi %ge3A_508, %lt3A_511 : vector<16xi1>
      %and3A_513 = vector.broadcast %le3A_470 : i1 to vector<16xi1>
      %and3A_514 = arith.andi %and3A_512, %and3A_513 : vector<16xi1>
      %add3A_515 = arith.constant 32 : i32
      %add3A_516 = vector.broadcast %add3A_515 : i32 to vector<16xi32>
      %add3A_517 = arith.addi %add3A_516, %iota3A : vector<16xi32>
      %add3A_518 = vector.broadcast %multiple_of3A_482 : i32 to vector<16xi32>
      %add3A_519 = arith.addi %add3A_518, %add3A_517 : vector<16xi32>
      %mul3A_520 = arith.constant 128 : i32
      %mul3A_521 = arith.muli %min3A_472, %mul3A_520 : i32
      %ge3A_522 = vector.broadcast %mul3A_521 : i32 to vector<16xi32>
      %ge3A_523 = arith.cmpi sge, %add3A_519, %ge3A_522 : vector<16xi32>
      %lt3A_524 = arith.constant 100000 : i32
      %lt3A_525 = vector.broadcast %lt3A_524 : i32 to vector<16xi32>
      %lt3A_526 = arith.cmpi slt, %add3A_519, %lt3A_525 : vector<16xi32>
      %and3A_527 = arith.andi %ge3A_523, %lt3A_526 : vector<16xi1>
      %and3A_528 = vector.broadcast %le3A_470 : i1 to vector<16xi1>
      %and3A_529 = arith.andi %and3A_527, %and3A_528 : vector<16xi1>
      %add3A_530 = arith.constant 48 : i32
      %add3A_531 = vector.broadcast %add3A_530 : i32 to vector<16xi32>
      %add3A_532 = arith.addi %add3A_531, %iota3A : vector<16xi32>
      %add3A_533 = vector.broadcast %multiple_of3A_482 : i32 to vector<16xi32>
      %add3A_534 = arith.addi %add3A_533, %add3A_532 : vector<16xi32>
      %mul3A_535 = arith.constant 128 : i32
      %mul3A_536 = arith.muli %min3A_472, %mul3A_535 : i32
      %ge3A_537 = vector.broadcast %mul3A_536 : i32 to vector<16xi32>
      %ge3A_538 = arith.cmpi sge, %add3A_534, %ge3A_537 : vector<16xi32>
      %lt3A_539 = arith.constant 100000 : i32
      %lt3A_540 = vector.broadcast %lt3A_539 : i32 to vector<16xi32>
      %lt3A_541 = arith.cmpi slt, %add3A_534, %lt3A_540 : vector<16xi32>
      %and3A_542 = arith.andi %ge3A_538, %lt3A_541 : vector<16xi1>
      %and3A_543 = vector.broadcast %le3A_470 : i1 to vector<16xi1>
      %and3A_544 = arith.andi %and3A_542, %and3A_543 : vector<16xi1>
      %add3A_545 = arith.constant 64 : i32
      %add3A_546 = vector.broadcast %add3A_545 : i32 to vector<16xi32>
      %add3A_547 = arith.addi %add3A_546, %iota3A : vector<16xi32>
      %add3A_548 = vector.broadcast %multiple_of3A_482 : i32 to vector<16xi32>
      %add3A_549 = arith.addi %add3A_548, %add3A_547 : vector<16xi32>
      %mul3A_550 = arith.constant 128 : i32
      %mul3A_551 = arith.muli %min3A_472, %mul3A_550 : i32
      %ge3A_552 = vector.broadcast %mul3A_551 : i32 to vector<16xi32>
      %ge3A_553 = arith.cmpi sge, %add3A_549, %ge3A_552 : vector<16xi32>
      %lt3A_554 = arith.constant 100000 : i32
      %lt3A_555 = vector.broadcast %lt3A_554 : i32 to vector<16xi32>
      %lt3A_556 = arith.cmpi slt, %add3A_549, %lt3A_555 : vector<16xi32>
      %and3A_557 = arith.andi %ge3A_553, %lt3A_556 : vector<16xi1>
      %and3A_558 = vector.broadcast %le3A_470 : i1 to vector<16xi1>
      %and3A_559 = arith.andi %and3A_557, %and3A_558 : vector<16xi1>
      %add3A_560 = arith.constant 80 : i32
      %add3A_561 = vector.broadcast %add3A_560 : i32 to vector<16xi32>
      %add3A_562 = arith.addi %add3A_561, %iota3A : vector<16xi32>
      %add3A_563 = vector.broadcast %multiple_of3A_482 : i32 to vector<16xi32>
      %add3A_564 = arith.addi %add3A_563, %add3A_562 : vector<16xi32>
      %mul3A_565 = arith.constant 128 : i32
      %mul3A_566 = arith.muli %min3A_472, %mul3A_565 : i32
      %ge3A_567 = vector.broadcast %mul3A_566 : i32 to vector<16xi32>
      %ge3A_568 = arith.cmpi sge, %add3A_564, %ge3A_567 : vector<16xi32>
      %lt3A_569 = arith.constant 100000 : i32
      %lt3A_570 = vector.broadcast %lt3A_569 : i32 to vector<16xi32>
      %lt3A_571 = arith.cmpi slt, %add3A_564, %lt3A_570 : vector<16xi32>
      %and3A_572 = arith.andi %ge3A_568, %lt3A_571 : vector<16xi1>
      %and3A_573 = vector.broadcast %le3A_470 : i1 to vector<16xi1>
      %and3A_574 = arith.andi %and3A_572, %and3A_573 : vector<16xi1>
      %add3A_575 = arith.constant 96 : i32
      %add3A_576 = vector.broadcast %add3A_575 : i32 to vector<16xi32>
      %add3A_577 = arith.addi %add3A_576, %iota3A : vector<16xi32>
      %add3A_578 = vector.broadcast %multiple_of3A_482 : i32 to vector<16xi32>
      %add3A_579 = arith.addi %add3A_578, %add3A_577 : vector<16xi32>
      %mul3A_580 = arith.constant 128 : i32
      %mul3A_581 = arith.muli %min3A_472, %mul3A_580 : i32
      %ge3A_582 = vector.broadcast %mul3A_581 : i32 to vector<16xi32>
      %ge3A_583 = arith.cmpi sge, %add3A_579, %ge3A_582 : vector<16xi32>
      %lt3A_584 = arith.constant 100000 : i32
      %lt3A_585 = vector.broadcast %lt3A_584 : i32 to vector<16xi32>
      %lt3A_586 = arith.cmpi slt, %add3A_579, %lt3A_585 : vector<16xi32>
      %and3A_587 = arith.andi %ge3A_583, %lt3A_586 : vector<16xi1>
      %and3A_588 = vector.broadcast %le3A_470 : i1 to vector<16xi1>
      %and3A_589 = arith.andi %and3A_587, %and3A_588 : vector<16xi1>
      %add3A_590 = arith.constant 112 : i32
      %add3A_591 = vector.broadcast %add3A_590 : i32 to vector<16xi32>
      %add3A_592 = arith.addi %add3A_591, %iota3A : vector<16xi32>
      %add3A_593 = vector.broadcast %multiple_of3A_482 : i32 to vector<16xi32>
      %add3A_594 = arith.addi %add3A_593, %add3A_592 : vector<16xi32>
      %mul3A_595 = arith.constant 128 : i32
      %mul3A_596 = arith.muli %min3A_472, %mul3A_595 : i32
      %ge3A_597 = vector.broadcast %mul3A_596 : i32 to vector<16xi32>
      %ge3A_598 = arith.cmpi sge, %add3A_594, %ge3A_597 : vector<16xi32>
      %lt3A_599 = arith.constant 100000 : i32
      %lt3A_600 = vector.broadcast %lt3A_599 : i32 to vector<16xi32>
      %lt3A_601 = arith.cmpi slt, %add3A_594, %lt3A_600 : vector<16xi32>
      %and3A_602 = arith.andi %ge3A_598, %lt3A_601 : vector<16xi1>
      %and3A_603 = vector.broadcast %le3A_470 : i1 to vector<16xi1>
      %and3A_604 = arith.andi %and3A_602, %and3A_603 : vector<16xi1>
      %broadcast_in_dim3A_605 = arith.constant 0.000000e+00 : f32
      %broadcast_in_dim3A_606 = vector.broadcast %broadcast_in_dim3A_605 : f32 to vector<16xf32>
      %broadcast_in_dim3A_607 = arith.constant 0.000000e+00 : f32
      %broadcast_in_dim3A_608 = vector.broadcast %broadcast_in_dim3A_607 : f32 to vector<16xf32>
      %broadcast_in_dim3A_609 = arith.constant 0.000000e+00 : f32
      %broadcast_in_dim3A_610 = vector.broadcast %broadcast_in_dim3A_609 : f32 to vector<16xf32>
      %broadcast_in_dim3A_611 = arith.constant 0.000000e+00 : f32
      %broadcast_in_dim3A_612 = vector.broadcast %broadcast_in_dim3A_611 : f32 to vector<16xf32>
      %broadcast_in_dim3A_613 = arith.constant 0.000000e+00 : f32
      %broadcast_in_dim3A_614 = vector.broadcast %broadcast_in_dim3A_613 : f32 to vector<16xf32>
      %broadcast_in_dim3A_615 = arith.constant 0.000000e+00 : f32
      %broadcast_in_dim3A_616 = vector.broadcast %broadcast_in_dim3A_615 : f32 to vector<16xf32>
      %broadcast_in_dim3A_617 = arith.constant 0.000000e+00 : f32
      %broadcast_in_dim3A_618 = vector.broadcast %broadcast_in_dim3A_617 : f32 to vector<16xf32>
      %broadcast_in_dim3A_619 = arith.constant 0.000000e+00 : f32
      %broadcast_in_dim3A_620 = vector.broadcast %broadcast_in_dim3A_619 : f32 to vector<16xf32>
      %scan3A_621 = arith.constant 0 : i32
      %scan3A_622 = arith.constant 64 : i32
      %scan3A_623 = arith.addi %scan3A_621, %scan3A_622 : i32
      %scan3A_624 = arith.constant 1 : i32
      %scan3A_625:16 = scf.for %scan3A_1267 = %scan3A_621 to %scan3A_623 step %scan3A_624 iter_args(%scan3A_1268 = %broadcast_in_dim3A_606, %scan3A_1269 = %broadcast_in_dim3A_608, %scan3A_1270 = %broadcast_in_dim3A_610, %scan3A_1271 = %broadcast_in_dim3A_612, %scan3A_1272 = %broadcast_in_dim3A_614, %scan3A_1273 = %broadcast_in_dim3A_616, %scan3A_1274 = %broadcast_in_dim3A_618, %scan3A_1275 = %broadcast_in_dim3A_620, %scan3A_1276 = %broadcast_in_dim3A_606, %scan3A_1277 = %broadcast_in_dim3A_608, %scan3A_1278 = %broadcast_in_dim3A_610, %scan3A_1279 = %broadcast_in_dim3A_612, %scan3A_1280 = %broadcast_in_dim3A_614, %scan3A_1281 = %broadcast_in_dim3A_616, %scan3A_1282 = %broadcast_in_dim3A_618, %scan3A_1283 = %broadcast_in_dim3A_620) -> (vector<16xf32>, vector<16xf32>, vector<16xf32>, vector<16xf32>, vector<16xf32>, vector<16xf32>, vector<16xf32>, vector<16xf32>, vector<16xf32>, vector<16xf32>, vector<16xf32>, vector<16xf32>, vector<16xf32>, vector<16xf32>, vector<16xf32>, vector<16xf32>)  : i32 {
        %mul3A_1284 = arith.constant 2 : i32
        %mul3A_1285 = arith.muli %scan3A_1267, %mul3A_1284 : i32
        %add3A_1286 = arith.constant 0 : i32
        %add3A_1287 = arith.addi %mul3A_1285, %add3A_1286 : i32
        %add3A_1288 = vector.broadcast %add3A_1287 : i32 to vector<16xi32>
        %add3A_1289 = arith.addi %add3A_1288, %iota3A : vector<16xi32>
        %and3A_1290 = arith.constant 127 : i32
        %and3A_1291 = vector.broadcast %and3A_1290 : i32 to vector<16xi32>
        %and3A_1292 = arith.andi %add3A_1289, %and3A_1291 : vector<16xi32>
        %mul3A_1293 = arith.constant 16 : i32
        %mul3A_1294 = arith.muli %add3A_1287, %mul3A_1293 : i32
        %get3A = arith.index_cast %mul3A_1294 : i32 to index
        %get3A_1295 = tpu.vector_load %arg8[%get3A] {strides = array<i32>} : memref<2048xf32, #tpu.memory_space<vmem>>, vector<16xf32>,
        %gather3A = tpu.vector_load_idx %arg6[%broadcast_in_dim3A_484, %add3A_487, %and3A_1292] : memref<2x128x128xf32, #tpu.memory_space<vmem>>[vector<16xi32>, vector<16xi32>, vector<16xi32>], vector<16xf32>,
        %mul3A_1296 = arith.mulf %gather3A, %get3A_1295 : vector<16xf32>
        %add3A_1297 = arith.addf %scan3A_1268, %mul3A_1296 : vector<16xf32>
        %mul3A_1298 = arith.mulf %gather3A, %gather3A : vector<16xf32>
        %add3A_1299 = arith.addf %scan3A_1276, %mul3A_1298 : vector<16xf32>
        %gather3A_1300 = tpu.vector_load_idx %arg6[%broadcast_in_dim3A_484, %add3A_502, %and3A_1292] : memref<2x128x128xf32, #tpu.memory_space<vmem>>[vector<16xi32>, vector<16xi32>, vector<16xi32>], vector<16xf32>,
        %mul3A_1301 = arith.mulf %gather3A_1300, %get3A_1295 : vector<16xf32>
        %add3A_1302 = arith.addf %scan3A_1269, %mul3A_1301 : vector<16xf32>
        %mul3A_1303 = arith.mulf %gather3A_1300, %gather3A_1300 : vector<16xf32>
        %add3A_1304 = arith.addf %scan3A_1277, %mul3A_1303 : vector<16xf32>
        %gather3A_1305 = tpu.vector_load_idx %arg6[%broadcast_in_dim3A_484, %add3A_517, %and3A_1292] : memref<2x128x128xf32, #tpu.memory_space<vmem>>[vector<16xi32>, vector<16xi32>, vector<16xi32>], vector<16xf32>,
        %mul3A_1306 = arith.mulf %gather3A_1305, %get3A_1295 : vector<16xf32>
        %add3A_1307 = arith.addf %scan3A_1270, %mul3A_1306 : vector<16xf32>
        %mul3A_1308 = arith.mulf %gather3A_1305, %gather3A_1305 : vector<16xf32>
        %add3A_1309 = arith.addf %scan3A_1278, %mul3A_1308 : vector<16xf32>
        %gather3A_1310 = tpu.vector_load_idx %arg6[%broadcast_in_dim3A_484, %add3A_532, %and3A_1292] : memref<2x128x128xf32, #tpu.memory_space<vmem>>[vector<16xi32>, vector<16xi32>, vector<16xi32>], vector<16xf32>,
        %mul3A_1311 = arith.mulf %gather3A_1310, %get3A_1295 : vector<16xf32>
        %add3A_1312 = arith.addf %scan3A_1271, %mul3A_1311 : vector<16xf32>
        %mul3A_1313 = arith.mulf %gather3A_1310, %gather3A_1310 : vector<16xf32>
        %add3A_1314 = arith.addf %scan3A_1279, %mul3A_1313 : vector<16xf32>
        %gather3A_1315 = tpu.vector_load_idx %arg6[%broadcast_in_dim3A_484, %add3A_547, %and3A_1292] : memref<2x128x128xf32, #tpu.memory_space<vmem>>[vector<16xi32>, vector<16xi32>, vector<16xi32>], vector<16xf32>,
        %mul3A_1316 = arith.mulf %gather3A_1315, %get3A_1295 : vector<16xf32>
        %add3A_1317 = arith.addf %scan3A_1272, %mul3A_1316 : vector<16xf32>
        %mul3A_1318 = arith.mulf %gather3A_1315, %gather3A_1315 : vector<16xf32>
        %add3A_1319 = arith.addf %scan3A_1280, %mul3A_1318 : vector<16xf32>
        %gather3A_1320 = tpu.vector_load_idx %arg6[%broadcast_in_dim3A_484, %add3A_562, %and3A_1292] : memref<2x128x128xf32, #tpu.memory_space<vmem>>[vector<16xi32>, vector<16xi32>, vector<16xi32>], vector<16xf32>,
        %mul3A_1321 = arith.mulf %gather3A_1320, %get3A_1295 : vector<16xf32>
        %add3A_1322 = arith.addf %scan3A_1273, %mul3A_1321 : vector<16xf32>
        %mul3A_1323 = arith.mulf %gather3A_1320, %gather3A_1320 : vector<16xf32>
        %add3A_1324 = arith.addf %scan3A_1281, %mul3A_1323 : vector<16xf32>
        %gather3A_1325 = tpu.vector_load_idx %arg6[%broadcast_in_dim3A_484, %add3A_577, %and3A_1292] : memref<2x128x128xf32, #tpu.memory_space<vmem>>[vector<16xi32>, vector<16xi32>, vector<16xi32>], vector<16xf32>,
        %mul3A_1326 = arith.mulf %gather3A_1325, %get3A_1295 : vector<16xf32>
        %add3A_1327 = arith.addf %scan3A_1274, %mul3A_1326 : vector<16xf32>
        %mul3A_1328 = arith.mulf %gather3A_1325, %gather3A_1325 : vector<16xf32>
        %add3A_1329 = arith.addf %scan3A_1282, %mul3A_1328 : vector<16xf32>
        %gather3A_1330 = tpu.vector_load_idx %arg6[%broadcast_in_dim3A_484, %add3A_592, %and3A_1292] : memref<2x128x128xf32, #tpu.memory_space<vmem>>[vector<16xi32>, vector<16xi32>, vector<16xi32>], vector<16xf32>,
        %mul3A_1331 = arith.mulf %gather3A_1330, %get3A_1295 : vector<16xf32>
        %add3A_1332 = arith.addf %scan3A_1275, %mul3A_1331 : vector<16xf32>
        %mul3A_1333 = arith.mulf %gather3A_1330, %gather3A_1330 : vector<16xf32>
        %add3A_1334 = arith.addf %scan3A_1283, %mul3A_1333 : vector<16xf32>
        %mul3A_1335 = arith.constant 2 : i32
        %mul3A_1336 = arith.muli %scan3A_1267, %mul3A_1335 : i32
        %add3A_1337 = arith.constant 1 : i32
        %add3A_1338 = arith.addi %mul3A_1336, %add3A_1337 : i32
        %add3A_1339 = vector.broadcast %add3A_1338 : i32 to vector<16xi32>
        %add3A_1340 = arith.addi %add3A_1339, %iota3A : vector<16xi32>
        %and3A_1341 = arith.constant 127 : i32
        %and3A_1342 = vector.broadcast %and3A_1341 : i32 to vector<16xi32>
        %and3A_1343 = arith.andi %add3A_1340, %and3A_1342 : vector<16xi32>
        %mul3A_1344 = arith.constant 16 : i32
        %mul3A_1345 = arith.muli %add3A_1338, %mul3A_1344 : i32
        %get3A_1346 = arith.index_cast %mul3A_1345 : i32 to index
        %get3A_1347 = tpu.vector_load %arg8[%get3A_1346] {strides = array<i32>} : memref<2048xf32, #tpu.memory_space<vmem>>, vector<16xf32>,
        %gather3A_1348 = tpu.vector_load_idx %arg6[%broadcast_in_dim3A_484, %add3A_487, %and3A_1343] : memref<2x128x128xf32, #tpu.memory_space<vmem>>[vector<16xi32>, vector<16xi32>, vector<16xi32>], vector<16xf32>,
        %mul3A_1349 = arith.mulf %gather3A_1348, %get3A_1347 : vector<16xf32>
        %add3A_1350 = arith.addf %add3A_1297, %mul3A_1349 : vector<16xf32>
        %mul3A_1351 = arith.mulf %gather3A_1348, %gather3A_1348 : vector<16xf32>
        %add3A_1352 = arith.addf %add3A_1299, %mul3A_1351 : vector<16xf32>
        %gather3A_1353 = tpu.vector_load_idx %arg6[%broadcast_in_dim3A_484, %add3A_502, %and3A_1343] : memref<2x128x128xf32, #tpu.memory_space<vmem>>[vector<16xi32>, vector<16xi32>, vector<16xi32>], vector<16xf32>,
        %mul3A_1354 = arith.mulf %gather3A_1353, %get3A_1347 : vector<16xf32>
        %add3A_1355 = arith.addf %add3A_1302, %mul3A_1354 : vector<16xf32>
        %mul3A_1356 = arith.mulf %gather3A_1353, %gather3A_1353 : vector<16xf32>
        %add3A_1357 = arith.addf %add3A_1304, %mul3A_1356 : vector<16xf32>
        %gather3A_1358 = tpu.vector_load_idx %arg6[%broadcast_in_dim3A_484, %add3A_517, %and3A_1343] : memref<2x128x128xf32, #tpu.memory_space<vmem>>[vector<16xi32>, vector<16xi32>, vector<16xi32>], vector<16xf32>,
        %mul3A_1359 = arith.mulf %gather3A_1358, %get3A_1347 : vector<16xf32>
        %add3A_1360 = arith.addf %add3A_1307, %mul3A_1359 : vector<16xf32>
        %mul3A_1361 = arith.mulf %gather3A_1358, %gather3A_1358 : vector<16xf32>
        %add3A_1362 = arith.addf %add3A_1309, %mul3A_1361 : vector<16xf32>
        %gather3A_1363 = tpu.vector_load_idx %arg6[%broadcast_in_dim3A_484, %add3A_532, %and3A_1343] : memref<2x128x128xf32, #tpu.memory_space<vmem>>[vector<16xi32>, vector<16xi32>, vector<16xi32>], vector<16xf32>,
        %mul3A_1364 = arith.mulf %gather3A_1363, %get3A_1347 : vector<16xf32>
        %add3A_1365 = arith.addf %add3A_1312, %mul3A_1364 : vector<16xf32>
        %mul3A_1366 = arith.mulf %gather3A_1363, %gather3A_1363 : vector<16xf32>
        %add3A_1367 = arith.addf %add3A_1314, %mul3A_1366 : vector<16xf32>
        %gather3A_1368 = tpu.vector_load_idx %arg6[%broadcast_in_dim3A_484, %add3A_547, %and3A_1343] : memref<2x128x128xf32, #tpu.memory_space<vmem>>[vector<16xi32>, vector<16xi32>, vector<16xi32>], vector<16xf32>,
        %mul3A_1369 = arith.mulf %gather3A_1368, %get3A_1347 : vector<16xf32>
        %add3A_1370 = arith.addf %add3A_1317, %mul3A_1369 : vector<16xf32>
        %mul3A_1371 = arith.mulf %gather3A_1368, %gather3A_1368 : vector<16xf32>
        %add3A_1372 = arith.addf %add3A_1319, %mul3A_1371 : vector<16xf32>
        %gather3A_1373 = tpu.vector_load_idx %arg6[%broadcast_in_dim3A_484, %add3A_562, %and3A_1343] : memref<2x128x128xf32, #tpu.memory_space<vmem>>[vector<16xi32>, vector<16xi32>, vector<16xi32>], vector<16xf32>,
        %mul3A_1374 = arith.mulf %gather3A_1373, %get3A_1347 : vector<16xf32>
        %add3A_1375 = arith.addf %add3A_1322, %mul3A_1374 : vector<16xf32>
        %mul3A_1376 = arith.mulf %gather3A_1373, %gather3A_1373 : vector<16xf32>
        %add3A_1377 = arith.addf %add3A_1324, %mul3A_1376 : vector<16xf32>
        %gather3A_1378 = tpu.vector_load_idx %arg6[%broadcast_in_dim3A_484, %add3A_577, %and3A_1343] : memref<2x128x128xf32, #tpu.memory_space<vmem>>[vector<16xi32>, vector<16xi32>, vector<16xi32>], vector<16xf32>,
        %mul3A_1379 = arith.mulf %gather3A_1378, %get3A_1347 : vector<16xf32>
        %add3A_1380 = arith.addf %add3A_1327, %mul3A_1379 : vector<16xf32>
        %mul3A_1381 = arith.mulf %gather3A_1378, %gather3A_1378 : vector<16xf32>
        %add3A_1382 = arith.addf %add3A_1329, %mul3A_1381 : vector<16xf32>
        %gather3A_1383 = tpu.vector_load_idx %arg6[%broadcast_in_dim3A_484, %add3A_592, %and3A_1343] : memref<2x128x128xf32, #tpu.memory_space<vmem>>[vector<16xi32>, vector<16xi32>, vector<16xi32>], vector<16xf32>,
        %mul3A_1384 = arith.mulf %gather3A_1383, %get3A_1347 : vector<16xf32>
        %add3A_1385 = arith.addf %add3A_1332, %mul3A_1384 : vector<16xf32>
        %mul3A_1386 = arith.mulf %gather3A_1383, %gather3A_1383 : vector<16xf32>
        %add3A_1387 = arith.addf %add3A_1334, %mul3A_1386 : vector<16xf32>
        scf.yield %add3A_1350, %add3A_1355, %add3A_1360, %add3A_1365, %add3A_1370, %add3A_1375, %add3A_1380, %add3A_1385, %add3A_1352, %add3A_1357, %add3A_1362, %add3A_1367, %add3A_1372, %add3A_1377, %add3A_1382, %add3A_1387 : vector<16xf32>, vector<16xf32>, vector<16xf32>, vector<16xf32>, vector<16xf32>, vector<16xf32>, vector<16xf32>, vector<16xf32>, vector<16xf32>, vector<16xf32>, vector<16xf32>, vector<16xf32>, vector<16xf32>, vector<16xf32>, vector<16xf32>, vector<16xf32>
      }
      %scan3A_626 = arith.constant 64 : i32
      %abs3A_627 = math.absf %scan3A_625#0 : vector<16xf32>
      %mul3A_628 = arith.mulf %scan3A_625#0, %abs3A_627 : vector<16xf32>
      %div3A_629 = arith.divf %mul3A_628, %scan3A_625#8 : vector<16xf32>
      %jit3A_630 = arith.constant -3.000000e+38 : f32
      %broadcast_in_dim3A_631 = vector.broadcast %jit3A_630 : f32 to vector<16xf32>
      %select_n3A_632 = arith.select %and3A_499, %div3A_629, %broadcast_in_dim3A_631 : vector<16xi1>, vector<16xf32>
      %masked_sort3A_633 = arith.constant dense<true> : vector<16xi1>
      %masked_sort3A_634, %masked_sort3A_635, %masked_sort3A_636 = tpu.sort %select_n3A_632, %add3A_489 masked %masked_sort3A_633 {descending = true} : (vector<16xf32>, vector<16xi32>, vector<16xi1>) -> (vector<16xi1>, vector<16xf32>, vector<16xi32>)
      %rev3A_637 = arith.constant 15 : i32
      %rev3A_638 = vector.broadcast %rev3A_637 : i32 to vector<16xi32>
      %rev3A_639 = tpu.iota {dimensions = array<i32: 0>} : vector<16xi32>
      %rev3A_640 = arith.subi %rev3A_638, %rev3A_639 : vector<16xi32>
      %rev3A_641 = tpu.dynamic_gather %masked_sort3A_635[%rev3A_640] in [0] : vector<16xf32>, vector<16xi32> -> vector<16xf32>
      %rev3A_642 = arith.constant 15 : i32
      %rev3A_643 = vector.broadcast %rev3A_642 : i32 to vector<16xi32>
      %rev3A_644 = tpu.iota {dimensions = array<i32: 0>} : vector<16xi32>
      %rev3A_645 = arith.subi %rev3A_643, %rev3A_644 : vector<16xi32>
      %rev3A_646 = tpu.dynamic_gather %masked_sort3A_636[%rev3A_645] in [0] : vector<16xi32>, vector<16xi32> -> vector<16xi32>
      %ge3A_647 = arith.cmpf oge, %scan3A_447, %rev3A_641 : vector<16xf32>
      %select_n3A_648 = arith.select %ge3A_647, %scan3A_447, %rev3A_641 : vector<16xi1>, vector<16xf32>
      %select_n3A_649 = arith.select %ge3A_647, %scan3A_448, %rev3A_646 : vector<16xi1>, vector<16xi32>
      %masked_sort3A_650 = arith.constant dense<true> : vector<16xi1>
      %masked_sort3A_651, %masked_sort3A_652, %masked_sort3A_653 = tpu.sort %select_n3A_648, %select_n3A_649 masked %masked_sort3A_650 {descending = true} : (vector<16xf32>, vector<16xi32>, vector<16xi1>) -> (vector<16xi1>, vector<16xf32>, vector<16xi32>)
      %abs3A_654 = math.absf %scan3A_625#1 : vector<16xf32>
      %mul3A_655 = arith.mulf %scan3A_625#1, %abs3A_654 : vector<16xf32>
      %div3A_656 = arith.divf %mul3A_655, %scan3A_625#9 : vector<16xf32>
      %jit3A_657 = arith.constant -3.000000e+38 : f32
      %broadcast_in_dim3A_658 = vector.broadcast %jit3A_657 : f32 to vector<16xf32>
      %select_n3A_659 = arith.select %and3A_514, %div3A_656, %broadcast_in_dim3A_658 : vector<16xi1>, vector<16xf32>
      %masked_sort3A_660 = arith.constant dense<true> : vector<16xi1>
      %masked_sort3A_661, %masked_sort3A_662, %masked_sort3A_663 = tpu.sort %select_n3A_659, %add3A_504 masked %masked_sort3A_660 {descending = true} : (vector<16xf32>, vector<16xi32>, vector<16xi1>) -> (vector<16xi1>, vector<16xf32>, vector<16xi32>)
      %rev3A_664 = arith.constant 15 : i32
      %rev3A_665 = vector.broadcast %rev3A_664 : i32 to vector<16xi32>
      %rev3A_666 = tpu.iota {dimensions = array<i32: 0>} : vector<16xi32>
      %rev3A_667 = arith.subi %rev3A_665, %rev3A_666 : vector<16xi32>
      %rev3A_668 = tpu.dynamic_gather %masked_sort3A_662[%rev3A_667] in [0] : vector<16xf32>, vector<16xi32> -> vector<16xf32>
      %rev3A_669 = arith.constant 15 : i32
      %rev3A_670 = vector.broadcast %rev3A_669 : i32 to vector<16xi32>
      %rev3A_671 = tpu.iota {dimensions = array<i32: 0>} : vector<16xi32>
      %rev3A_672 = arith.subi %rev3A_670, %rev3A_671 : vector<16xi32>
      %rev3A_673 = tpu.dynamic_gather %masked_sort3A_663[%rev3A_672] in [0] : vector<16xi32>, vector<16xi32> -> vector<16xi32>
      %ge3A_674 = arith.cmpf oge, %masked_sort3A_652, %rev3A_668 : vector<16xf32>
      %select_n3A_675 = arith.select %ge3A_674, %masked_sort3A_652, %rev3A_668 : vector<16xi1>, vector<16xf32>
      %select_n3A_676 = arith.select %ge3A_674, %masked_sort3A_653, %rev3A_673 : vector<16xi1>, vector<16xi32>
      %masked_sort3A_677 = arith.constant dense<true> : vector<16xi1>
      %masked_sort3A_678, %masked_sort3A_679, %masked_sort3A_680 = tpu.sort %select_n3A_675, %select_n3A_676 masked %masked_sort3A_677 {descending = true} : (vector<16xf32>, vector<16xi32>, vector<16xi1>) -> (vector<16xi1>, vector<16xf32>, vector<16xi32>)
      %abs3A_681 = math.absf %scan3A_625#2 : vector<16xf32>
      %mul3A_682 = arith.mulf %scan3A_625#2, %abs3A_681 : vector<16xf32>
      %div3A_683 = arith.divf %mul3A_682, %scan3A_625#10 : vector<16xf32>
      %jit3A_684 = arith.constant -3.000000e+38 : f32
      %broadcast_in_dim3A_685 = vector.broadcast %jit3A_684 : f32 to vector<16xf32>
      %select_n3A_686 = arith.select %and3A_529, %div3A_683, %broadcast_in_dim3A_685 : vector<16xi1>, vector<16xf32>
      %masked_sort3A_687 = arith.constant dense<true> : vector<16xi1>
      %masked_sort3A_688, %masked_sort3A_689, %masked_sort3A_690 = tpu.sort %select_n3A_686, %add3A_519 masked %masked_sort3A_687 {descending = true} : (vector<16xf32>, vector<16xi32>, vector<16xi1>) -> (vector<16xi1>, vector<16xf32>, vector<16xi32>)
      %rev3A_691 = arith.constant 15 : i32
      %rev3A_692 = vector.broadcast %rev3A_691 : i32 to vector<16xi32>
      %rev3A_693 = tpu.iota {dimensions = array<i32: 0>} : vector<16xi32>
      %rev3A_694 = arith.subi %rev3A_692, %rev3A_693 : vector<16xi32>
      %rev3A_695 = tpu.dynamic_gather %masked_sort3A_689[%rev3A_694] in [0] : vector<16xf32>, vector<16xi32> -> vector<16xf32>
      %rev3A_696 = arith.constant 15 : i32
      %rev3A_697 = vector.broadcast %rev3A_696 : i32 to vector<16xi32>
      %rev3A_698 = tpu.iota {dimensions = array<i32: 0>} : vector<16xi32>
      %rev3A_699 = arith.subi %rev3A_697, %rev3A_698 : vector<16xi32>
      %rev3A_700 = tpu.dynamic_gather %masked_sort3A_690[%rev3A_699] in [0] : vector<16xi32>, vector<16xi32> -> vector<16xi32>
      %ge3A_701 = arith.cmpf oge, %masked_sort3A_679, %rev3A_695 : vector<16xf32>
      %select_n3A_702 = arith.select %ge3A_701, %masked_sort3A_679, %rev3A_695 : vector<16xi1>, vector<16xf32>
      %select_n3A_703 = arith.select %ge3A_701, %masked_sort3A_680, %rev3A_700 : vector<16xi1>, vector<16xi32>
      %masked_sort3A_704 = arith.constant dense<true> : vector<16xi1>
      %masked_sort3A_705, %masked_sort3A_706, %masked_sort3A_707 = tpu.sort %select_n3A_702, %select_n3A_703 masked %masked_sort3A_704 {descending = true} : (vector<16xf32>, vector<16xi32>, vector<16xi1>) -> (vector<16xi1>, vector<16xf32>, vector<16xi32>)
      %abs3A_708 = math.absf %scan3A_625#3 : vector<16xf32>
      %mul3A_709 = arith.mulf %scan3A_625#3, %abs3A_708 : vector<16xf32>
      %div3A_710 = arith.divf %mul3A_709, %scan3A_625#11 : vector<16xf32>
      %jit3A_711 = arith.constant -3.000000e+38 : f32
      %broadcast_in_dim3A_712 = vector.broadcast %jit3A_711 : f32 to vector<16xf32>
      %select_n3A_713 = arith.select %and3A_544, %div3A_710, %broadcast_in_dim3A_712 : vector<16xi1>, vector<16xf32>
      %masked_sort3A_714 = arith.constant dense<true> : vector<16xi1>
      %masked_sort3A_715, %masked_sort3A_716, %masked_sort3A_717 = tpu.sort %select_n3A_713, %add3A_534 masked %masked_sort3A_714 {descending = true} : (vector<16xf32>, vector<16xi32>, vector<16xi1>) -> (vector<16xi1>, vector<16xf32>, vector<16xi32>)
      %rev3A_718 = arith.constant 15 : i32
      %rev3A_719 = vector.broadcast %rev3A_718 : i32 to vector<16xi32>
      %rev3A_720 = tpu.iota {dimensions = array<i32: 0>} : vector<16xi32>
      %rev3A_721 = arith.subi %rev3A_719, %rev3A_720 : vector<16xi32>
      %rev3A_722 = tpu.dynamic_gather %masked_sort3A_716[%rev3A_721] in [0] : vector<16xf32>, vector<16xi32> -> vector<16xf32>
      %rev3A_723 = arith.constant 15 : i32
      %rev3A_724 = vector.broadcast %rev3A_723 : i32 to vector<16xi32>
      %rev3A_725 = tpu.iota {dimensions = array<i32: 0>} : vector<16xi32>
      %rev3A_726 = arith.subi %rev3A_724, %rev3A_725 : vector<16xi32>
      %rev3A_727 = tpu.dynamic_gather %masked_sort3A_717[%rev3A_726] in [0] : vector<16xi32>, vector<16xi32> -> vector<16xi32>
      %ge3A_728 = arith.cmpf oge, %masked_sort3A_706, %rev3A_722 : vector<16xf32>
      %select_n3A_729 = arith.select %ge3A_728, %masked_sort3A_706, %rev3A_722 : vector<16xi1>, vector<16xf32>
      %select_n3A_730 = arith.select %ge3A_728, %masked_sort3A_707, %rev3A_727 : vector<16xi1>, vector<16xi32>
      %masked_sort3A_731 = arith.constant dense<true> : vector<16xi1>
      %masked_sort3A_732, %masked_sort3A_733, %masked_sort3A_734 = tpu.sort %select_n3A_729, %select_n3A_730 masked %masked_sort3A_731 {descending = true} : (vector<16xf32>, vector<16xi32>, vector<16xi1>) -> (vector<16xi1>, vector<16xf32>, vector<16xi32>)
      %abs3A_735 = math.absf %scan3A_625#4 : vector<16xf32>
      %mul3A_736 = arith.mulf %scan3A_625#4, %abs3A_735 : vector<16xf32>
      %div3A_737 = arith.divf %mul3A_736, %scan3A_625#12 : vector<16xf32>
      %jit3A_738 = arith.constant -3.000000e+38 : f32
      %broadcast_in_dim3A_739 = vector.broadcast %jit3A_738 : f32 to vector<16xf32>
      %select_n3A_740 = arith.select %and3A_559, %div3A_737, %broadcast_in_dim3A_739 : vector<16xi1>, vector<16xf32>
      %masked_sort3A_741 = arith.constant dense<true> : vector<16xi1>
      %masked_sort3A_742, %masked_sort3A_743, %masked_sort3A_744 = tpu.sort %select_n3A_740, %add3A_549 masked %masked_sort3A_741 {descending = true} : (vector<16xf32>, vector<16xi32>, vector<16xi1>) -> (vector<16xi1>, vector<16xf32>, vector<16xi32>)
      %rev3A_745 = arith.constant 15 : i32
      %rev3A_746 = vector.broadcast %rev3A_745 : i32 to vector<16xi32>
      %rev3A_747 = tpu.iota {dimensions = array<i32: 0>} : vector<16xi32>
      %rev3A_748 = arith.subi %rev3A_746, %rev3A_747 : vector<16xi32>
      %rev3A_749 = tpu.dynamic_gather %masked_sort3A_743[%rev3A_748] in [0] : vector<16xf32>, vector<16xi32> -> vector<16xf32>
      %rev3A_750 = arith.constant 15 : i32
      %rev3A_751 = vector.broadcast %rev3A_750 : i32 to vector<16xi32>
      %rev3A_752 = tpu.iota {dimensions = array<i32: 0>} : vector<16xi32>
      %rev3A_753 = arith.subi %rev3A_751, %rev3A_752 : vector<16xi32>
      %rev3A_754 = tpu.dynamic_gather %masked_sort3A_744[%rev3A_753] in [0] : vector<16xi32>, vector<16xi32> -> vector<16xi32>
      %ge3A_755 = arith.cmpf oge, %masked_sort3A_733, %rev3A_749 : vector<16xf32>
      %select_n3A_756 = arith.select %ge3A_755, %masked_sort3A_733, %rev3A_749 : vector<16xi1>, vector<16xf32>
      %select_n3A_757 = arith.select %ge3A_755, %masked_sort3A_734, %rev3A_754 : vector<16xi1>, vector<16xi32>
      %masked_sort3A_758 = arith.constant dense<true> : vector<16xi1>
      %masked_sort3A_759, %masked_sort3A_760, %masked_sort3A_761 = tpu.sort %select_n3A_756, %select_n3A_757 masked %masked_sort3A_758 {descending = true} : (vector<16xf32>, vector<16xi32>, vector<16xi1>) -> (vector<16xi1>, vector<16xf32>, vector<16xi32>)
      %abs3A_762 = math.absf %scan3A_625#5 : vector<16xf32>
      %mul3A_763 = arith.mulf %scan3A_625#5, %abs3A_762 : vector<16xf32>
      %div3A_764 = arith.divf %mul3A_763, %scan3A_625#13 : vector<16xf32>
      %jit3A_765 = arith.constant -3.000000e+38 : f32
      %broadcast_in_dim3A_766 = vector.broadcast %jit3A_765 : f32 to vector<16xf32>
      %select_n3A_767 = arith.select %and3A_574, %div3A_764, %broadcast_in_dim3A_766 : vector<16xi1>, vector<16xf32>
      %masked_sort3A_768 = arith.constant dense<true> : vector<16xi1>
      %masked_sort3A_769, %masked_sort3A_770, %masked_sort3A_771 = tpu.sort %select_n3A_767, %add3A_564 masked %masked_sort3A_768 {descending = true} : (vector<16xf32>, vector<16xi32>, vector<16xi1>) -> (vector<16xi1>, vector<16xf32>, vector<16xi32>)
      %rev3A_772 = arith.constant 15 : i32
      %rev3A_773 = vector.broadcast %rev3A_772 : i32 to vector<16xi32>
      %rev3A_774 = tpu.iota {dimensions = array<i32: 0>} : vector<16xi32>
      %rev3A_775 = arith.subi %rev3A_773, %rev3A_774 : vector<16xi32>
      %rev3A_776 = tpu.dynamic_gather %masked_sort3A_770[%rev3A_775] in [0] : vector<16xf32>, vector<16xi32> -> vector<16xf32>
      %rev3A_777 = arith.constant 15 : i32
      %rev3A_778 = vector.broadcast %rev3A_777 : i32 to vector<16xi32>
      %rev3A_779 = tpu.iota {dimensions = array<i32: 0>} : vector<16xi32>
      %rev3A_780 = arith.subi %rev3A_778, %rev3A_779 : vector<16xi32>
      %rev3A_781 = tpu.dynamic_gather %masked_sort3A_771[%rev3A_780] in [0] : vector<16xi32>, vector<16xi32> -> vector<16xi32>
      %ge3A_782 = arith.cmpf oge, %masked_sort3A_760, %rev3A_776 : vector<16xf32>
      %select_n3A_783 = arith.select %ge3A_782, %masked_sort3A_760, %rev3A_776 : vector<16xi1>, vector<16xf32>
      %select_n3A_784 = arith.select %ge3A_782, %masked_sort3A_761, %rev3A_781 : vector<16xi1>, vector<16xi32>
      %masked_sort3A_785 = arith.constant dense<true> : vector<16xi1>
      %masked_sort3A_786, %masked_sort3A_787, %masked_sort3A_788 = tpu.sort %select_n3A_783, %select_n3A_784 masked %masked_sort3A_785 {descending = true} : (vector<16xf32>, vector<16xi32>, vector<16xi1>) -> (vector<16xi1>, vector<16xf32>, vector<16xi32>)
      %abs3A_789 = math.absf %scan3A_625#6 : vector<16xf32>
      %mul3A_790 = arith.mulf %scan3A_625#6, %abs3A_789 : vector<16xf32>
      %div3A_791 = arith.divf %mul3A_790, %scan3A_625#14 : vector<16xf32>
      %jit3A_792 = arith.constant -3.000000e+38 : f32
      %broadcast_in_dim3A_793 = vector.broadcast %jit3A_792 : f32 to vector<16xf32>
      %select_n3A_794 = arith.select %and3A_589, %div3A_791, %broadcast_in_dim3A_793 : vector<16xi1>, vector<16xf32>
      %masked_sort3A_795 = arith.constant dense<true> : vector<16xi1>
      %masked_sort3A_796, %masked_sort3A_797, %masked_sort3A_798 = tpu.sort %select_n3A_794, %add3A_579 masked %masked_sort3A_795 {descending = true} : (vector<16xf32>, vector<16xi32>, vector<16xi1>) -> (vector<16xi1>, vector<16xf32>, vector<16xi32>)
      %rev3A_799 = arith.constant 15 : i32
      %rev3A_800 = vector.broadcast %rev3A_799 : i32 to vector<16xi32>
      %rev3A_801 = tpu.iota {dimensions = array<i32: 0>} : vector<16xi32>
      %rev3A_802 = arith.subi %rev3A_800, %rev3A_801 : vector<16xi32>
      %rev3A_803 = tpu.dynamic_gather %masked_sort3A_797[%rev3A_802] in [0] : vector<16xf32>, vector<16xi32> -> vector<16xf32>
      %rev3A_804 = arith.constant 15 : i32
      %rev3A_805 = vector.broadcast %rev3A_804 : i32 to vector<16xi32>
      %rev3A_806 = tpu.iota {dimensions = array<i32: 0>} : vector<16xi32>
      %rev3A_807 = arith.subi %rev3A_805, %rev3A_806 : vector<16xi32>
      %rev3A_808 = tpu.dynamic_gather %masked_sort3A_798[%rev3A_807] in [0] : vector<16xi32>, vector<16xi32> -> vector<16xi32>
      %ge3A_809 = arith.cmpf oge, %masked_sort3A_787, %rev3A_803 : vector<16xf32>
      %select_n3A_810 = arith.select %ge3A_809, %masked_sort3A_787, %rev3A_803 : vector<16xi1>, vector<16xf32>
      %select_n3A_811 = arith.select %ge3A_809, %masked_sort3A_788, %rev3A_808 : vector<16xi1>, vector<16xi32>
      %masked_sort3A_812 = arith.constant dense<true> : vector<16xi1>
      %masked_sort3A_813, %masked_sort3A_814, %masked_sort3A_815 = tpu.sort %select_n3A_810, %select_n3A_811 masked %masked_sort3A_812 {descending = true} : (vector<16xf32>, vector<16xi32>, vector<16xi1>) -> (vector<16xi1>, vector<16xf32>, vector<16xi32>)
      %abs3A_816 = math.absf %scan3A_625#7 : vector<16xf32>
      %mul3A_817 = arith.mulf %scan3A_625#7, %abs3A_816 : vector<16xf32>
      %div3A_818 = arith.divf %mul3A_817, %scan3A_625#15 : vector<16xf32>
      %jit3A_819 = arith.constant -3.000000e+38 : f32
      %broadcast_in_dim3A_820 = vector.broadcast %jit3A_819 : f32 to vector<16xf32>
      %select_n3A_821 = arith.select %and3A_604, %div3A_818, %broadcast_in_dim3A_820 : vector<16xi1>, vector<16xf32>
      %masked_sort3A_822 = arith.constant dense<true> : vector<16xi1>
      %masked_sort3A_823, %masked_sort3A_824, %masked_sort3A_825 = tpu.sort %select_n3A_821, %add3A_594 masked %masked_sort3A_822 {descending = true} : (vector<16xf32>, vector<16xi32>, vector<16xi1>) -> (vector<16xi1>, vector<16xf32>, vector<16xi32>)
      %rev3A_826 = arith.constant 15 : i32
      %rev3A_827 = vector.broadcast %rev3A_826 : i32 to vector<16xi32>
      %rev3A_828 = tpu.iota {dimensions = array<i32: 0>} : vector<16xi32>
      %rev3A_829 = arith.subi %rev3A_827, %rev3A_828 : vector<16xi32>
      %rev3A_830 = tpu.dynamic_gather %masked_sort3A_824[%rev3A_829] in [0] : vector<16xf32>, vector<16xi32> -> vector<16xf32>
      %rev3A_831 = arith.constant 15 : i32
      %rev3A_832 = vector.broadcast %rev3A_831 : i32 to vector<16xi32>
      %rev3A_833 = tpu.iota {dimensions = array<i32: 0>} : vector<16xi32>
      %rev3A_834 = arith.subi %rev3A_832, %rev3A_833 : vector<16xi32>
      %rev3A_835 = tpu.dynamic_gather %masked_sort3A_825[%rev3A_834] in [0] : vector<16xi32>, vector<16xi32> -> vector<16xi32>
      %ge3A_836 = arith.cmpf oge, %masked_sort3A_814, %rev3A_830 : vector<16xf32>
      %select_n3A_837 = arith.select %ge3A_836, %masked_sort3A_814, %rev3A_830 : vector<16xi1>, vector<16xf32>
      %select_n3A_838 = arith.select %ge3A_836, %masked_sort3A_815, %rev3A_835 : vector<16xi1>, vector<16xi32>
      %masked_sort3A_839 = arith.constant dense<true> : vector<16xi1>
      %masked_sort3A_840, %masked_sort3A_841, %masked_sort3A_842 = tpu.sort %select_n3A_837, %select_n3A_838 masked %masked_sort3A_839 {descending = true} : (vector<16xf32>, vector<16xi32>, vector<16xi1>) -> (vector<16xi1>, vector<16xf32>, vector<16xi32>)
      %add3A_843 = arith.constant 2 : i32
      %add3A_844 = arith.addi %mul3A_450, %add3A_843 : i32
      %mul3A_845 = arith.constant 32 : i32
      %mul3A_846 = arith.muli %mul3A_845, %add3A_844 : i32
      %add3A_847 = arith.addi %add3A, %mul3A_846 : i32
      %min3A_848 = arith.constant 781 : i32
      %min3A_849 = arith.minsi %add3A_847, %min3A_848 : i32
      %mul3A_850 = arith.constant 128 : i32
      %mul3A_851 = arith.muli %min3A_849, %mul3A_850 : i32
      %min3A_852 = arith.constant 99872 : i32
      %min3A_853 = arith.minsi %mul3A_851, %min3A_852 : i32
      %multiple_of3A_854 = tpu.assume_multiple %min3A_853, 8 : i32
      %dma_start3A_855 = arith.constant 0 : i32
      %dma_start3A_856 = arith.constant 0 : i32
      %dma_start3A_857 = arith.constant 0 : i32
      %dma_start3A_858 = tpu.memref_slice %arg6[%dma_start3A_855, %dma_start3A_856, %dma_start3A_857] : memref<2x128x128xf32, #tpu.memory_space<vmem>> -> memref<1x128x128xf32, #tpu.memory_space<vmem>>
      %dma_start3A_859 = tpu.memref_squeeze %dma_start3A_858 : memref<1x128x128xf32, #tpu.memory_space<vmem>> -> memref<128x128xf32, #tpu.memory_space<vmem>>
      %dma_start3A_860 = arith.constant 0 : i32
      %dma_start3A_861 = tpu.memref_slice %arg2[%multiple_of3A_854, %dma_start3A_860] : memref<100000x128xf32, #tpu.memory_space<hbm>> -> memref<128x128xf32, #tpu.memory_space<hbm>>
      %dma_start3A_862 = arith.constant 0 : i32
      %dma_start3A_863 = arith.constant 0 : i32
      %dma_start3A_864 = tpu.memref_slice %arg6[%dma_start3A_855, %dma_start3A_862, %dma_start3A_863] : memref<2x128x128xf32, #tpu.memory_space<vmem>> -> memref<1x128x128xf32, #tpu.memory_space<vmem>>
      %dma_start3A_865 = tpu.memref_squeeze %dma_start3A_864 : memref<1x128x128xf32, #tpu.memory_space<vmem>> -> memref<128x128xf32, #tpu.memory_space<vmem>>
      %dma_start3A_866 = arith.constant 0 : i32
      %dma_start3A_867 = tpu.memref_slice %arg2[%multiple_of3A_854, %dma_start3A_866] : memref<100000x128xf32, #tpu.memory_space<hbm>> -> memref<128x128xf32, #tpu.memory_space<hbm>>
      tpu.enqueue_dma source(%dma_start3A_867 : memref<128x128xf32, #tpu.memory_space<hbm>>) target(%dma_start3A_865 : memref<128x128xf32, #tpu.memory_space<vmem>>) target_semaphore(%arg11 : memref<!tpu.dma_semaphore, #tpu.memory_space<semaphore_mem>>)
      %dma_wait3A_868 = arith.constant 1 : i32
      %dma_wait3A_869 = arith.constant 0 : i32
      %dma_wait3A_870 = arith.constant 0 : i32
      %dma_wait3A_871 = tpu.memref_slice %arg6[%dma_wait3A_868, %dma_wait3A_869, %dma_wait3A_870] : memref<2x128x128xf32, #tpu.memory_space<vmem>> -> memref<1x128x128xf32, #tpu.memory_space<vmem>>
      %dma_wait3A_872 = tpu.memref_squeeze %dma_wait3A_871 : memref<1x128x128xf32, #tpu.memory_space<vmem>> -> memref<128x128xf32, #tpu.memory_space<vmem>>
      %dma_wait3A_873 = arith.constant 0 : i32
      %dma_wait3A_874 = arith.constant 0 : i32
      %dma_wait3A_875 = tpu.memref_slice %arg2[%dma_wait3A_873, %dma_wait3A_874] : memref<100000x128xf32, #tpu.memory_space<hbm>> -> memref<128x128xf32, #tpu.memory_space<hbm>>
      %dma_wait3A_876 = arith.constant 0 : i32
      %dma_wait3A_877 = arith.constant 0 : i32
      %dma_wait3A_878 = tpu.memref_slice %arg6[%dma_wait3A_868, %dma_wait3A_876, %dma_wait3A_877] : memref<2x128x128xf32, #tpu.memory_space<vmem>> -> memref<1x128x128xf32, #tpu.memory_space<vmem>>
      %dma_wait3A_879 = tpu.memref_squeeze %dma_wait3A_878 : memref<1x128x128xf32, #tpu.memory_space<vmem>> -> memref<128x128xf32, #tpu.memory_space<vmem>>
      %dma_wait3A_880 = arith.constant 0 : i32
      %dma_wait3A_881 = arith.constant 0 : i32
      %dma_wait3A_882 = tpu.memref_slice %arg2[%dma_wait3A_880, %dma_wait3A_881] : memref<100000x128xf32, #tpu.memory_space<hbm>> -> memref<128x128xf32, #tpu.memory_space<hbm>>
      tpu.wait_dma2 semaphore(%arg12 : memref<!tpu.dma_semaphore, #tpu.memory_space<semaphore_mem>>) src(%dma_wait3A_882 : memref<128x128xf32, #tpu.memory_space<hbm>>) dst(%dma_wait3A_879 : memref<128x128xf32, #tpu.memory_space<vmem>>)
      %add3A_883 = arith.constant 1 : i32
      %add3A_884 = arith.addi %mul3A_450, %add3A_883 : i32
      %mul3A_885 = arith.constant 32 : i32
      %mul3A_886 = arith.muli %mul3A_885, %add3A_884 : i32
      %add3A_887 = arith.addi %add3A, %mul3A_886 : i32
      %le3A_888 = arith.constant 781 : i32
      %le3A_889 = arith.cmpi sle, %add3A_887, %le3A_888 : i32
      %min3A_890 = arith.constant 781 : i32
      %min3A_891 = arith.minsi %add3A_887, %min3A_890 : i32
      %mul3A_892 = arith.constant 32 : i32
      %mul3A_893 = arith.muli %mul3A_892, %add3A_884 : i32
      %add3A_894 = arith.addi %add3A, %mul3A_893 : i32
      %min3A_895 = arith.constant 781 : i32
      %min3A_896 = arith.minsi %add3A_894, %min3A_895 : i32
      %mul3A_897 = arith.constant 128 : i32
      %mul3A_898 = arith.muli %min3A_896, %mul3A_897 : i32
      %min3A_899 = arith.constant 99872 : i32
      %min3A_900 = arith.minsi %mul3A_898, %min3A_899 : i32
      %multiple_of3A_901 = tpu.assume_multiple %min3A_900, 8 : i32
      %broadcast_in_dim3A_902 = arith.constant 1 : i32
      %broadcast_in_dim3A_903 = vector.broadcast %broadcast_in_dim3A_902 : i32 to vector<16xi32>
      %add3A_904 = arith.constant 0 : i32
      %add3A_905 = vector.broadcast %add3A_904 : i32 to vector<16xi32>
      %add3A_906 = arith.addi %add3A_905, %iota3A : vector<16xi32>
      %add3A_907 = vector.broadcast %multiple_of3A_901 : i32 to vector<16xi32>
      %add3A_908 = arith.addi %add3A_907, %add3A_906 : vector<16xi32>
      %mul3A_909 = arith.constant 128 : i32
      %mul3A_910 = arith.muli %min3A_891, %mul3A_909 : i32
      %ge3A_911 = vector.broadcast %mul3A_910 : i32 to vector<16xi32>
      %ge3A_912 = arith.cmpi sge, %add3A_908, %ge3A_911 : vector<16xi32>
      %lt3A_913 = arith.constant 100000 : i32
      %lt3A_914 = vector.broadcast %lt3A_913 : i32 to vector<16xi32>
      %lt3A_915 = arith.cmpi slt, %add3A_908, %lt3A_914 : vector<16xi32>
      %and3A_916 = arith.andi %ge3A_912, %lt3A_915 : vector<16xi1>
      %and3A_917 = vector.broadcast %le3A_889 : i1 to vector<16xi1>
      %and3A_918 = arith.andi %and3A_916, %and3A_917 : vector<16xi1>
      %add3A_919 = arith.constant 16 : i32
      %add3A_920 = vector.broadcast %add3A_919 : i32 to vector<16xi32>
      %add3A_921 = arith.addi %add3A_920, %iota3A : vector<16xi32>
      %add3A_922 = vector.broadcast %multiple_of3A_901 : i32 to vector<16xi32>
      %add3A_923 = arith.addi %add3A_922, %add3A_921 : vector<16xi32>
      %mul3A_924 = arith.constant 128 : i32
      %mul3A_925 = arith.muli %min3A_891, %mul3A_924 : i32
      %ge3A_926 = vector.broadcast %mul3A_925 : i32 to vector<16xi32>
      %ge3A_927 = arith.cmpi sge, %add3A_923, %ge3A_926 : vector<16xi32>
      %lt3A_928 = arith.constant 100000 : i32
      %lt3A_929 = vector.broadcast %lt3A_928 : i32 to vector<16xi32>
      %lt3A_930 = arith.cmpi slt, %add3A_923, %lt3A_929 : vector<16xi32>
      %and3A_931 = arith.andi %ge3A_927, %lt3A_930 : vector<16xi1>
      %and3A_932 = vector.broadcast %le3A_889 : i1 to vector<16xi1>
      %and3A_933 = arith.andi %and3A_931, %and3A_932 : vector<16xi1>
      %add3A_934 = arith.constant 32 : i32
      %add3A_935 = vector.broadcast %add3A_934 : i32 to vector<16xi32>
      %add3A_936 = arith.addi %add3A_935, %iota3A : vector<16xi32>
      %add3A_937 = vector.broadcast %multiple_of3A_901 : i32 to vector<16xi32>
      %add3A_938 = arith.addi %add3A_937, %add3A_936 : vector<16xi32>
      %mul3A_939 = arith.constant 128 : i32
      %mul3A_940 = arith.muli %min3A_891, %mul3A_939 : i32
      %ge3A_941 = vector.broadcast %mul3A_940 : i32 to vector<16xi32>
      %ge3A_942 = arith.cmpi sge, %add3A_938, %ge3A_941 : vector<16xi32>
      %lt3A_943 = arith.constant 100000 : i32
      %lt3A_944 = vector.broadcast %lt3A_943 : i32 to vector<16xi32>
      %lt3A_945 = arith.cmpi slt, %add3A_938, %lt3A_944 : vector<16xi32>
      %and3A_946 = arith.andi %ge3A_942, %lt3A_945 : vector<16xi1>
      %and3A_947 = vector.broadcast %le3A_889 : i1 to vector<16xi1>
      %and3A_948 = arith.andi %and3A_946, %and3A_947 : vector<16xi1>
      %add3A_949 = arith.constant 48 : i32
      %add3A_950 = vector.broadcast %add3A_949 : i32 to vector<16xi32>
      %add3A_951 = arith.addi %add3A_950, %iota3A : vector<16xi32>
      %add3A_952 = vector.broadcast %multiple_of3A_901 : i32 to vector<16xi32>
      %add3A_953 = arith.addi %add3A_952, %add3A_951 : vector<16xi32>
      %mul3A_954 = arith.constant 128 : i32
      %mul3A_955 = arith.muli %min3A_891, %mul3A_954 : i32
      %ge3A_956 = vector.broadcast %mul3A_955 : i32 to vector<16xi32>
      %ge3A_957 = arith.cmpi sge, %add3A_953, %ge3A_956 : vector<16xi32>
      %lt3A_958 = arith.constant 100000 : i32
      %lt3A_959 = vector.broadcast %lt3A_958 : i32 to vector<16xi32>
      %lt3A_960 = arith.cmpi slt, %add3A_953, %lt3A_959 : vector<16xi32>
      %and3A_961 = arith.andi %ge3A_957, %lt3A_960 : vector<16xi1>
      %and3A_962 = vector.broadcast %le3A_889 : i1 to vector<16xi1>
      %and3A_963 = arith.andi %and3A_961, %and3A_962 : vector<16xi1>
      %add3A_964 = arith.constant 64 : i32
      %add3A_965 = vector.broadcast %add3A_964 : i32 to vector<16xi32>
      %add3A_966 = arith.addi %add3A_965, %iota3A : vector<16xi32>
      %add3A_967 = vector.broadcast %multiple_of3A_901 : i32 to vector<16xi32>
      %add3A_968 = arith.addi %add3A_967, %add3A_966 : vector<16xi32>
      %mul3A_969 = arith.constant 128 : i32
      %mul3A_970 = arith.muli %min3A_891, %mul3A_969 : i32
      %ge3A_971 = vector.broadcast %mul3A_970 : i32 to vector<16xi32>
      %ge3A_972 = arith.cmpi sge, %add3A_968, %ge3A_971 : vector<16xi32>
      %lt3A_973 = arith.constant 100000 : i32
      %lt3A_974 = vector.broadcast %lt3A_973 : i32 to vector<16xi32>
      %lt3A_975 = arith.cmpi slt, %add3A_968, %lt3A_974 : vector<16xi32>
      %and3A_976 = arith.andi %ge3A_972, %lt3A_975 : vector<16xi1>
      %and3A_977 = vector.broadcast %le3A_889 : i1 to vector<16xi1>
      %and3A_978 = arith.andi %and3A_976, %and3A_977 : vector<16xi1>
      %add3A_979 = arith.constant 80 : i32
      %add3A_980 = vector.broadcast %add3A_979 : i32 to vector<16xi32>
      %add3A_981 = arith.addi %add3A_980, %iota3A : vector<16xi32>
      %add3A_982 = vector.broadcast %multiple_of3A_901 : i32 to vector<16xi32>
      %add3A_983 = arith.addi %add3A_982, %add3A_981 : vector<16xi32>
      %mul3A_984 = arith.constant 128 : i32
      %mul3A_985 = arith.muli %min3A_891, %mul3A_984 : i32
      %ge3A_986 = vector.broadcast %mul3A_985 : i32 to vector<16xi32>
      %ge3A_987 = arith.cmpi sge, %add3A_983, %ge3A_986 : vector<16xi32>
      %lt3A_988 = arith.constant 100000 : i32
      %lt3A_989 = vector.broadcast %lt3A_988 : i32 to vector<16xi32>
      %lt3A_990 = arith.cmpi slt, %add3A_983, %lt3A_989 : vector<16xi32>
      %and3A_991 = arith.andi %ge3A_987, %lt3A_990 : vector<16xi1>
      %and3A_992 = vector.broadcast %le3A_889 : i1 to vector<16xi1>
      %and3A_993 = arith.andi %and3A_991, %and3A_992 : vector<16xi1>
      %add3A_994 = arith.constant 96 : i32
      %add3A_995 = vector.broadcast %add3A_994 : i32 to vector<16xi32>
      %add3A_996 = arith.addi %add3A_995, %iota3A : vector<16xi32>
      %add3A_997 = vector.broadcast %multiple_of3A_901 : i32 to vector<16xi32>
      %add3A_998 = arith.addi %add3A_997, %add3A_996 : vector<16xi32>
      %mul3A_999 = arith.constant 128 : i32
      %mul3A_1000 = arith.muli %min3A_891, %mul3A_999 : i32
      %ge3A_1001 = vector.broadcast %mul3A_1000 : i32 to vector<16xi32>
      %ge3A_1002 = arith.cmpi sge, %add3A_998, %ge3A_1001 : vector<16xi32>
      %lt3A_1003 = arith.constant 100000 : i32
      %lt3A_1004 = vector.broadcast %lt3A_1003 : i32 to vector<16xi32>
      %lt3A_1005 = arith.cmpi slt, %add3A_998, %lt3A_1004 : vector<16xi32>
      %and3A_1006 = arith.andi %ge3A_1002, %lt3A_1005 : vector<16xi1>
      %and3A_1007 = vector.broadcast %le3A_889 : i1 to vector<16xi1>
      %and3A_1008 = arith.andi %and3A_1006, %and3A_1007 : vector<16xi1>
      %add3A_1009 = arith.constant 112 : i32
      %add3A_1010 = vector.broadcast %add3A_1009 : i32 to vector<16xi32>
      %add3A_1011 = arith.addi %add3A_1010, %iota3A : vector<16xi32>
      %add3A_1012 = vector.broadcast %multiple_of3A_901 : i32 to vector<16xi32>
      %add3A_1013 = arith.addi %add3A_1012, %add3A_1011 : vector<16xi32>
      %mul3A_1014 = arith.constant 128 : i32
      %mul3A_1015 = arith.muli %min3A_891, %mul3A_1014 : i32
      %ge3A_1016 = vector.broadcast %mul3A_1015 : i32 to vector<16xi32>
      %ge3A_1017 = arith.cmpi sge, %add3A_1013, %ge3A_1016 : vector<16xi32>
      %lt3A_1018 = arith.constant 100000 : i32
      %lt3A_1019 = vector.broadcast %lt3A_1018 : i32 to vector<16xi32>
      %lt3A_1020 = arith.cmpi slt, %add3A_1013, %lt3A_1019 : vector<16xi32>
      %and3A_1021 = arith.andi %ge3A_1017, %lt3A_1020 : vector<16xi1>
      %and3A_1022 = vector.broadcast %le3A_889 : i1 to vector<16xi1>
      %and3A_1023 = arith.andi %and3A_1021, %and3A_1022 : vector<16xi1>
      %broadcast_in_dim3A_1024 = arith.constant 0.000000e+00 : f32
      %broadcast_in_dim3A_1025 = vector.broadcast %broadcast_in_dim3A_1024 : f32 to vector<16xf32>
      %broadcast_in_dim3A_1026 = arith.constant 0.000000e+00 : f32
      %broadcast_in_dim3A_1027 = vector.broadcast %broadcast_in_dim3A_1026 : f32 to vector<16xf32>
      %broadcast_in_dim3A_1028 = arith.constant 0.000000e+00 : f32
      %broadcast_in_dim3A_1029 = vector.broadcast %broadcast_in_dim3A_1028 : f32 to vector<16xf32>
      %broadcast_in_dim3A_1030 = arith.constant 0.000000e+00 : f32
      %broadcast_in_dim3A_1031 = vector.broadcast %broadcast_in_dim3A_1030 : f32 to vector<16xf32>
      %broadcast_in_dim3A_1032 = arith.constant 0.000000e+00 : f32
      %broadcast_in_dim3A_1033 = vector.broadcast %broadcast_in_dim3A_1032 : f32 to vector<16xf32>
      %broadcast_in_dim3A_1034 = arith.constant 0.000000e+00 : f32
      %broadcast_in_dim3A_1035 = vector.broadcast %broadcast_in_dim3A_1034 : f32 to vector<16xf32>
      %broadcast_in_dim3A_1036 = arith.constant 0.000000e+00 : f32
      %broadcast_in_dim3A_1037 = vector.broadcast %broadcast_in_dim3A_1036 : f32 to vector<16xf32>
      %broadcast_in_dim3A_1038 = arith.constant 0.000000e+00 : f32
      %broadcast_in_dim3A_1039 = vector.broadcast %broadcast_in_dim3A_1038 : f32 to vector<16xf32>
      %scan3A_1040 = arith.constant 0 : i32
      %scan3A_1041 = arith.constant 64 : i32
      %scan3A_1042 = arith.addi %scan3A_1040, %scan3A_1041 : i32
      %scan3A_1043 = arith.constant 1 : i32
      %scan3A_1044:16 = scf.for %scan3A_1267 = %scan3A_1040 to %scan3A_1042 step %scan3A_1043 iter_args(%scan3A_1268 = %broadcast_in_dim3A_1025, %scan3A_1269 = %broadcast_in_dim3A_1027, %scan3A_1270 = %broadcast_in_dim3A_1029, %scan3A_1271 = %broadcast_in_dim3A_1031, %scan3A_1272 = %broadcast_in_dim3A_1033, %scan3A_1273 = %broadcast_in_dim3A_1035, %scan3A_1274 = %broadcast_in_dim3A_1037, %scan3A_1275 = %broadcast_in_dim3A_1039, %scan3A_1276 = %broadcast_in_dim3A_1025, %scan3A_1277 = %broadcast_in_dim3A_1027, %scan3A_1278 = %broadcast_in_dim3A_1029, %scan3A_1279 = %broadcast_in_dim3A_1031, %scan3A_1280 = %broadcast_in_dim3A_1033, %scan3A_1281 = %broadcast_in_dim3A_1035, %scan3A_1282 = %broadcast_in_dim3A_1037, %scan3A_1283 = %broadcast_in_dim3A_1039) -> (vector<16xf32>, vector<16xf32>, vector<16xf32>, vector<16xf32>, vector<16xf32>, vector<16xf32>, vector<16xf32>, vector<16xf32>, vector<16xf32>, vector<16xf32>, vector<16xf32>, vector<16xf32>, vector<16xf32>, vector<16xf32>, vector<16xf32>, vector<16xf32>)  : i32 {
        %mul3A_1284 = arith.constant 2 : i32
        %mul3A_1285 = arith.muli %scan3A_1267, %mul3A_1284 : i32
        %add3A_1286 = arith.constant 0 : i32
        %add3A_1287 = arith.addi %mul3A_1285, %add3A_1286 : i32
        %add3A_1288 = vector.broadcast %add3A_1287 : i32 to vector<16xi32>
        %add3A_1289 = arith.addi %add3A_1288, %iota3A : vector<16xi32>
        %and3A_1290 = arith.constant 127 : i32
        %and3A_1291 = vector.broadcast %and3A_1290 : i32 to vector<16xi32>
        %and3A_1292 = arith.andi %add3A_1289, %and3A_1291 : vector<16xi32>
        %mul3A_1293 = arith.constant 16 : i32
        %mul3A_1294 = arith.muli %add3A_1287, %mul3A_1293 : i32
        %get3A = arith.index_cast %mul3A_1294 : i32 to index
        %get3A_1295 = tpu.vector_load %arg8[%get3A] {strides = array<i32>} : memref<2048xf32, #tpu.memory_space<vmem>>, vector<16xf32>,
        %gather3A = tpu.vector_load_idx %arg6[%broadcast_in_dim3A_903, %add3A_906, %and3A_1292] : memref<2x128x128xf32, #tpu.memory_space<vmem>>[vector<16xi32>, vector<16xi32>, vector<16xi32>], vector<16xf32>,
        %mul3A_1296 = arith.mulf %gather3A, %get3A_1295 : vector<16xf32>
        %add3A_1297 = arith.addf %scan3A_1268, %mul3A_1296 : vector<16xf32>
        %mul3A_1298 = arith.mulf %gather3A, %gather3A : vector<16xf32>
        %add3A_1299 = arith.addf %scan3A_1276, %mul3A_1298 : vector<16xf32>
        %gather3A_1300 = tpu.vector_load_idx %arg6[%broadcast_in_dim3A_903, %add3A_921, %and3A_1292] : memref<2x128x128xf32, #tpu.memory_space<vmem>>[vector<16xi32>, vector<16xi32>, vector<16xi32>], vector<16xf32>,
        %mul3A_1301 = arith.mulf %gather3A_1300, %get3A_1295 : vector<16xf32>
        %add3A_1302 = arith.addf %scan3A_1269, %mul3A_1301 : vector<16xf32>
        %mul3A_1303 = arith.mulf %gather3A_1300, %gather3A_1300 : vector<16xf32>
        %add3A_1304 = arith.addf %scan3A_1277, %mul3A_1303 : vector<16xf32>
        %gather3A_1305 = tpu.vector_load_idx %arg6[%broadcast_in_dim3A_903, %add3A_936, %and3A_1292] : memref<2x128x128xf32, #tpu.memory_space<vmem>>[vector<16xi32>, vector<16xi32>, vector<16xi32>], vector<16xf32>,
        %mul3A_1306 = arith.mulf %gather3A_1305, %get3A_1295 : vector<16xf32>
        %add3A_1307 = arith.addf %scan3A_1270, %mul3A_1306 : vector<16xf32>
        %mul3A_1308 = arith.mulf %gather3A_1305, %gather3A_1305 : vector<16xf32>
        %add3A_1309 = arith.addf %scan3A_1278, %mul3A_1308 : vector<16xf32>
        %gather3A_1310 = tpu.vector_load_idx %arg6[%broadcast_in_dim3A_903, %add3A_951, %and3A_1292] : memref<2x128x128xf32, #tpu.memory_space<vmem>>[vector<16xi32>, vector<16xi32>, vector<16xi32>], vector<16xf32>,
        %mul3A_1311 = arith.mulf %gather3A_1310, %get3A_1295 : vector<16xf32>
        %add3A_1312 = arith.addf %scan3A_1271, %mul3A_1311 : vector<16xf32>
        %mul3A_1313 = arith.mulf %gather3A_1310, %gather3A_1310 : vector<16xf32>
        %add3A_1314 = arith.addf %scan3A_1279, %mul3A_1313 : vector<16xf32>
        %gather3A_1315 = tpu.vector_load_idx %arg6[%broadcast_in_dim3A_903, %add3A_966, %and3A_1292] : memref<2x128x128xf32, #tpu.memory_space<vmem>>[vector<16xi32>, vector<16xi32>, vector<16xi32>], vector<16xf32>,
        %mul3A_1316 = arith.mulf %gather3A_1315, %get3A_1295 : vector<16xf32>
        %add3A_1317 = arith.addf %scan3A_1272, %mul3A_1316 : vector<16xf32>
        %mul3A_1318 = arith.mulf %gather3A_1315, %gather3A_1315 : vector<16xf32>
        %add3A_1319 = arith.addf %scan3A_1280, %mul3A_1318 : vector<16xf32>
        %gather3A_1320 = tpu.vector_load_idx %arg6[%broadcast_in_dim3A_903, %add3A_981, %and3A_1292] : memref<2x128x128xf32, #tpu.memory_space<vmem>>[vector<16xi32>, vector<16xi32>, vector<16xi32>], vector<16xf32>,
        %mul3A_1321 = arith.mulf %gather3A_1320, %get3A_1295 : vector<16xf32>
        %add3A_1322 = arith.addf %scan3A_1273, %mul3A_1321 : vector<16xf32>
        %mul3A_1323 = arith.mulf %gather3A_1320, %gather3A_1320 : vector<16xf32>
        %add3A_1324 = arith.addf %scan3A_1281, %mul3A_1323 : vector<16xf32>
        %gather3A_1325 = tpu.vector_load_idx %arg6[%broadcast_in_dim3A_903, %add3A_996, %and3A_1292] : memref<2x128x128xf32, #tpu.memory_space<vmem>>[vector<16xi32>, vector<16xi32>, vector<16xi32>], vector<16xf32>,
        %mul3A_1326 = arith.mulf %gather3A_1325, %get3A_1295 : vector<16xf32>
        %add3A_1327 = arith.addf %scan3A_1274, %mul3A_1326 : vector<16xf32>
        %mul3A_1328 = arith.mulf %gather3A_1325, %gather3A_1325 : vector<16xf32>
        %add3A_1329 = arith.addf %scan3A_1282, %mul3A_1328 : vector<16xf32>
        %gather3A_1330 = tpu.vector_load_idx %arg6[%broadcast_in_dim3A_903, %add3A_1011, %and3A_1292] : memref<2x128x128xf32, #tpu.memory_space<vmem>>[vector<16xi32>, vector<16xi32>, vector<16xi32>], vector<16xf32>,
        %mul3A_1331 = arith.mulf %gather3A_1330, %get3A_1295 : vector<16xf32>
        %add3A_1332 = arith.addf %scan3A_1275, %mul3A_1331 : vector<16xf32>
        %mul3A_1333 = arith.mulf %gather3A_1330, %gather3A_1330 : vector<16xf32>
        %add3A_1334 = arith.addf %scan3A_1283, %mul3A_1333 : vector<16xf32>
        %mul3A_1335 = arith.constant 2 : i32
        %mul3A_1336 = arith.muli %scan3A_1267, %mul3A_1335 : i32
        %add3A_1337 = arith.constant 1 : i32
        %add3A_1338 = arith.addi %mul3A_1336, %add3A_1337 : i32
        %add3A_1339 = vector.broadcast %add3A_1338 : i32 to vector<16xi32>
        %add3A_1340 = arith.addi %add3A_1339, %iota3A : vector<16xi32>
        %and3A_1341 = arith.constant 127 : i32
        %and3A_1342 = vector.broadcast %and3A_1341 : i32 to vector<16xi32>
        %and3A_1343 = arith.andi %add3A_1340, %and3A_1342 : vector<16xi32>
        %mul3A_1344 = arith.constant 16 : i32
        %mul3A_1345 = arith.muli %add3A_1338, %mul3A_1344 : i32
        %get3A_1346 = arith.index_cast %mul3A_1345 : i32 to index
        %get3A_1347 = tpu.vector_load %arg8[%get3A_1346] {strides = array<i32>} : memref<2048xf32, #tpu.memory_space<vmem>>, vector<16xf32>,
        %gather3A_1348 = tpu.vector_load_idx %arg6[%broadcast_in_dim3A_903, %add3A_906, %and3A_1343] : memref<2x128x128xf32, #tpu.memory_space<vmem>>[vector<16xi32>, vector<16xi32>, vector<16xi32>], vector<16xf32>,
        %mul3A_1349 = arith.mulf %gather3A_1348, %get3A_1347 : vector<16xf32>
        %add3A_1350 = arith.addf %add3A_1297, %mul3A_1349 : vector<16xf32>
        %mul3A_1351 = arith.mulf %gather3A_1348, %gather3A_1348 : vector<16xf32>
        %add3A_1352 = arith.addf %add3A_1299, %mul3A_1351 : vector<16xf32>
        %gather3A_1353 = tpu.vector_load_idx %arg6[%broadcast_in_dim3A_903, %add3A_921, %and3A_1343] : memref<2x128x128xf32, #tpu.memory_space<vmem>>[vector<16xi32>, vector<16xi32>, vector<16xi32>], vector<16xf32>,
        %mul3A_1354 = arith.mulf %gather3A_1353, %get3A_1347 : vector<16xf32>
        %add3A_1355 = arith.addf %add3A_1302, %mul3A_1354 : vector<16xf32>
        %mul3A_1356 = arith.mulf %gather3A_1353, %gather3A_1353 : vector<16xf32>
        %add3A_1357 = arith.addf %add3A_1304, %mul3A_1356 : vector<16xf32>
        %gather3A_1358 = tpu.vector_load_idx %arg6[%broadcast_in_dim3A_903, %add3A_936, %and3A_1343] : memref<2x128x128xf32, #tpu.memory_space<vmem>>[vector<16xi32>, vector<16xi32>, vector<16xi32>], vector<16xf32>,
        %mul3A_1359 = arith.mulf %gather3A_1358, %get3A_1347 : vector<16xf32>
        %add3A_1360 = arith.addf %add3A_1307, %mul3A_1359 : vector<16xf32>
        %mul3A_1361 = arith.mulf %gather3A_1358, %gather3A_1358 : vector<16xf32>
        %add3A_1362 = arith.addf %add3A_1309, %mul3A_1361 : vector<16xf32>
        %gather3A_1363 = tpu.vector_load_idx %arg6[%broadcast_in_dim3A_903, %add3A_951, %and3A_1343] : memref<2x128x128xf32, #tpu.memory_space<vmem>>[vector<16xi32>, vector<16xi32>, vector<16xi32>], vector<16xf32>,
        %mul3A_1364 = arith.mulf %gather3A_1363, %get3A_1347 : vector<16xf32>
        %add3A_1365 = arith.addf %add3A_1312, %mul3A_1364 : vector<16xf32>
        %mul3A_1366 = arith.mulf %gather3A_1363, %gather3A_1363 : vector<16xf32>
        %add3A_1367 = arith.addf %add3A_1314, %mul3A_1366 : vector<16xf32>
        %gather3A_1368 = tpu.vector_load_idx %arg6[%broadcast_in_dim3A_903, %add3A_966, %and3A_1343] : memref<2x128x128xf32, #tpu.memory_space<vmem>>[vector<16xi32>, vector<16xi32>, vector<16xi32>], vector<16xf32>,
        %mul3A_1369 = arith.mulf %gather3A_1368, %get3A_1347 : vector<16xf32>
        %add3A_1370 = arith.addf %add3A_1317, %mul3A_1369 : vector<16xf32>
        %mul3A_1371 = arith.mulf %gather3A_1368, %gather3A_1368 : vector<16xf32>
        %add3A_1372 = arith.addf %add3A_1319, %mul3A_1371 : vector<16xf32>
        %gather3A_1373 = tpu.vector_load_idx %arg6[%broadcast_in_dim3A_903, %add3A_981, %and3A_1343] : memref<2x128x128xf32, #tpu.memory_space<vmem>>[vector<16xi32>, vector<16xi32>, vector<16xi32>], vector<16xf32>,
        %mul3A_1374 = arith.mulf %gather3A_1373, %get3A_1347 : vector<16xf32>
        %add3A_1375 = arith.addf %add3A_1322, %mul3A_1374 : vector<16xf32>
        %mul3A_1376 = arith.mulf %gather3A_1373, %gather3A_1373 : vector<16xf32>
        %add3A_1377 = arith.addf %add3A_1324, %mul3A_1376 : vector<16xf32>
        %gather3A_1378 = tpu.vector_load_idx %arg6[%broadcast_in_dim3A_903, %add3A_996, %and3A_1343] : memref<2x128x128xf32, #tpu.memory_space<vmem>>[vector<16xi32>, vector<16xi32>, vector<16xi32>], vector<16xf32>,
        %mul3A_1379 = arith.mulf %gather3A_1378, %get3A_1347 : vector<16xf32>
        %add3A_1380 = arith.addf %add3A_1327, %mul3A_1379 : vector<16xf32>
        %mul3A_1381 = arith.mulf %gather3A_1378, %gather3A_1378 : vector<16xf32>
        %add3A_1382 = arith.addf %add3A_1329, %mul3A_1381 : vector<16xf32>
        %gather3A_1383 = tpu.vector_load_idx %arg6[%broadcast_in_dim3A_903, %add3A_1011, %and3A_1343] : memref<2x128x128xf32, #tpu.memory_space<vmem>>[vector<16xi32>, vector<16xi32>, vector<16xi32>], vector<16xf32>,
        %mul3A_1384 = arith.mulf %gather3A_1383, %get3A_1347 : vector<16xf32>
        %add3A_1385 = arith.addf %add3A_1332, %mul3A_1384 : vector<16xf32>
        %mul3A_1386 = arith.mulf %gather3A_1383, %gather3A_1383 : vector<16xf32>
        %add3A_1387 = arith.addf %add3A_1334, %mul3A_1386 : vector<16xf32>
        scf.yield %add3A_1350, %add3A_1355, %add3A_1360, %add3A_1365, %add3A_1370, %add3A_1375, %add3A_1380, %add3A_1385, %add3A_1352, %add3A_1357, %add3A_1362, %add3A_1367, %add3A_1372, %add3A_1377, %add3A_1382, %add3A_1387 : vector<16xf32>, vector<16xf32>, vector<16xf32>, vector<16xf32>, vector<16xf32>, vector<16xf32>, vector<16xf32>, vector<16xf32>, vector<16xf32>, vector<16xf32>, vector<16xf32>, vector<16xf32>, vector<16xf32>, vector<16xf32>, vector<16xf32>, vector<16xf32>
      }
      %scan3A_1045 = arith.constant 64 : i32
      %abs3A_1046 = math.absf %scan3A_1044#0 : vector<16xf32>
      %mul3A_1047 = arith.mulf %scan3A_1044#0, %abs3A_1046 : vector<16xf32>
      %div3A_1048 = arith.divf %mul3A_1047, %scan3A_1044#8 : vector<16xf32>
      %jit3A_1049 = arith.constant -3.000000e+38 : f32
      %broadcast_in_dim3A_1050 = vector.broadcast %jit3A_1049 : f32 to vector<16xf32>
      %select_n3A_1051 = arith.select %and3A_918, %div3A_1048, %broadcast_in_dim3A_1050 : vector<16xi1>, vector<16xf32>
      %masked_sort3A_1052 = arith.constant dense<true> : vector<16xi1>
      %masked_sort3A_1053, %masked_sort3A_1054, %masked_sort3A_1055 = tpu.sort %select_n3A_1051, %add3A_908 masked %masked_sort3A_1052 {descending = true} : (vector<16xf32>, vector<16xi32>, vector<16xi1>) -> (vector<16xi1>, vector<16xf32>, vector<16xi32>)
      %rev3A_1056 = arith.constant 15 : i32
      %rev3A_1057 = vector.broadcast %rev3A_1056 : i32 to vector<16xi32>
      %rev3A_1058 = tpu.iota {dimensions = array<i32: 0>} : vector<16xi32>
      %rev3A_1059 = arith.subi %rev3A_1057, %rev3A_1058 : vector<16xi32>
      %rev3A_1060 = tpu.dynamic_gather %masked_sort3A_1054[%rev3A_1059] in [0] : vector<16xf32>, vector<16xi32> -> vector<16xf32>
      %rev3A_1061 = arith.constant 15 : i32
      %rev3A_1062 = vector.broadcast %rev3A_1061 : i32 to vector<16xi32>
      %rev3A_1063 = tpu.iota {dimensions = array<i32: 0>} : vector<16xi32>
      %rev3A_1064 = arith.subi %rev3A_1062, %rev3A_1063 : vector<16xi32>
      %rev3A_1065 = tpu.dynamic_gather %masked_sort3A_1055[%rev3A_1064] in [0] : vector<16xi32>, vector<16xi32> -> vector<16xi32>
      %ge3A_1066 = arith.cmpf oge, %masked_sort3A_841, %rev3A_1060 : vector<16xf32>
      %select_n3A_1067 = arith.select %ge3A_1066, %masked_sort3A_841, %rev3A_1060 : vector<16xi1>, vector<16xf32>
      %select_n3A_1068 = arith.select %ge3A_1066, %masked_sort3A_842, %rev3A_1065 : vector<16xi1>, vector<16xi32>
      %masked_sort3A_1069 = arith.constant dense<true> : vector<16xi1>
      %masked_sort3A_1070, %masked_sort3A_1071, %masked_sort3A_1072 = tpu.sort %select_n3A_1067, %select_n3A_1068 masked %masked_sort3A_1069 {descending = true} : (vector<16xf32>, vector<16xi32>, vector<16xi1>) -> (vector<16xi1>, vector<16xf32>, vector<16xi32>)
      %abs3A_1073 = math.absf %scan3A_1044#1 : vector<16xf32>
      %mul3A_1074 = arith.mulf %scan3A_1044#1, %abs3A_1073 : vector<16xf32>
      %div3A_1075 = arith.divf %mul3A_1074, %scan3A_1044#9 : vector<16xf32>
      %jit3A_1076 = arith.constant -3.000000e+38 : f32
      %broadcast_in_dim3A_1077 = vector.broadcast %jit3A_1076 : f32 to vector<16xf32>
      %select_n3A_1078 = arith.select %and3A_933, %div3A_1075, %broadcast_in_dim3A_1077 : vector<16xi1>, vector<16xf32>
      %masked_sort3A_1079 = arith.constant dense<true> : vector<16xi1>
      %masked_sort3A_1080, %masked_sort3A_1081, %masked_sort3A_1082 = tpu.sort %select_n3A_1078, %add3A_923 masked %masked_sort3A_1079 {descending = true} : (vector<16xf32>, vector<16xi32>, vector<16xi1>) -> (vector<16xi1>, vector<16xf32>, vector<16xi32>)
      %rev3A_1083 = arith.constant 15 : i32
      %rev3A_1084 = vector.broadcast %rev3A_1083 : i32 to vector<16xi32>
      %rev3A_1085 = tpu.iota {dimensions = array<i32: 0>} : vector<16xi32>
      %rev3A_1086 = arith.subi %rev3A_1084, %rev3A_1085 : vector<16xi32>
      %rev3A_1087 = tpu.dynamic_gather %masked_sort3A_1081[%rev3A_1086] in [0] : vector<16xf32>, vector<16xi32> -> vector<16xf32>
      %rev3A_1088 = arith.constant 15 : i32
      %rev3A_1089 = vector.broadcast %rev3A_1088 : i32 to vector<16xi32>
      %rev3A_1090 = tpu.iota {dimensions = array<i32: 0>} : vector<16xi32>
      %rev3A_1091 = arith.subi %rev3A_1089, %rev3A_1090 : vector<16xi32>
      %rev3A_1092 = tpu.dynamic_gather %masked_sort3A_1082[%rev3A_1091] in [0] : vector<16xi32>, vector<16xi32> -> vector<16xi32>
      %ge3A_1093 = arith.cmpf oge, %masked_sort3A_1071, %rev3A_1087 : vector<16xf32>
      %select_n3A_1094 = arith.select %ge3A_1093, %masked_sort3A_1071, %rev3A_1087 : vector<16xi1>, vector<16xf32>
      %select_n3A_1095 = arith.select %ge3A_1093, %masked_sort3A_1072, %rev3A_1092 : vector<16xi1>, vector<16xi32>
      %masked_sort3A_1096 = arith.constant dense<true> : vector<16xi1>
      %masked_sort3A_1097, %masked_sort3A_1098, %masked_sort3A_1099 = tpu.sort %select_n3A_1094, %select_n3A_1095 masked %masked_sort3A_1096 {descending = true} : (vector<16xf32>, vector<16xi32>, vector<16xi1>) -> (vector<16xi1>, vector<16xf32>, vector<16xi32>)
      %abs3A_1100 = math.absf %scan3A_1044#2 : vector<16xf32>
      %mul3A_1101 = arith.mulf %scan3A_1044#2, %abs3A_1100 : vector<16xf32>
      %div3A_1102 = arith.divf %mul3A_1101, %scan3A_1044#10 : vector<16xf32>
      %jit3A_1103 = arith.constant -3.000000e+38 : f32
      %broadcast_in_dim3A_1104 = vector.broadcast %jit3A_1103 : f32 to vector<16xf32>
      %select_n3A_1105 = arith.select %and3A_948, %div3A_1102, %broadcast_in_dim3A_1104 : vector<16xi1>, vector<16xf32>
      %masked_sort3A_1106 = arith.constant dense<true> : vector<16xi1>
      %masked_sort3A_1107, %masked_sort3A_1108, %masked_sort3A_1109 = tpu.sort %select_n3A_1105, %add3A_938 masked %masked_sort3A_1106 {descending = true} : (vector<16xf32>, vector<16xi32>, vector<16xi1>) -> (vector<16xi1>, vector<16xf32>, vector<16xi32>)
      %rev3A_1110 = arith.constant 15 : i32
      %rev3A_1111 = vector.broadcast %rev3A_1110 : i32 to vector<16xi32>
      %rev3A_1112 = tpu.iota {dimensions = array<i32: 0>} : vector<16xi32>
      %rev3A_1113 = arith.subi %rev3A_1111, %rev3A_1112 : vector<16xi32>
      %rev3A_1114 = tpu.dynamic_gather %masked_sort3A_1108[%rev3A_1113] in [0] : vector<16xf32>, vector<16xi32> -> vector<16xf32>
      %rev3A_1115 = arith.constant 15 : i32
      %rev3A_1116 = vector.broadcast %rev3A_1115 : i32 to vector<16xi32>
      %rev3A_1117 = tpu.iota {dimensions = array<i32: 0>} : vector<16xi32>
      %rev3A_1118 = arith.subi %rev3A_1116, %rev3A_1117 : vector<16xi32>
      %rev3A_1119 = tpu.dynamic_gather %masked_sort3A_1109[%rev3A_1118] in [0] : vector<16xi32>, vector<16xi32> -> vector<16xi32>
      %ge3A_1120 = arith.cmpf oge, %masked_sort3A_1098, %rev3A_1114 : vector<16xf32>
      %select_n3A_1121 = arith.select %ge3A_1120, %masked_sort3A_1098, %rev3A_1114 : vector<16xi1>, vector<16xf32>
      %select_n3A_1122 = arith.select %ge3A_1120, %masked_sort3A_1099, %rev3A_1119 : vector<16xi1>, vector<16xi32>
      %masked_sort3A_1123 = arith.constant dense<true> : vector<16xi1>
      %masked_sort3A_1124, %masked_sort3A_1125, %masked_sort3A_1126 = tpu.sort %select_n3A_1121, %select_n3A_1122 masked %masked_sort3A_1123 {descending = true} : (vector<16xf32>, vector<16xi32>, vector<16xi1>) -> (vector<16xi1>, vector<16xf32>, vector<16xi32>)
      %abs3A_1127 = math.absf %scan3A_1044#3 : vector<16xf32>
      %mul3A_1128 = arith.mulf %scan3A_1044#3, %abs3A_1127 : vector<16xf32>
      %div3A_1129 = arith.divf %mul3A_1128, %scan3A_1044#11 : vector<16xf32>
      %jit3A_1130 = arith.constant -3.000000e+38 : f32
      %broadcast_in_dim3A_1131 = vector.broadcast %jit3A_1130 : f32 to vector<16xf32>
      %select_n3A_1132 = arith.select %and3A_963, %div3A_1129, %broadcast_in_dim3A_1131 : vector<16xi1>, vector<16xf32>
      %masked_sort3A_1133 = arith.constant dense<true> : vector<16xi1>
      %masked_sort3A_1134, %masked_sort3A_1135, %masked_sort3A_1136 = tpu.sort %select_n3A_1132, %add3A_953 masked %masked_sort3A_1133 {descending = true} : (vector<16xf32>, vector<16xi32>, vector<16xi1>) -> (vector<16xi1>, vector<16xf32>, vector<16xi32>)
      %rev3A_1137 = arith.constant 15 : i32
      %rev3A_1138 = vector.broadcast %rev3A_1137 : i32 to vector<16xi32>
      %rev3A_1139 = tpu.iota {dimensions = array<i32: 0>} : vector<16xi32>
      %rev3A_1140 = arith.subi %rev3A_1138, %rev3A_1139 : vector<16xi32>
      %rev3A_1141 = tpu.dynamic_gather %masked_sort3A_1135[%rev3A_1140] in [0] : vector<16xf32>, vector<16xi32> -> vector<16xf32>
      %rev3A_1142 = arith.constant 15 : i32
      %rev3A_1143 = vector.broadcast %rev3A_1142 : i32 to vector<16xi32>
      %rev3A_1144 = tpu.iota {dimensions = array<i32: 0>} : vector<16xi32>
      %rev3A_1145 = arith.subi %rev3A_1143, %rev3A_1144 : vector<16xi32>
      %rev3A_1146 = tpu.dynamic_gather %masked_sort3A_1136[%rev3A_1145] in [0] : vector<16xi32>, vector<16xi32> -> vector<16xi32>
      %ge3A_1147 = arith.cmpf oge, %masked_sort3A_1125, %rev3A_1141 : vector<16xf32>
      %select_n3A_1148 = arith.select %ge3A_1147, %masked_sort3A_1125, %rev3A_1141 : vector<16xi1>, vector<16xf32>
      %select_n3A_1149 = arith.select %ge3A_1147, %masked_sort3A_1126, %rev3A_1146 : vector<16xi1>, vector<16xi32>
      %masked_sort3A_1150 = arith.constant dense<true> : vector<16xi1>
      %masked_sort3A_1151, %masked_sort3A_1152, %masked_sort3A_1153 = tpu.sort %select_n3A_1148, %select_n3A_1149 masked %masked_sort3A_1150 {descending = true} : (vector<16xf32>, vector<16xi32>, vector<16xi1>) -> (vector<16xi1>, vector<16xf32>, vector<16xi32>)
      %abs3A_1154 = math.absf %scan3A_1044#4 : vector<16xf32>
      %mul3A_1155 = arith.mulf %scan3A_1044#4, %abs3A_1154 : vector<16xf32>
      %div3A_1156 = arith.divf %mul3A_1155, %scan3A_1044#12 : vector<16xf32>
      %jit3A_1157 = arith.constant -3.000000e+38 : f32
      %broadcast_in_dim3A_1158 = vector.broadcast %jit3A_1157 : f32 to vector<16xf32>
      %select_n3A_1159 = arith.select %and3A_978, %div3A_1156, %broadcast_in_dim3A_1158 : vector<16xi1>, vector<16xf32>
      %masked_sort3A_1160 = arith.constant dense<true> : vector<16xi1>
      %masked_sort3A_1161, %masked_sort3A_1162, %masked_sort3A_1163 = tpu.sort %select_n3A_1159, %add3A_968 masked %masked_sort3A_1160 {descending = true} : (vector<16xf32>, vector<16xi32>, vector<16xi1>) -> (vector<16xi1>, vector<16xf32>, vector<16xi32>)
      %rev3A_1164 = arith.constant 15 : i32
      %rev3A_1165 = vector.broadcast %rev3A_1164 : i32 to vector<16xi32>
      %rev3A_1166 = tpu.iota {dimensions = array<i32: 0>} : vector<16xi32>
      %rev3A_1167 = arith.subi %rev3A_1165, %rev3A_1166 : vector<16xi32>
      %rev3A_1168 = tpu.dynamic_gather %masked_sort3A_1162[%rev3A_1167] in [0] : vector<16xf32>, vector<16xi32> -> vector<16xf32>
      %rev3A_1169 = arith.constant 15 : i32
      %rev3A_1170 = vector.broadcast %rev3A_1169 : i32 to vector<16xi32>
      %rev3A_1171 = tpu.iota {dimensions = array<i32: 0>} : vector<16xi32>
      %rev3A_1172 = arith.subi %rev3A_1170, %rev3A_1171 : vector<16xi32>
      %rev3A_1173 = tpu.dynamic_gather %masked_sort3A_1163[%rev3A_1172] in [0] : vector<16xi32>, vector<16xi32> -> vector<16xi32>
      %ge3A_1174 = arith.cmpf oge, %masked_sort3A_1152, %rev3A_1168 : vector<16xf32>
      %select_n3A_1175 = arith.select %ge3A_1174, %masked_sort3A_1152, %rev3A_1168 : vector<16xi1>, vector<16xf32>
      %select_n3A_1176 = arith.select %ge3A_1174, %masked_sort3A_1153, %rev3A_1173 : vector<16xi1>, vector<16xi32>
      %masked_sort3A_1177 = arith.constant dense<true> : vector<16xi1>
      %masked_sort3A_1178, %masked_sort3A_1179, %masked_sort3A_1180 = tpu.sort %select_n3A_1175, %select_n3A_1176 masked %masked_sort3A_1177 {descending = true} : (vector<16xf32>, vector<16xi32>, vector<16xi1>) -> (vector<16xi1>, vector<16xf32>, vector<16xi32>)
      %abs3A_1181 = math.absf %scan3A_1044#5 : vector<16xf32>
      %mul3A_1182 = arith.mulf %scan3A_1044#5, %abs3A_1181 : vector<16xf32>
      %div3A_1183 = arith.divf %mul3A_1182, %scan3A_1044#13 : vector<16xf32>
      %jit3A_1184 = arith.constant -3.000000e+38 : f32
      %broadcast_in_dim3A_1185 = vector.broadcast %jit3A_1184 : f32 to vector<16xf32>
      %select_n3A_1186 = arith.select %and3A_993, %div3A_1183, %broadcast_in_dim3A_1185 : vector<16xi1>, vector<16xf32>
      %masked_sort3A_1187 = arith.constant dense<true> : vector<16xi1>
      %masked_sort3A_1188, %masked_sort3A_1189, %masked_sort3A_1190 = tpu.sort %select_n3A_1186, %add3A_983 masked %masked_sort3A_1187 {descending = true} : (vector<16xf32>, vector<16xi32>, vector<16xi1>) -> (vector<16xi1>, vector<16xf32>, vector<16xi32>)
      %rev3A_1191 = arith.constant 15 : i32
      %rev3A_1192 = vector.broadcast %rev3A_1191 : i32 to vector<16xi32>
      %rev3A_1193 = tpu.iota {dimensions = array<i32: 0>} : vector<16xi32>
      %rev3A_1194 = arith.subi %rev3A_1192, %rev3A_1193 : vector<16xi32>
      %rev3A_1195 = tpu.dynamic_gather %masked_sort3A_1189[%rev3A_1194] in [0] : vector<16xf32>, vector<16xi32> -> vector<16xf32>
      %rev3A_1196 = arith.constant 15 : i32
      %rev3A_1197 = vector.broadcast %rev3A_1196 : i32 to vector<16xi32>
      %rev3A_1198 = tpu.iota {dimensions = array<i32: 0>} : vector<16xi32>
      %rev3A_1199 = arith.subi %rev3A_1197, %rev3A_1198 : vector<16xi32>
      %rev3A_1200 = tpu.dynamic_gather %masked_sort3A_1190[%rev3A_1199] in [0] : vector<16xi32>, vector<16xi32> -> vector<16xi32>
      %ge3A_1201 = arith.cmpf oge, %masked_sort3A_1179, %rev3A_1195 : vector<16xf32>
      %select_n3A_1202 = arith.select %ge3A_1201, %masked_sort3A_1179, %rev3A_1195 : vector<16xi1>, vector<16xf32>
      %select_n3A_1203 = arith.select %ge3A_1201, %masked_sort3A_1180, %rev3A_1200 : vector<16xi1>, vector<16xi32>
      %masked_sort3A_1204 = arith.constant dense<true> : vector<16xi1>
      %masked_sort3A_1205, %masked_sort3A_1206, %masked_sort3A_1207 = tpu.sort %select_n3A_1202, %select_n3A_1203 masked %masked_sort3A_1204 {descending = true} : (vector<16xf32>, vector<16xi32>, vector<16xi1>) -> (vector<16xi1>, vector<16xf32>, vector<16xi32>)
      %abs3A_1208 = math.absf %scan3A_1044#6 : vector<16xf32>
      %mul3A_1209 = arith.mulf %scan3A_1044#6, %abs3A_1208 : vector<16xf32>
      %div3A_1210 = arith.divf %mul3A_1209, %scan3A_1044#14 : vector<16xf32>
      %jit3A_1211 = arith.constant -3.000000e+38 : f32
      %broadcast_in_dim3A_1212 = vector.broadcast %jit3A_1211 : f32 to vector<16xf32>
      %select_n3A_1213 = arith.select %and3A_1008, %div3A_1210, %broadcast_in_dim3A_1212 : vector<16xi1>, vector<16xf32>
      %masked_sort3A_1214 = arith.constant dense<true> : vector<16xi1>
      %masked_sort3A_1215, %masked_sort3A_1216, %masked_sort3A_1217 = tpu.sort %select_n3A_1213, %add3A_998 masked %masked_sort3A_1214 {descending = true} : (vector<16xf32>, vector<16xi32>, vector<16xi1>) -> (vector<16xi1>, vector<16xf32>, vector<16xi32>)
      %rev3A_1218 = arith.constant 15 : i32
      %rev3A_1219 = vector.broadcast %rev3A_1218 : i32 to vector<16xi32>
      %rev3A_1220 = tpu.iota {dimensions = array<i32: 0>} : vector<16xi32>
      %rev3A_1221 = arith.subi %rev3A_1219, %rev3A_1220 : vector<16xi32>
      %rev3A_1222 = tpu.dynamic_gather %masked_sort3A_1216[%rev3A_1221] in [0] : vector<16xf32>, vector<16xi32> -> vector<16xf32>
      %rev3A_1223 = arith.constant 15 : i32
      %rev3A_1224 = vector.broadcast %rev3A_1223 : i32 to vector<16xi32>
      %rev3A_1225 = tpu.iota {dimensions = array<i32: 0>} : vector<16xi32>
      %rev3A_1226 = arith.subi %rev3A_1224, %rev3A_1225 : vector<16xi32>
      %rev3A_1227 = tpu.dynamic_gather %masked_sort3A_1217[%rev3A_1226] in [0] : vector<16xi32>, vector<16xi32> -> vector<16xi32>
      %ge3A_1228 = arith.cmpf oge, %masked_sort3A_1206, %rev3A_1222 : vector<16xf32>
      %select_n3A_1229 = arith.select %ge3A_1228, %masked_sort3A_1206, %rev3A_1222 : vector<16xi1>, vector<16xf32>
      %select_n3A_1230 = arith.select %ge3A_1228, %masked_sort3A_1207, %rev3A_1227 : vector<16xi1>, vector<16xi32>
      %masked_sort3A_1231 = arith.constant dense<true> : vector<16xi1>
      %masked_sort3A_1232, %masked_sort3A_1233, %masked_sort3A_1234 = tpu.sort %select_n3A_1229, %select_n3A_1230 masked %masked_sort3A_1231 {descending = true} : (vector<16xf32>, vector<16xi32>, vector<16xi1>) -> (vector<16xi1>, vector<16xf32>, vector<16xi32>)
      %abs3A_1235 = math.absf %scan3A_1044#7 : vector<16xf32>
      %mul3A_1236 = arith.mulf %scan3A_1044#7, %abs3A_1235 : vector<16xf32>
      %div3A_1237 = arith.divf %mul3A_1236, %scan3A_1044#15 : vector<16xf32>
      %jit3A_1238 = arith.constant -3.000000e+38 : f32
      %broadcast_in_dim3A_1239 = vector.broadcast %jit3A_1238 : f32 to vector<16xf32>
      %select_n3A_1240 = arith.select %and3A_1023, %div3A_1237, %broadcast_in_dim3A_1239 : vector<16xi1>, vector<16xf32>
      %masked_sort3A_1241 = arith.constant dense<true> : vector<16xi1>
      %masked_sort3A_1242, %masked_sort3A_1243, %masked_sort3A_1244 = tpu.sort %select_n3A_1240, %add3A_1013 masked %masked_sort3A_1241 {descending = true} : (vector<16xf32>, vector<16xi32>, vector<16xi1>) -> (vector<16xi1>, vector<16xf32>, vector<16xi32>)
      %rev3A_1245 = arith.constant 15 : i32
      %rev3A_1246 = vector.broadcast %rev3A_1245 : i32 to vector<16xi32>
      %rev3A_1247 = tpu.iota {dimensions = array<i32: 0>} : vector<16xi32>
      %rev3A_1248 = arith.subi %rev3A_1246, %rev3A_1247 : vector<16xi32>
      %rev3A_1249 = tpu.dynamic_gather %masked_sort3A_1243[%rev3A_1248] in [0] : vector<16xf32>, vector<16xi32> -> vector<16xf32>
      %rev3A_1250 = arith.constant 15 : i32
      %rev3A_1251 = vector.broadcast %rev3A_1250 : i32 to vector<16xi32>
      %rev3A_1252 = tpu.iota {dimensions = array<i32: 0>} : vector<16xi32>
      %rev3A_1253 = arith.subi %rev3A_1251, %rev3A_1252 : vector<16xi32>
      %rev3A_1254 = tpu.dynamic_gather %masked_sort3A_1244[%rev3A_1253] in [0] : vector<16xi32>, vector<16xi32> -> vector<16xi32>
      %ge3A_1255 = arith.cmpf oge, %masked_sort3A_1233, %rev3A_1249 : vector<16xf32>
      %select_n3A_1256 = arith.select %ge3A_1255, %masked_sort3A_1233, %rev3A_1249 : vector<16xi1>, vector<16xf32>
      %select_n3A_1257 = arith.select %ge3A_1255, %masked_sort3A_1234, %rev3A_1254 : vector<16xi1>, vector<16xi32>
      %masked_sort3A_1258 = arith.constant dense<true> : vector<16xi1>
      %masked_sort3A_1259, %masked_sort3A_1260, %masked_sort3A_1261 = tpu.sort %select_n3A_1256, %select_n3A_1257 masked %masked_sort3A_1258 {descending = true} : (vector<16xf32>, vector<16xi32>, vector<16xi1>) -> (vector<16xi1>, vector<16xf32>, vector<16xi32>)
      %add3A_1262 = arith.constant 3 : i32
      %add3A_1263 = arith.addi %mul3A_450, %add3A_1262 : i32
      %lt3A_1264 = arith.constant 25 : i32
      %lt3A_1265 = arith.cmpi slt, %add3A_1263, %lt3A_1264 : i32
      %convert_element_type3A = arith.extui %lt3A_1265 : i1 to i32
      %cond3A = arith.constant 0 : i32
      %cond3A_1266 = arith.cmpi ne, %convert_element_type3A, %cond3A : i32
      scf.if %cond3A_1266 {
        %add3A_1267 = arith.constant 3 : i32
        %add3A_1268 = arith.addi %mul3A_450, %add3A_1267 : i32
        %mul3A_1269 = arith.constant 32 : i32
        %mul3A_1270 = arith.muli %mul3A_1269, %add3A_1268 : i32
        %add3A_1271 = arith.addi %add3A, %mul3A_1270 : i32
        %min3A_1272 = arith.constant 781 : i32
        %min3A_1273 = arith.minsi %add3A_1271, %min3A_1272 : i32
        %mul3A_1274 = arith.constant 128 : i32
        %mul3A_1275 = arith.muli %min3A_1273, %mul3A_1274 : i32
        %min3A_1276 = arith.constant 99872 : i32
        %min3A_1277 = arith.minsi %mul3A_1275, %min3A_1276 : i32
        %multiple_of3A_1278 = tpu.assume_multiple %min3A_1277, 8 : i32
        %dma_start3A_1279 = arith.constant 1 : i32
        %dma_start3A_1280 = arith.constant 0 : i32
        %dma_start3A_1281 = arith.constant 0 : i32
        %dma_start3A_1282 = tpu.memref_slice %arg6[%dma_start3A_1279, %dma_start3A_1280, %dma_start3A_1281] : memref<2x128x128xf32, #tpu.memory_space<vmem>> -> memref<1x128x128xf32, #tpu.memory_space<vmem>>
        %dma_start3A_1283 = tpu.memref_squeeze %dma_start3A_1282 : memref<1x128x128xf32, #tpu.memory_space<vmem>> -> memref<128x128xf32, #tpu.memory_space<vmem>>
        %dma_start3A_1284 = arith.constant 0 : i32
        %dma_start3A_1285 = tpu.memref_slice %arg2[%multiple_of3A_1278, %dma_start3A_1284] : memref<100000x128xf32, #tpu.memory_space<hbm>> -> memref<128x128xf32, #tpu.memory_space<hbm>>
        %dma_start3A_1286 = arith.constant 0 : i32
        %dma_start3A_1287 = arith.constant 0 : i32
        %dma_start3A_1288 = tpu.memref_slice %arg6[%dma_start3A_1279, %dma_start3A_1286, %dma_start3A_1287] : memref<2x128x128xf32, #tpu.memory_space<vmem>> -> memref<1x128x128xf32, #tpu.memory_space<vmem>>
        %dma_start3A_1289 = tpu.memref_squeeze %dma_start3A_1288 : memref<1x128x128xf32, #tpu.memory_space<vmem>> -> memref<128x128xf32, #tpu.memory_space<vmem>>
        %dma_start3A_1290 = arith.constant 0 : i32
        %dma_start3A_1291 = tpu.memref_slice %arg2[%multiple_of3A_1278, %dma_start3A_1290] : memref<100000x128xf32, #tpu.memory_space<hbm>> -> memref<128x128xf32, #tpu.memory_space<hbm>>
        tpu.enqueue_dma source(%dma_start3A_1291 : memref<128x128xf32, #tpu.memory_space<hbm>>) target(%dma_start3A_1289 : memref<128x128xf32, #tpu.memory_space<vmem>>) target_semaphore(%arg12 : memref<!tpu.dma_semaphore, #tpu.memory_space<semaphore_mem>>)
      } else {
      }
      scf.yield %masked_sort3A_1260, %masked_sort3A_1261 : vector<16xf32>, vector<16xi32>
    }
    %scan3A_55 = arith.constant 12 : i32
    %dma_wait3A = arith.constant 0 : i32
    %dma_wait3A_56 = arith.constant 0 : i32
    %dma_wait3A_57 = arith.constant 0 : i32
    %dma_wait3A_58 = tpu.memref_slice %arg6[%dma_wait3A, %dma_wait3A_56, %dma_wait3A_57] : memref<2x128x128xf32, #tpu.memory_space<vmem>> -> memref<1x128x128xf32, #tpu.memory_space<vmem>>
    %dma_wait3A_59 = tpu.memref_squeeze %dma_wait3A_58 : memref<1x128x128xf32, #tpu.memory_space<vmem>> -> memref<128x128xf32, #tpu.memory_space<vmem>>
    %dma_wait3A_60 = arith.constant 0 : i32
    %dma_wait3A_61 = arith.constant 0 : i32
    %dma_wait3A_62 = tpu.memref_slice %arg2[%dma_wait3A_60, %dma_wait3A_61] : memref<100000x128xf32, #tpu.memory_space<hbm>> -> memref<128x128xf32, #tpu.memory_space<hbm>>
    %dma_wait3A_63 = arith.constant 0 : i32
    %dma_wait3A_64 = arith.constant 0 : i32
    %dma_wait3A_65 = tpu.memref_slice %arg6[%dma_wait3A, %dma_wait3A_63, %dma_wait3A_64] : memref<2x128x128xf32, #tpu.memory_space<vmem>> -> memref<1x128x128xf32, #tpu.memory_space<vmem>>
    %dma_wait3A_66 = tpu.memref_squeeze %dma_wait3A_65 : memref<1x128x128xf32, #tpu.memory_space<vmem>> -> memref<128x128xf32, #tpu.memory_space<vmem>>
    %dma_wait3A_67 = arith.constant 0 : i32
    %dma_wait3A_68 = arith.constant 0 : i32
    %dma_wait3A_69 = tpu.memref_slice %arg2[%dma_wait3A_67, %dma_wait3A_68] : memref<100000x128xf32, #tpu.memory_space<hbm>> -> memref<128x128xf32, #tpu.memory_space<hbm>>
    tpu.wait_dma2 semaphore(%arg11 : memref<!tpu.dma_semaphore, #tpu.memory_space<semaphore_mem>>) src(%dma_wait3A_69 : memref<128x128xf32, #tpu.memory_space<hbm>>) dst(%dma_wait3A_66 : memref<128x128xf32, #tpu.memory_space<vmem>>)
    %mul3A_70 = arith.constant 32 : i32
    %mul3A_71 = arith.constant 24 : i32
    %mul3A_72 = arith.muli %mul3A_70, %mul3A_71 : i32
    %add3A_73 = arith.addi %add3A, %mul3A_72 : i32
    %le3A = arith.constant 781 : i32
    %le3A_74 = arith.cmpi sle, %add3A_73, %le3A : i32
    %min3A_75 = arith.constant 781 : i32
    %min3A_76 = arith.minsi %add3A_73, %min3A_75 : i32
    %mul3A_77 = arith.constant 32 : i32
    %mul3A_78 = arith.constant 24 : i32
    %mul3A_79 = arith.muli %mul3A_77, %mul3A_78 : i32
    %add3A_80 = arith.addi %add3A, %mul3A_79 : i32
    %min3A_81 = arith.constant 781 : i32
    %min3A_82 = arith.minsi %add3A_80, %min3A_81 : i32
    %mul3A_83 = arith.constant 128 : i32
    %mul3A_84 = arith.muli %min3A_82, %mul3A_83 : i32
    %min3A_85 = arith.constant 99872 : i32
    %min3A_86 = arith.minsi %mul3A_84, %min3A_85 : i32
    %multiple_of3A_87 = tpu.assume_multiple %min3A_86, 8 : i32
    %broadcast_in_dim3A_88 = arith.constant 0 : i32
    %broadcast_in_dim3A_89 = vector.broadcast %broadcast_in_dim3A_88 : i32 to vector<16xi32>
    %add3A_90 = arith.constant 0 : i32
    %add3A_91 = vector.broadcast %add3A_90 : i32 to vector<16xi32>
    %add3A_92 = arith.addi %add3A_91, %iota3A : vector<16xi32>
    %add3A_93 = vector.broadcast %multiple_of3A_87 : i32 to vector<16xi32>
    %add3A_94 = arith.addi %add3A_93, %add3A_92 : vector<16xi32>
    %mul3A_95 = arith.constant 128 : i32
    %mul3A_96 = arith.muli %min3A_76, %mul3A_95 : i32
    %ge3A = vector.broadcast %mul3A_96 : i32 to vector<16xi32>
    %ge3A_97 = arith.cmpi sge, %add3A_94, %ge3A : vector<16xi32>
    %lt3A = arith.constant 100000 : i32
    %lt3A_98 = vector.broadcast %lt3A : i32 to vector<16xi32>
    %lt3A_99 = arith.cmpi slt, %add3A_94, %lt3A_98 : vector<16xi32>
    %and3A = arith.andi %ge3A_97, %lt3A_99 : vector<16xi1>
    %and3A_100 = vector.broadcast %le3A_74 : i1 to vector<16xi1>
    %and3A_101 = arith.andi %and3A, %and3A_100 : vector<16xi1>
    %add3A_102 = arith.constant 16 : i32
    %add3A_103 = vector.broadcast %add3A_102 : i32 to vector<16xi32>
    %add3A_104 = arith.addi %add3A_103, %iota3A : vector<16xi32>
    %add3A_105 = vector.broadcast %multiple_of3A_87 : i32 to vector<16xi32>
    %add3A_106 = arith.addi %add3A_105, %add3A_104 : vector<16xi32>
    %mul3A_107 = arith.constant 128 : i32
    %mul3A_108 = arith.muli %min3A_76, %mul3A_107 : i32
    %ge3A_109 = vector.broadcast %mul3A_108 : i32 to vector<16xi32>
    %ge3A_110 = arith.cmpi sge, %add3A_106, %ge3A_109 : vector<16xi32>
    %lt3A_111 = arith.constant 100000 : i32
    %lt3A_112 = vector.broadcast %lt3A_111 : i32 to vector<16xi32>
    %lt3A_113 = arith.cmpi slt, %add3A_106, %lt3A_112 : vector<16xi32>
    %and3A_114 = arith.andi %ge3A_110, %lt3A_113 : vector<16xi1>
    %and3A_115 = vector.broadcast %le3A_74 : i1 to vector<16xi1>
    %and3A_116 = arith.andi %and3A_114, %and3A_115 : vector<16xi1>
    %add3A_117 = arith.constant 32 : i32
    %add3A_118 = vector.broadcast %add3A_117 : i32 to vector<16xi32>
    %add3A_119 = arith.addi %add3A_118, %iota3A : vector<16xi32>
    %add3A_120 = vector.broadcast %multiple_of3A_87 : i32 to vector<16xi32>
    %add3A_121 = arith.addi %add3A_120, %add3A_119 : vector<16xi32>
    %mul3A_122 = arith.constant 128 : i32
    %mul3A_123 = arith.muli %min3A_76, %mul3A_122 : i32
    %ge3A_124 = vector.broadcast %mul3A_123 : i32 to vector<16xi32>
    %ge3A_125 = arith.cmpi sge, %add3A_121, %ge3A_124 : vector<16xi32>
    %lt3A_126 = arith.constant 100000 : i32
    %lt3A_127 = vector.broadcast %lt3A_126 : i32 to vector<16xi32>
    %lt3A_128 = arith.cmpi slt, %add3A_121, %lt3A_127 : vector<16xi32>
    %and3A_129 = arith.andi %ge3A_125, %lt3A_128 : vector<16xi1>
    %and3A_130 = vector.broadcast %le3A_74 : i1 to vector<16xi1>
    %and3A_131 = arith.andi %and3A_129, %and3A_130 : vector<16xi1>
    %add3A_132 = arith.constant 48 : i32
    %add3A_133 = vector.broadcast %add3A_132 : i32 to vector<16xi32>
    %add3A_134 = arith.addi %add3A_133, %iota3A : vector<16xi32>
    %add3A_135 = vector.broadcast %multiple_of3A_87 : i32 to vector<16xi32>
    %add3A_136 = arith.addi %add3A_135, %add3A_134 : vector<16xi32>
    %mul3A_137 = arith.constant 128 : i32
    %mul3A_138 = arith.muli %min3A_76, %mul3A_137 : i32
    %ge3A_139 = vector.broadcast %mul3A_138 : i32 to vector<16xi32>
    %ge3A_140 = arith.cmpi sge, %add3A_136, %ge3A_139 : vector<16xi32>
    %lt3A_141 = arith.constant 100000 : i32
    %lt3A_142 = vector.broadcast %lt3A_141 : i32 to vector<16xi32>
    %lt3A_143 = arith.cmpi slt, %add3A_136, %lt3A_142 : vector<16xi32>
    %and3A_144 = arith.andi %ge3A_140, %lt3A_143 : vector<16xi1>
    %and3A_145 = vector.broadcast %le3A_74 : i1 to vector<16xi1>
    %and3A_146 = arith.andi %and3A_144, %and3A_145 : vector<16xi1>
    %add3A_147 = arith.constant 64 : i32
    %add3A_148 = vector.broadcast %add3A_147 : i32 to vector<16xi32>
    %add3A_149 = arith.addi %add3A_148, %iota3A : vector<16xi32>
    %add3A_150 = vector.broadcast %multiple_of3A_87 : i32 to vector<16xi32>
    %add3A_151 = arith.addi %add3A_150, %add3A_149 : vector<16xi32>
    %mul3A_152 = arith.constant 128 : i32
    %mul3A_153 = arith.muli %min3A_76, %mul3A_152 : i32
    %ge3A_154 = vector.broadcast %mul3A_153 : i32 to vector<16xi32>
    %ge3A_155 = arith.cmpi sge, %add3A_151, %ge3A_154 : vector<16xi32>
    %lt3A_156 = arith.constant 100000 : i32
    %lt3A_157 = vector.broadcast %lt3A_156 : i32 to vector<16xi32>
    %lt3A_158 = arith.cmpi slt, %add3A_151, %lt3A_157 : vector<16xi32>
    %and3A_159 = arith.andi %ge3A_155, %lt3A_158 : vector<16xi1>
    %and3A_160 = vector.broadcast %le3A_74 : i1 to vector<16xi1>
    %and3A_161 = arith.andi %and3A_159, %and3A_160 : vector<16xi1>
    %add3A_162 = arith.constant 80 : i32
    %add3A_163 = vector.broadcast %add3A_162 : i32 to vector<16xi32>
    %add3A_164 = arith.addi %add3A_163, %iota3A : vector<16xi32>
    %add3A_165 = vector.broadcast %multiple_of3A_87 : i32 to vector<16xi32>
    %add3A_166 = arith.addi %add3A_165, %add3A_164 : vector<16xi32>
    %mul3A_167 = arith.constant 128 : i32
    %mul3A_168 = arith.muli %min3A_76, %mul3A_167 : i32
    %ge3A_169 = vector.broadcast %mul3A_168 : i32 to vector<16xi32>
    %ge3A_170 = arith.cmpi sge, %add3A_166, %ge3A_169 : vector<16xi32>
    %lt3A_171 = arith.constant 100000 : i32
    %lt3A_172 = vector.broadcast %lt3A_171 : i32 to vector<16xi32>
    %lt3A_173 = arith.cmpi slt, %add3A_166, %lt3A_172 : vector<16xi32>
    %and3A_174 = arith.andi %ge3A_170, %lt3A_173 : vector<16xi1>
    %and3A_175 = vector.broadcast %le3A_74 : i1 to vector<16xi1>
    %and3A_176 = arith.andi %and3A_174, %and3A_175 : vector<16xi1>
    %add3A_177 = arith.constant 96 : i32
    %add3A_178 = vector.broadcast %add3A_177 : i32 to vector<16xi32>
    %add3A_179 = arith.addi %add3A_178, %iota3A : vector<16xi32>
    %add3A_180 = vector.broadcast %multiple_of3A_87 : i32 to vector<16xi32>
    %add3A_181 = arith.addi %add3A_180, %add3A_179 : vector<16xi32>
    %mul3A_182 = arith.constant 128 : i32
    %mul3A_183 = arith.muli %min3A_76, %mul3A_182 : i32
    %ge3A_184 = vector.broadcast %mul3A_183 : i32 to vector<16xi32>
    %ge3A_185 = arith.cmpi sge, %add3A_181, %ge3A_184 : vector<16xi32>
    %lt3A_186 = arith.constant 100000 : i32
    %lt3A_187 = vector.broadcast %lt3A_186 : i32 to vector<16xi32>
    %lt3A_188 = arith.cmpi slt, %add3A_181, %lt3A_187 : vector<16xi32>
    %and3A_189 = arith.andi %ge3A_185, %lt3A_188 : vector<16xi1>
    %and3A_190 = vector.broadcast %le3A_74 : i1 to vector<16xi1>
    %and3A_191 = arith.andi %and3A_189, %and3A_190 : vector<16xi1>
    %add3A_192 = arith.constant 112 : i32
    %add3A_193 = vector.broadcast %add3A_192 : i32 to vector<16xi32>
    %add3A_194 = arith.addi %add3A_193, %iota3A : vector<16xi32>
    %add3A_195 = vector.broadcast %multiple_of3A_87 : i32 to vector<16xi32>
    %add3A_196 = arith.addi %add3A_195, %add3A_194 : vector<16xi32>
    %mul3A_197 = arith.constant 128 : i32
    %mul3A_198 = arith.muli %min3A_76, %mul3A_197 : i32
    %ge3A_199 = vector.broadcast %mul3A_198 : i32 to vector<16xi32>
    %ge3A_200 = arith.cmpi sge, %add3A_196, %ge3A_199 : vector<16xi32>
    %lt3A_201 = arith.constant 100000 : i32
    %lt3A_202 = vector.broadcast %lt3A_201 : i32 to vector<16xi32>
    %lt3A_203 = arith.cmpi slt, %add3A_196, %lt3A_202 : vector<16xi32>
    %and3A_204 = arith.andi %ge3A_200, %lt3A_203 : vector<16xi1>
    %and3A_205 = vector.broadcast %le3A_74 : i1 to vector<16xi1>
    %and3A_206 = arith.andi %and3A_204, %and3A_205 : vector<16xi1>
    %broadcast_in_dim3A_207 = arith.constant 0.000000e+00 : f32
    %broadcast_in_dim3A_208 = vector.broadcast %broadcast_in_dim3A_207 : f32 to vector<16xf32>
    %broadcast_in_dim3A_209 = arith.constant 0.000000e+00 : f32
    %broadcast_in_dim3A_210 = vector.broadcast %broadcast_in_dim3A_209 : f32 to vector<16xf32>
    %broadcast_in_dim3A_211 = arith.constant 0.000000e+00 : f32
    %broadcast_in_dim3A_212 = vector.broadcast %broadcast_in_dim3A_211 : f32 to vector<16xf32>
    %broadcast_in_dim3A_213 = arith.constant 0.000000e+00 : f32
    %broadcast_in_dim3A_214 = vector.broadcast %broadcast_in_dim3A_213 : f32 to vector<16xf32>
    %broadcast_in_dim3A_215 = arith.constant 0.000000e+00 : f32
    %broadcast_in_dim3A_216 = vector.broadcast %broadcast_in_dim3A_215 : f32 to vector<16xf32>
    %broadcast_in_dim3A_217 = arith.constant 0.000000e+00 : f32
    %broadcast_in_dim3A_218 = vector.broadcast %broadcast_in_dim3A_217 : f32 to vector<16xf32>
    %broadcast_in_dim3A_219 = arith.constant 0.000000e+00 : f32
    %broadcast_in_dim3A_220 = vector.broadcast %broadcast_in_dim3A_219 : f32 to vector<16xf32>
    %broadcast_in_dim3A_221 = arith.constant 0.000000e+00 : f32
    %broadcast_in_dim3A_222 = vector.broadcast %broadcast_in_dim3A_221 : f32 to vector<16xf32>
    %scan3A_223 = arith.constant 0 : i32
    %scan3A_224 = arith.constant 64 : i32
    %scan3A_225 = arith.addi %scan3A_223, %scan3A_224 : i32
    %scan3A_226 = arith.constant 1 : i32
    %scan3A_227:16 = scf.for %scan3A_446 = %scan3A_223 to %scan3A_225 step %scan3A_226 iter_args(%scan3A_447 = %broadcast_in_dim3A_208, %scan3A_448 = %broadcast_in_dim3A_210, %scan3A_449 = %broadcast_in_dim3A_212, %scan3A_450 = %broadcast_in_dim3A_214, %scan3A_451 = %broadcast_in_dim3A_216, %scan3A_452 = %broadcast_in_dim3A_218, %scan3A_453 = %broadcast_in_dim3A_220, %scan3A_454 = %broadcast_in_dim3A_222, %scan3A_455 = %broadcast_in_dim3A_208, %scan3A_456 = %broadcast_in_dim3A_210, %scan3A_457 = %broadcast_in_dim3A_212, %scan3A_458 = %broadcast_in_dim3A_214, %scan3A_459 = %broadcast_in_dim3A_216, %scan3A_460 = %broadcast_in_dim3A_218, %scan3A_461 = %broadcast_in_dim3A_220, %scan3A_462 = %broadcast_in_dim3A_222) -> (vector<16xf32>, vector<16xf32>, vector<16xf32>, vector<16xf32>, vector<16xf32>, vector<16xf32>, vector<16xf32>, vector<16xf32>, vector<16xf32>, vector<16xf32>, vector<16xf32>, vector<16xf32>, vector<16xf32>, vector<16xf32>, vector<16xf32>, vector<16xf32>)  : i32 {
      %mul3A_463 = arith.constant 2 : i32
      %mul3A_464 = arith.muli %scan3A_446, %mul3A_463 : i32
      %add3A_465 = arith.constant 0 : i32
      %add3A_466 = arith.addi %mul3A_464, %add3A_465 : i32
      %add3A_467 = vector.broadcast %add3A_466 : i32 to vector<16xi32>
      %add3A_468 = arith.addi %add3A_467, %iota3A : vector<16xi32>
      %and3A_469 = arith.constant 127 : i32
      %and3A_470 = vector.broadcast %and3A_469 : i32 to vector<16xi32>
      %and3A_471 = arith.andi %add3A_468, %and3A_470 : vector<16xi32>
      %mul3A_472 = arith.constant 16 : i32
      %mul3A_473 = arith.muli %add3A_466, %mul3A_472 : i32
      %get3A = arith.index_cast %mul3A_473 : i32 to index
      %get3A_474 = tpu.vector_load %arg8[%get3A] {strides = array<i32>} : memref<2048xf32, #tpu.memory_space<vmem>>, vector<16xf32>,
      %gather3A = tpu.vector_load_idx %arg6[%broadcast_in_dim3A_89, %add3A_92, %and3A_471] : memref<2x128x128xf32, #tpu.memory_space<vmem>>[vector<16xi32>, vector<16xi32>, vector<16xi32>], vector<16xf32>,
      %mul3A_475 = arith.mulf %gather3A, %get3A_474 : vector<16xf32>
      %add3A_476 = arith.addf %scan3A_447, %mul3A_475 : vector<16xf32>
      %mul3A_477 = arith.mulf %gather3A, %gather3A : vector<16xf32>
      %add3A_478 = arith.addf %scan3A_455, %mul3A_477 : vector<16xf32>
      %gather3A_479 = tpu.vector_load_idx %arg6[%broadcast_in_dim3A_89, %add3A_104, %and3A_471] : memref<2x128x128xf32, #tpu.memory_space<vmem>>[vector<16xi32>, vector<16xi32>, vector<16xi32>], vector<16xf32>,
      %mul3A_480 = arith.mulf %gather3A_479, %get3A_474 : vector<16xf32>
      %add3A_481 = arith.addf %scan3A_448, %mul3A_480 : vector<16xf32>
      %mul3A_482 = arith.mulf %gather3A_479, %gather3A_479 : vector<16xf32>
      %add3A_483 = arith.addf %scan3A_456, %mul3A_482 : vector<16xf32>
      %gather3A_484 = tpu.vector_load_idx %arg6[%broadcast_in_dim3A_89, %add3A_119, %and3A_471] : memref<2x128x128xf32, #tpu.memory_space<vmem>>[vector<16xi32>, vector<16xi32>, vector<16xi32>], vector<16xf32>,
      %mul3A_485 = arith.mulf %gather3A_484, %get3A_474 : vector<16xf32>
      %add3A_486 = arith.addf %scan3A_449, %mul3A_485 : vector<16xf32>
      %mul3A_487 = arith.mulf %gather3A_484, %gather3A_484 : vector<16xf32>
      %add3A_488 = arith.addf %scan3A_457, %mul3A_487 : vector<16xf32>
      %gather3A_489 = tpu.vector_load_idx %arg6[%broadcast_in_dim3A_89, %add3A_134, %and3A_471] : memref<2x128x128xf32, #tpu.memory_space<vmem>>[vector<16xi32>, vector<16xi32>, vector<16xi32>], vector<16xf32>,
      %mul3A_490 = arith.mulf %gather3A_489, %get3A_474 : vector<16xf32>
      %add3A_491 = arith.addf %scan3A_450, %mul3A_490 : vector<16xf32>
      %mul3A_492 = arith.mulf %gather3A_489, %gather3A_489 : vector<16xf32>
      %add3A_493 = arith.addf %scan3A_458, %mul3A_492 : vector<16xf32>
      %gather3A_494 = tpu.vector_load_idx %arg6[%broadcast_in_dim3A_89, %add3A_149, %and3A_471] : memref<2x128x128xf32, #tpu.memory_space<vmem>>[vector<16xi32>, vector<16xi32>, vector<16xi32>], vector<16xf32>,
      %mul3A_495 = arith.mulf %gather3A_494, %get3A_474 : vector<16xf32>
      %add3A_496 = arith.addf %scan3A_451, %mul3A_495 : vector<16xf32>
      %mul3A_497 = arith.mulf %gather3A_494, %gather3A_494 : vector<16xf32>
      %add3A_498 = arith.addf %scan3A_459, %mul3A_497 : vector<16xf32>
      %gather3A_499 = tpu.vector_load_idx %arg6[%broadcast_in_dim3A_89, %add3A_164, %and3A_471] : memref<2x128x128xf32, #tpu.memory_space<vmem>>[vector<16xi32>, vector<16xi32>, vector<16xi32>], vector<16xf32>,
      %mul3A_500 = arith.mulf %gather3A_499, %get3A_474 : vector<16xf32>
      %add3A_501 = arith.addf %scan3A_452, %mul3A_500 : vector<16xf32>
      %mul3A_502 = arith.mulf %gather3A_499, %gather3A_499 : vector<16xf32>
      %add3A_503 = arith.addf %scan3A_460, %mul3A_502 : vector<16xf32>
      %gather3A_504 = tpu.vector_load_idx %arg6[%broadcast_in_dim3A_89, %add3A_179, %and3A_471] : memref<2x128x128xf32, #tpu.memory_space<vmem>>[vector<16xi32>, vector<16xi32>, vector<16xi32>], vector<16xf32>,
      %mul3A_505 = arith.mulf %gather3A_504, %get3A_474 : vector<16xf32>
      %add3A_506 = arith.addf %scan3A_453, %mul3A_505 : vector<16xf32>
      %mul3A_507 = arith.mulf %gather3A_504, %gather3A_504 : vector<16xf32>
      %add3A_508 = arith.addf %scan3A_461, %mul3A_507 : vector<16xf32>
      %gather3A_509 = tpu.vector_load_idx %arg6[%broadcast_in_dim3A_89, %add3A_194, %and3A_471] : memref<2x128x128xf32, #tpu.memory_space<vmem>>[vector<16xi32>, vector<16xi32>, vector<16xi32>], vector<16xf32>,
      %mul3A_510 = arith.mulf %gather3A_509, %get3A_474 : vector<16xf32>
      %add3A_511 = arith.addf %scan3A_454, %mul3A_510 : vector<16xf32>
      %mul3A_512 = arith.mulf %gather3A_509, %gather3A_509 : vector<16xf32>
      %add3A_513 = arith.addf %scan3A_462, %mul3A_512 : vector<16xf32>
      %mul3A_514 = arith.constant 2 : i32
      %mul3A_515 = arith.muli %scan3A_446, %mul3A_514 : i32
      %add3A_516 = arith.constant 1 : i32
      %add3A_517 = arith.addi %mul3A_515, %add3A_516 : i32
      %add3A_518 = vector.broadcast %add3A_517 : i32 to vector<16xi32>
      %add3A_519 = arith.addi %add3A_518, %iota3A : vector<16xi32>
      %and3A_520 = arith.constant 127 : i32
      %and3A_521 = vector.broadcast %and3A_520 : i32 to vector<16xi32>
      %and3A_522 = arith.andi %add3A_519, %and3A_521 : vector<16xi32>
      %mul3A_523 = arith.constant 16 : i32
      %mul3A_524 = arith.muli %add3A_517, %mul3A_523 : i32
      %get3A_525 = arith.index_cast %mul3A_524 : i32 to index
      %get3A_526 = tpu.vector_load %arg8[%get3A_525] {strides = array<i32>} : memref<2048xf32, #tpu.memory_space<vmem>>, vector<16xf32>,
      %gather3A_527 = tpu.vector_load_idx %arg6[%broadcast_in_dim3A_89, %add3A_92, %and3A_522] : memref<2x128x128xf32, #tpu.memory_space<vmem>>[vector<16xi32>, vector<16xi32>, vector<16xi32>], vector<16xf32>,
      %mul3A_528 = arith.mulf %gather3A_527, %get3A_526 : vector<16xf32>
      %add3A_529 = arith.addf %add3A_476, %mul3A_528 : vector<16xf32>
      %mul3A_530 = arith.mulf %gather3A_527, %gather3A_527 : vector<16xf32>
      %add3A_531 = arith.addf %add3A_478, %mul3A_530 : vector<16xf32>
      %gather3A_532 = tpu.vector_load_idx %arg6[%broadcast_in_dim3A_89, %add3A_104, %and3A_522] : memref<2x128x128xf32, #tpu.memory_space<vmem>>[vector<16xi32>, vector<16xi32>, vector<16xi32>], vector<16xf32>,
      %mul3A_533 = arith.mulf %gather3A_532, %get3A_526 : vector<16xf32>
      %add3A_534 = arith.addf %add3A_481, %mul3A_533 : vector<16xf32>
      %mul3A_535 = arith.mulf %gather3A_532, %gather3A_532 : vector<16xf32>
      %add3A_536 = arith.addf %add3A_483, %mul3A_535 : vector<16xf32>
      %gather3A_537 = tpu.vector_load_idx %arg6[%broadcast_in_dim3A_89, %add3A_119, %and3A_522] : memref<2x128x128xf32, #tpu.memory_space<vmem>>[vector<16xi32>, vector<16xi32>, vector<16xi32>], vector<16xf32>,
      %mul3A_538 = arith.mulf %gather3A_537, %get3A_526 : vector<16xf32>
      %add3A_539 = arith.addf %add3A_486, %mul3A_538 : vector<16xf32>
      %mul3A_540 = arith.mulf %gather3A_537, %gather3A_537 : vector<16xf32>
      %add3A_541 = arith.addf %add3A_488, %mul3A_540 : vector<16xf32>
      %gather3A_542 = tpu.vector_load_idx %arg6[%broadcast_in_dim3A_89, %add3A_134, %and3A_522] : memref<2x128x128xf32, #tpu.memory_space<vmem>>[vector<16xi32>, vector<16xi32>, vector<16xi32>], vector<16xf32>,
      %mul3A_543 = arith.mulf %gather3A_542, %get3A_526 : vector<16xf32>
      %add3A_544 = arith.addf %add3A_491, %mul3A_543 : vector<16xf32>
      %mul3A_545 = arith.mulf %gather3A_542, %gather3A_542 : vector<16xf32>
      %add3A_546 = arith.addf %add3A_493, %mul3A_545 : vector<16xf32>
      %gather3A_547 = tpu.vector_load_idx %arg6[%broadcast_in_dim3A_89, %add3A_149, %and3A_522] : memref<2x128x128xf32, #tpu.memory_space<vmem>>[vector<16xi32>, vector<16xi32>, vector<16xi32>], vector<16xf32>,
      %mul3A_548 = arith.mulf %gather3A_547, %get3A_526 : vector<16xf32>
      %add3A_549 = arith.addf %add3A_496, %mul3A_548 : vector<16xf32>
      %mul3A_550 = arith.mulf %gather3A_547, %gather3A_547 : vector<16xf32>
      %add3A_551 = arith.addf %add3A_498, %mul3A_550 : vector<16xf32>
      %gather3A_552 = tpu.vector_load_idx %arg6[%broadcast_in_dim3A_89, %add3A_164, %and3A_522] : memref<2x128x128xf32, #tpu.memory_space<vmem>>[vector<16xi32>, vector<16xi32>, vector<16xi32>], vector<16xf32>,
      %mul3A_553 = arith.mulf %gather3A_552, %get3A_526 : vector<16xf32>
      %add3A_554 = arith.addf %add3A_501, %mul3A_553 : vector<16xf32>
      %mul3A_555 = arith.mulf %gather3A_552, %gather3A_552 : vector<16xf32>
      %add3A_556 = arith.addf %add3A_503, %mul3A_555 : vector<16xf32>
      %gather3A_557 = tpu.vector_load_idx %arg6[%broadcast_in_dim3A_89, %add3A_179, %and3A_522] : memref<2x128x128xf32, #tpu.memory_space<vmem>>[vector<16xi32>, vector<16xi32>, vector<16xi32>], vector<16xf32>,
      %mul3A_558 = arith.mulf %gather3A_557, %get3A_526 : vector<16xf32>
      %add3A_559 = arith.addf %add3A_506, %mul3A_558 : vector<16xf32>
      %mul3A_560 = arith.mulf %gather3A_557, %gather3A_557 : vector<16xf32>
      %add3A_561 = arith.addf %add3A_508, %mul3A_560 : vector<16xf32>
      %gather3A_562 = tpu.vector_load_idx %arg6[%broadcast_in_dim3A_89, %add3A_194, %and3A_522] : memref<2x128x128xf32, #tpu.memory_space<vmem>>[vector<16xi32>, vector<16xi32>, vector<16xi32>], vector<16xf32>,
      %mul3A_563 = arith.mulf %gather3A_562, %get3A_526 : vector<16xf32>
      %add3A_564 = arith.addf %add3A_511, %mul3A_563 : vector<16xf32>
      %mul3A_565 = arith.mulf %gather3A_562, %gather3A_562 : vector<16xf32>
      %add3A_566 = arith.addf %add3A_513, %mul3A_565 : vector<16xf32>
      scf.yield %add3A_529, %add3A_534, %add3A_539, %add3A_544, %add3A_549, %add3A_554, %add3A_559, %add3A_564, %add3A_531, %add3A_536, %add3A_541, %add3A_546, %add3A_551, %add3A_556, %add3A_561, %add3A_566 : vector<16xf32>, vector<16xf32>, vector<16xf32>, vector<16xf32>, vector<16xf32>, vector<16xf32>, vector<16xf32>, vector<16xf32>, vector<16xf32>, vector<16xf32>, vector<16xf32>, vector<16xf32>, vector<16xf32>, vector<16xf32>, vector<16xf32>, vector<16xf32>
    }
    %scan3A_228 = arith.constant 64 : i32
    %abs3A = math.absf %scan3A_227#0 : vector<16xf32>
    %mul3A_229 = arith.mulf %scan3A_227#0, %abs3A : vector<16xf32>
    %div3A = arith.divf %mul3A_229, %scan3A_227#8 : vector<16xf32>
    %jit3A = arith.constant -3.000000e+38 : f32
    %broadcast_in_dim3A_230 = vector.broadcast %jit3A : f32 to vector<16xf32>
    %select_n3A = arith.select %and3A_101, %div3A, %broadcast_in_dim3A_230 : vector<16xi1>, vector<16xf32>
    %masked_sort3A = arith.constant dense<true> : vector<16xi1>
    %masked_sort3A_231, %masked_sort3A_232, %masked_sort3A_233 = tpu.sort %select_n3A, %add3A_94 masked %masked_sort3A {descending = true} : (vector<16xf32>, vector<16xi32>, vector<16xi1>) -> (vector<16xi1>, vector<16xf32>, vector<16xi32>)
    %rev3A = arith.constant 15 : i32
    %rev3A_234 = vector.broadcast %rev3A : i32 to vector<16xi32>
    %rev3A_235 = tpu.iota {dimensions = array<i32: 0>} : vector<16xi32>
    %rev3A_236 = arith.subi %rev3A_234, %rev3A_235 : vector<16xi32>
    %rev3A_237 = tpu.dynamic_gather %masked_sort3A_232[%rev3A_236] in [0] : vector<16xf32>, vector<16xi32> -> vector<16xf32>
    %rev3A_238 = arith.constant 15 : i32
    %rev3A_239 = vector.broadcast %rev3A_238 : i32 to vector<16xi32>
    %rev3A_240 = tpu.iota {dimensions = array<i32: 0>} : vector<16xi32>
    %rev3A_241 = arith.subi %rev3A_239, %rev3A_240 : vector<16xi32>
    %rev3A_242 = tpu.dynamic_gather %masked_sort3A_233[%rev3A_241] in [0] : vector<16xi32>, vector<16xi32> -> vector<16xi32>
    %ge3A_243 = arith.cmpf oge, %scan3A_54#0, %rev3A_237 : vector<16xf32>
    %select_n3A_244 = arith.select %ge3A_243, %scan3A_54#0, %rev3A_237 : vector<16xi1>, vector<16xf32>
    %select_n3A_245 = arith.select %ge3A_243, %scan3A_54#1, %rev3A_242 : vector<16xi1>, vector<16xi32>
    %masked_sort3A_246 = arith.constant dense<true> : vector<16xi1>
    %masked_sort3A_247, %masked_sort3A_248, %masked_sort3A_249 = tpu.sort %select_n3A_244, %select_n3A_245 masked %masked_sort3A_246 {descending = true} : (vector<16xf32>, vector<16xi32>, vector<16xi1>) -> (vector<16xi1>, vector<16xf32>, vector<16xi32>)
    %abs3A_250 = math.absf %scan3A_227#1 : vector<16xf32>
    %mul3A_251 = arith.mulf %scan3A_227#1, %abs3A_250 : vector<16xf32>
    %div3A_252 = arith.divf %mul3A_251, %scan3A_227#9 : vector<16xf32>
    %jit3A_253 = arith.constant -3.000000e+38 : f32
    %broadcast_in_dim3A_254 = vector.broadcast %jit3A_253 : f32 to vector<16xf32>
    %select_n3A_255 = arith.select %and3A_116, %div3A_252, %broadcast_in_dim3A_254 : vector<16xi1>, vector<16xf32>
    %masked_sort3A_256 = arith.constant dense<true> : vector<16xi1>
    %masked_sort3A_257, %masked_sort3A_258, %masked_sort3A_259 = tpu.sort %select_n3A_255, %add3A_106 masked %masked_sort3A_256 {descending = true} : (vector<16xf32>, vector<16xi32>, vector<16xi1>) -> (vector<16xi1>, vector<16xf32>, vector<16xi32>)
    %rev3A_260 = arith.constant 15 : i32
    %rev3A_261 = vector.broadcast %rev3A_260 : i32 to vector<16xi32>
    %rev3A_262 = tpu.iota {dimensions = array<i32: 0>} : vector<16xi32>
    %rev3A_263 = arith.subi %rev3A_261, %rev3A_262 : vector<16xi32>
    %rev3A_264 = tpu.dynamic_gather %masked_sort3A_258[%rev3A_263] in [0] : vector<16xf32>, vector<16xi32> -> vector<16xf32>
    %rev3A_265 = arith.constant 15 : i32
    %rev3A_266 = vector.broadcast %rev3A_265 : i32 to vector<16xi32>
    %rev3A_267 = tpu.iota {dimensions = array<i32: 0>} : vector<16xi32>
    %rev3A_268 = arith.subi %rev3A_266, %rev3A_267 : vector<16xi32>
    %rev3A_269 = tpu.dynamic_gather %masked_sort3A_259[%rev3A_268] in [0] : vector<16xi32>, vector<16xi32> -> vector<16xi32>
    %ge3A_270 = arith.cmpf oge, %masked_sort3A_248, %rev3A_264 : vector<16xf32>
    %select_n3A_271 = arith.select %ge3A_270, %masked_sort3A_248, %rev3A_264 : vector<16xi1>, vector<16xf32>
    %select_n3A_272 = arith.select %ge3A_270, %masked_sort3A_249, %rev3A_269 : vector<16xi1>, vector<16xi32>
    %masked_sort3A_273 = arith.constant dense<true> : vector<16xi1>
    %masked_sort3A_274, %masked_sort3A_275, %masked_sort3A_276 = tpu.sort %select_n3A_271, %select_n3A_272 masked %masked_sort3A_273 {descending = true} : (vector<16xf32>, vector<16xi32>, vector<16xi1>) -> (vector<16xi1>, vector<16xf32>, vector<16xi32>)
    %abs3A_277 = math.absf %scan3A_227#2 : vector<16xf32>
    %mul3A_278 = arith.mulf %scan3A_227#2, %abs3A_277 : vector<16xf32>
    %div3A_279 = arith.divf %mul3A_278, %scan3A_227#10 : vector<16xf32>
    %jit3A_280 = arith.constant -3.000000e+38 : f32
    %broadcast_in_dim3A_281 = vector.broadcast %jit3A_280 : f32 to vector<16xf32>
    %select_n3A_282 = arith.select %and3A_131, %div3A_279, %broadcast_in_dim3A_281 : vector<16xi1>, vector<16xf32>
    %masked_sort3A_283 = arith.constant dense<true> : vector<16xi1>
    %masked_sort3A_284, %masked_sort3A_285, %masked_sort3A_286 = tpu.sort %select_n3A_282, %add3A_121 masked %masked_sort3A_283 {descending = true} : (vector<16xf32>, vector<16xi32>, vector<16xi1>) -> (vector<16xi1>, vector<16xf32>, vector<16xi32>)
    %rev3A_287 = arith.constant 15 : i32
    %rev3A_288 = vector.broadcast %rev3A_287 : i32 to vector<16xi32>
    %rev3A_289 = tpu.iota {dimensions = array<i32: 0>} : vector<16xi32>
    %rev3A_290 = arith.subi %rev3A_288, %rev3A_289 : vector<16xi32>
    %rev3A_291 = tpu.dynamic_gather %masked_sort3A_285[%rev3A_290] in [0] : vector<16xf32>, vector<16xi32> -> vector<16xf32>
    %rev3A_292 = arith.constant 15 : i32
    %rev3A_293 = vector.broadcast %rev3A_292 : i32 to vector<16xi32>
    %rev3A_294 = tpu.iota {dimensions = array<i32: 0>} : vector<16xi32>
    %rev3A_295 = arith.subi %rev3A_293, %rev3A_294 : vector<16xi32>
    %rev3A_296 = tpu.dynamic_gather %masked_sort3A_286[%rev3A_295] in [0] : vector<16xi32>, vector<16xi32> -> vector<16xi32>
    %ge3A_297 = arith.cmpf oge, %masked_sort3A_275, %rev3A_291 : vector<16xf32>
    %select_n3A_298 = arith.select %ge3A_297, %masked_sort3A_275, %rev3A_291 : vector<16xi1>, vector<16xf32>
    %select_n3A_299 = arith.select %ge3A_297, %masked_sort3A_276, %rev3A_296 : vector<16xi1>, vector<16xi32>
    %masked_sort3A_300 = arith.constant dense<true> : vector<16xi1>
    %masked_sort3A_301, %masked_sort3A_302, %masked_sort3A_303 = tpu.sort %select_n3A_298, %select_n3A_299 masked %masked_sort3A_300 {descending = true} : (vector<16xf32>, vector<16xi32>, vector<16xi1>) -> (vector<16xi1>, vector<16xf32>, vector<16xi32>)
    %abs3A_304 = math.absf %scan3A_227#3 : vector<16xf32>
    %mul3A_305 = arith.mulf %scan3A_227#3, %abs3A_304 : vector<16xf32>
    %div3A_306 = arith.divf %mul3A_305, %scan3A_227#11 : vector<16xf32>
    %jit3A_307 = arith.constant -3.000000e+38 : f32
    %broadcast_in_dim3A_308 = vector.broadcast %jit3A_307 : f32 to vector<16xf32>
    %select_n3A_309 = arith.select %and3A_146, %div3A_306, %broadcast_in_dim3A_308 : vector<16xi1>, vector<16xf32>
    %masked_sort3A_310 = arith.constant dense<true> : vector<16xi1>
    %masked_sort3A_311, %masked_sort3A_312, %masked_sort3A_313 = tpu.sort %select_n3A_309, %add3A_136 masked %masked_sort3A_310 {descending = true} : (vector<16xf32>, vector<16xi32>, vector<16xi1>) -> (vector<16xi1>, vector<16xf32>, vector<16xi32>)
    %rev3A_314 = arith.constant 15 : i32
    %rev3A_315 = vector.broadcast %rev3A_314 : i32 to vector<16xi32>
    %rev3A_316 = tpu.iota {dimensions = array<i32: 0>} : vector<16xi32>
    %rev3A_317 = arith.subi %rev3A_315, %rev3A_316 : vector<16xi32>
    %rev3A_318 = tpu.dynamic_gather %masked_sort3A_312[%rev3A_317] in [0] : vector<16xf32>, vector<16xi32> -> vector<16xf32>
    %rev3A_319 = arith.constant 15 : i32
    %rev3A_320 = vector.broadcast %rev3A_319 : i32 to vector<16xi32>
    %rev3A_321 = tpu.iota {dimensions = array<i32: 0>} : vector<16xi32>
    %rev3A_322 = arith.subi %rev3A_320, %rev3A_321 : vector<16xi32>
    %rev3A_323 = tpu.dynamic_gather %masked_sort3A_313[%rev3A_322] in [0] : vector<16xi32>, vector<16xi32> -> vector<16xi32>
    %ge3A_324 = arith.cmpf oge, %masked_sort3A_302, %rev3A_318 : vector<16xf32>
    %select_n3A_325 = arith.select %ge3A_324, %masked_sort3A_302, %rev3A_318 : vector<16xi1>, vector<16xf32>
    %select_n3A_326 = arith.select %ge3A_324, %masked_sort3A_303, %rev3A_323 : vector<16xi1>, vector<16xi32>
    %masked_sort3A_327 = arith.constant dense<true> : vector<16xi1>
    %masked_sort3A_328, %masked_sort3A_329, %masked_sort3A_330 = tpu.sort %select_n3A_325, %select_n3A_326 masked %masked_sort3A_327 {descending = true} : (vector<16xf32>, vector<16xi32>, vector<16xi1>) -> (vector<16xi1>, vector<16xf32>, vector<16xi32>)
    %abs3A_331 = math.absf %scan3A_227#4 : vector<16xf32>
    %mul3A_332 = arith.mulf %scan3A_227#4, %abs3A_331 : vector<16xf32>
    %div3A_333 = arith.divf %mul3A_332, %scan3A_227#12 : vector<16xf32>
    %jit3A_334 = arith.constant -3.000000e+38 : f32
    %broadcast_in_dim3A_335 = vector.broadcast %jit3A_334 : f32 to vector<16xf32>
    %select_n3A_336 = arith.select %and3A_161, %div3A_333, %broadcast_in_dim3A_335 : vector<16xi1>, vector<16xf32>
    %masked_sort3A_337 = arith.constant dense<true> : vector<16xi1>
    %masked_sort3A_338, %masked_sort3A_339, %masked_sort3A_340 = tpu.sort %select_n3A_336, %add3A_151 masked %masked_sort3A_337 {descending = true} : (vector<16xf32>, vector<16xi32>, vector<16xi1>) -> (vector<16xi1>, vector<16xf32>, vector<16xi32>)
    %rev3A_341 = arith.constant 15 : i32
    %rev3A_342 = vector.broadcast %rev3A_341 : i32 to vector<16xi32>
    %rev3A_343 = tpu.iota {dimensions = array<i32: 0>} : vector<16xi32>
    %rev3A_344 = arith.subi %rev3A_342, %rev3A_343 : vector<16xi32>
    %rev3A_345 = tpu.dynamic_gather %masked_sort3A_339[%rev3A_344] in [0] : vector<16xf32>, vector<16xi32> -> vector<16xf32>
    %rev3A_346 = arith.constant 15 : i32
    %rev3A_347 = vector.broadcast %rev3A_346 : i32 to vector<16xi32>
    %rev3A_348 = tpu.iota {dimensions = array<i32: 0>} : vector<16xi32>
    %rev3A_349 = arith.subi %rev3A_347, %rev3A_348 : vector<16xi32>
    %rev3A_350 = tpu.dynamic_gather %masked_sort3A_340[%rev3A_349] in [0] : vector<16xi32>, vector<16xi32> -> vector<16xi32>
    %ge3A_351 = arith.cmpf oge, %masked_sort3A_329, %rev3A_345 : vector<16xf32>
    %select_n3A_352 = arith.select %ge3A_351, %masked_sort3A_329, %rev3A_345 : vector<16xi1>, vector<16xf32>
    %select_n3A_353 = arith.select %ge3A_351, %masked_sort3A_330, %rev3A_350 : vector<16xi1>, vector<16xi32>
    %masked_sort3A_354 = arith.constant dense<true> : vector<16xi1>
    %masked_sort3A_355, %masked_sort3A_356, %masked_sort3A_357 = tpu.sort %select_n3A_352, %select_n3A_353 masked %masked_sort3A_354 {descending = true} : (vector<16xf32>, vector<16xi32>, vector<16xi1>) -> (vector<16xi1>, vector<16xf32>, vector<16xi32>)
    %abs3A_358 = math.absf %scan3A_227#5 : vector<16xf32>
    %mul3A_359 = arith.mulf %scan3A_227#5, %abs3A_358 : vector<16xf32>
    %div3A_360 = arith.divf %mul3A_359, %scan3A_227#13 : vector<16xf32>
    %jit3A_361 = arith.constant -3.000000e+38 : f32
    %broadcast_in_dim3A_362 = vector.broadcast %jit3A_361 : f32 to vector<16xf32>
    %select_n3A_363 = arith.select %and3A_176, %div3A_360, %broadcast_in_dim3A_362 : vector<16xi1>, vector<16xf32>
    %masked_sort3A_364 = arith.constant dense<true> : vector<16xi1>
    %masked_sort3A_365, %masked_sort3A_366, %masked_sort3A_367 = tpu.sort %select_n3A_363, %add3A_166 masked %masked_sort3A_364 {descending = true} : (vector<16xf32>, vector<16xi32>, vector<16xi1>) -> (vector<16xi1>, vector<16xf32>, vector<16xi32>)
    %rev3A_368 = arith.constant 15 : i32
    %rev3A_369 = vector.broadcast %rev3A_368 : i32 to vector<16xi32>
    %rev3A_370 = tpu.iota {dimensions = array<i32: 0>} : vector<16xi32>
    %rev3A_371 = arith.subi %rev3A_369, %rev3A_370 : vector<16xi32>
    %rev3A_372 = tpu.dynamic_gather %masked_sort3A_366[%rev3A_371] in [0] : vector<16xf32>, vector<16xi32> -> vector<16xf32>
    %rev3A_373 = arith.constant 15 : i32
    %rev3A_374 = vector.broadcast %rev3A_373 : i32 to vector<16xi32>
    %rev3A_375 = tpu.iota {dimensions = array<i32: 0>} : vector<16xi32>
    %rev3A_376 = arith.subi %rev3A_374, %rev3A_375 : vector<16xi32>
    %rev3A_377 = tpu.dynamic_gather %masked_sort3A_367[%rev3A_376] in [0] : vector<16xi32>, vector<16xi32> -> vector<16xi32>
    %ge3A_378 = arith.cmpf oge, %masked_sort3A_356, %rev3A_372 : vector<16xf32>
    %select_n3A_379 = arith.select %ge3A_378, %masked_sort3A_356, %rev3A_372 : vector<16xi1>, vector<16xf32>
    %select_n3A_380 = arith.select %ge3A_378, %masked_sort3A_357, %rev3A_377 : vector<16xi1>, vector<16xi32>
    %masked_sort3A_381 = arith.constant dense<true> : vector<16xi1>
    %masked_sort3A_382, %masked_sort3A_383, %masked_sort3A_384 = tpu.sort %select_n3A_379, %select_n3A_380 masked %masked_sort3A_381 {descending = true} : (vector<16xf32>, vector<16xi32>, vector<16xi1>) -> (vector<16xi1>, vector<16xf32>, vector<16xi32>)
    %abs3A_385 = math.absf %scan3A_227#6 : vector<16xf32>
    %mul3A_386 = arith.mulf %scan3A_227#6, %abs3A_385 : vector<16xf32>
    %div3A_387 = arith.divf %mul3A_386, %scan3A_227#14 : vector<16xf32>
    %jit3A_388 = arith.constant -3.000000e+38 : f32
    %broadcast_in_dim3A_389 = vector.broadcast %jit3A_388 : f32 to vector<16xf32>
    %select_n3A_390 = arith.select %and3A_191, %div3A_387, %broadcast_in_dim3A_389 : vector<16xi1>, vector<16xf32>
    %masked_sort3A_391 = arith.constant dense<true> : vector<16xi1>
    %masked_sort3A_392, %masked_sort3A_393, %masked_sort3A_394 = tpu.sort %select_n3A_390, %add3A_181 masked %masked_sort3A_391 {descending = true} : (vector<16xf32>, vector<16xi32>, vector<16xi1>) -> (vector<16xi1>, vector<16xf32>, vector<16xi32>)
    %rev3A_395 = arith.constant 15 : i32
    %rev3A_396 = vector.broadcast %rev3A_395 : i32 to vector<16xi32>
    %rev3A_397 = tpu.iota {dimensions = array<i32: 0>} : vector<16xi32>
    %rev3A_398 = arith.subi %rev3A_396, %rev3A_397 : vector<16xi32>
    %rev3A_399 = tpu.dynamic_gather %masked_sort3A_393[%rev3A_398] in [0] : vector<16xf32>, vector<16xi32> -> vector<16xf32>
    %rev3A_400 = arith.constant 15 : i32
    %rev3A_401 = vector.broadcast %rev3A_400 : i32 to vector<16xi32>
    %rev3A_402 = tpu.iota {dimensions = array<i32: 0>} : vector<16xi32>
    %rev3A_403 = arith.subi %rev3A_401, %rev3A_402 : vector<16xi32>
    %rev3A_404 = tpu.dynamic_gather %masked_sort3A_394[%rev3A_403] in [0] : vector<16xi32>, vector<16xi32> -> vector<16xi32>
    %ge3A_405 = arith.cmpf oge, %masked_sort3A_383, %rev3A_399 : vector<16xf32>
    %select_n3A_406 = arith.select %ge3A_405, %masked_sort3A_383, %rev3A_399 : vector<16xi1>, vector<16xf32>
    %select_n3A_407 = arith.select %ge3A_405, %masked_sort3A_384, %rev3A_404 : vector<16xi1>, vector<16xi32>
    %masked_sort3A_408 = arith.constant dense<true> : vector<16xi1>
    %masked_sort3A_409, %masked_sort3A_410, %masked_sort3A_411 = tpu.sort %select_n3A_406, %select_n3A_407 masked %masked_sort3A_408 {descending = true} : (vector<16xf32>, vector<16xi32>, vector<16xi1>) -> (vector<16xi1>, vector<16xf32>, vector<16xi32>)
    %abs3A_412 = math.absf %scan3A_227#7 : vector<16xf32>
    %mul3A_413 = arith.mulf %scan3A_227#7, %abs3A_412 : vector<16xf32>
    %div3A_414 = arith.divf %mul3A_413, %scan3A_227#15 : vector<16xf32>
    %jit3A_415 = arith.constant -3.000000e+38 : f32
    %broadcast_in_dim3A_416 = vector.broadcast %jit3A_415 : f32 to vector<16xf32>
    %select_n3A_417 = arith.select %and3A_206, %div3A_414, %broadcast_in_dim3A_416 : vector<16xi1>, vector<16xf32>
    %masked_sort3A_418 = arith.constant dense<true> : vector<16xi1>
    %masked_sort3A_419, %masked_sort3A_420, %masked_sort3A_421 = tpu.sort %select_n3A_417, %add3A_196 masked %masked_sort3A_418 {descending = true} : (vector<16xf32>, vector<16xi32>, vector<16xi1>) -> (vector<16xi1>, vector<16xf32>, vector<16xi32>)
    %rev3A_422 = arith.constant 15 : i32
    %rev3A_423 = vector.broadcast %rev3A_422 : i32 to vector<16xi32>
    %rev3A_424 = tpu.iota {dimensions = array<i32: 0>} : vector<16xi32>
    %rev3A_425 = arith.subi %rev3A_423, %rev3A_424 : vector<16xi32>
    %rev3A_426 = tpu.dynamic_gather %masked_sort3A_420[%rev3A_425] in [0] : vector<16xf32>, vector<16xi32> -> vector<16xf32>
    %rev3A_427 = arith.constant 15 : i32
    %rev3A_428 = vector.broadcast %rev3A_427 : i32 to vector<16xi32>
    %rev3A_429 = tpu.iota {dimensions = array<i32: 0>} : vector<16xi32>
    %rev3A_430 = arith.subi %rev3A_428, %rev3A_429 : vector<16xi32>
    %rev3A_431 = tpu.dynamic_gather %masked_sort3A_421[%rev3A_430] in [0] : vector<16xi32>, vector<16xi32> -> vector<16xi32>
    %ge3A_432 = arith.cmpf oge, %masked_sort3A_410, %rev3A_426 : vector<16xf32>
    %select_n3A_433 = arith.select %ge3A_432, %masked_sort3A_410, %rev3A_426 : vector<16xi1>, vector<16xf32>
    %select_n3A_434 = arith.select %ge3A_432, %masked_sort3A_411, %rev3A_431 : vector<16xi1>, vector<16xi32>
    %masked_sort3A_435 = arith.constant dense<true> : vector<16xi1>
    %masked_sort3A_436, %masked_sort3A_437, %masked_sort3A_438 = tpu.sort %select_n3A_433, %select_n3A_434 masked %masked_sort3A_435 {descending = true} : (vector<16xf32>, vector<16xi32>, vector<16xi1>) -> (vector<16xi1>, vector<16xf32>, vector<16xi32>)
    %swap3A = arith.constant 0 : index
    %swap3A_439 = tpu.vector_load %arg9[%swap3A] {strides = array<i32>} : memref<16xf32, #tpu.memory_space<vmem>>, vector<16xf32>,
    tpu.vector_store %arg9[%swap3A], %masked_sort3A_437 {strides = array<i32>} : memref<16xf32, #tpu.memory_space<vmem>>, vector<16xf32>,
    %swap3A_440 = arith.constant 0 : index
    %swap3A_441 = tpu.vector_load %arg10[%swap3A_440] {strides = array<i32>} : memref<16xi32, #tpu.memory_space<vmem>>, vector<16xi32>,
    tpu.vector_store %arg10[%swap3A_440], %masked_sort3A_438 {strides = array<i32>} : memref<16xi32, #tpu.memory_space<vmem>>, vector<16xi32>,
    %mul3A_442 = arith.constant 16 : i32
    %mul3A_443 = arith.muli %add3A, %mul3A_442 : i32
    "tpu.region"() ({
      %run_scoped3A = tpu.sem_alloc : memref<!tpu.dma_semaphore, #tpu.memory_space<semaphore_mem>>
      %dma_start3A_446 = tpu.memref_slice %arg4[%mul3A_443] : memref<512xf32, #tpu.memory_space<hbm>> -> memref<16xf32, #tpu.memory_space<hbm>>
      %dma_start3A_447 = tpu.memref_slice %arg4[%mul3A_443] : memref<512xf32, #tpu.memory_space<hbm>> -> memref<16xf32, #tpu.memory_space<hbm>>
      tpu.enqueue_dma source(%arg9 : memref<16xf32, #tpu.memory_space<vmem>>) target(%dma_start3A_447 : memref<16xf32, #tpu.memory_space<hbm>>) target_semaphore(%run_scoped3A : memref<!tpu.dma_semaphore, #tpu.memory_space<semaphore_mem>>)
      %dma_wait3A_448 = tpu.memref_slice %arg4[%mul3A_443] : memref<512xf32, #tpu.memory_space<hbm>> -> memref<16xf32, #tpu.memory_space<hbm>>
      %dma_wait3A_449 = tpu.memref_slice %arg4[%mul3A_443] : memref<512xf32, #tpu.memory_space<hbm>> -> memref<16xf32, #tpu.memory_space<hbm>>
      tpu.wait_dma2 semaphore(%run_scoped3A : memref<!tpu.dma_semaphore, #tpu.memory_space<semaphore_mem>>) src(%arg9 : memref<16xf32, #tpu.memory_space<vmem>>) dst(%dma_wait3A_449 : memref<16xf32, #tpu.memory_space<hbm>>)
      tpu.yield
    }) : () -> ()
    %mul3A_444 = arith.constant 16 : i32
    %mul3A_445 = arith.muli %add3A, %mul3A_444 : i32
    "tpu.region"() ({
      %run_scoped3A = tpu.sem_alloc : memref<!tpu.dma_semaphore, #tpu.memory_space<semaphore_mem>>
      %dma_start3A_446 = tpu.memref_slice %arg5[%mul3A_445] : memref<512xi32, #tpu.memory_space<hbm>> -> memref<16xi32, #tpu.memory_space<hbm>>
      %dma_start3A_447 = tpu.memref_slice %arg5[%mul3A_445] : memref<512xi32, #tpu.memory_space<hbm>> -> memref<16xi32, #tpu.memory_space<hbm>>
      tpu.enqueue_dma source(%arg10 : memref<16xi32, #tpu.memory_space<vmem>>) target(%dma_start3A_447 : memref<16xi32, #tpu.memory_space<hbm>>) target_semaphore(%run_scoped3A : memref<!tpu.dma_semaphore, #tpu.memory_space<semaphore_mem>>)
      %dma_wait3A_448 = tpu.memref_slice %arg5[%mul3A_445] : memref<512xi32, #tpu.memory_space<hbm>> -> memref<16xi32, #tpu.memory_space<hbm>>
      %dma_wait3A_449 = tpu.memref_slice %arg5[%mul3A_445] : memref<512xi32, #tpu.memory_space<hbm>> -> memref<16xi32, #tpu.memory_space<hbm>>
      tpu.wait_dma2 semaphore(%run_scoped3A : memref<!tpu.dma_semaphore, #tpu.memory_space<semaphore_mem>>) src(%arg10 : memref<16xi32, #tpu.memory_space<vmem>>) dst(%dma_wait3A_449 : memref<16xi32, #tpu.memory_space<hbm>>)
      tpu.yield
    }) : () -> ()
    return
  }
}

module attributes {stable_mosaic.version = 14 : i64} {
  func.func @_gcn_body(%arg0: i32, %arg1: memref<4096x256xf32, #tpu.memory_space<vmem>>, %arg2: memref<256x128xf32, #tpu.memory_space<vmem>>, %arg3: memref<512x4096xf32, #tpu.memory_space<vmem>>, %arg4: memref<1x128xf32, #tpu.memory_space<vmem>>, %arg5: memref<1x128xf32, #tpu.memory_space<vmem>>, %arg6: memref<4096x128xf32, #tpu.memory_space<vmem>>, %arg7: memref<4096x128xf32, #tpu.memory_space<vmem>>, %arg8: memref<1x4096xf32, #tpu.memory_space<vmem>>) attributes {dimension_semantics = [#tpu.dimension_semantics<arbitrary>], iteration_bounds = array<i64: 8>, scalar_prefetch = 0 : i64, scratch_operands = 3 : i64, tpu.core_type = #tpu.core_type<tc>, window_params = [{pipeline_mode = #tpu.pipeline_mode<synchronous>, transform_indices = @transform_0, window_bounds = array<i64: 4096, 256>}, {pipeline_mode = #tpu.pipeline_mode<synchronous>, transform_indices = @transform_1, window_bounds = array<i64: 256, 128>}, {transform_indices = @transform_2, window_bounds = array<i64: 512, 4096>}, {pipeline_mode = #tpu.pipeline_mode<synchronous>, transform_indices = @transform_3, window_bounds = array<i64: 1, 128>}, {pipeline_mode = #tpu.pipeline_mode<synchronous>, transform_indices = @transform_4, window_bounds = array<i64: 1, 128>}]} {
    %eq3A = arith.constant 0 : i32
    %eq3A_0 = arith.cmpi eq, %arg0, %eq3A : i32
    %convert_element_type3A = arith.extui %eq3A_0 : i1 to i32
    %cond3A = arith.constant 0 : i32
    %cond3A_1 = arith.cmpi ne, %convert_element_type3A, %cond3A : i32
    scf.if %cond3A_1 {
      %get3A_23 = arith.constant 0 : index
      %get3A_24 = arith.constant 0 : index
      %get3A_25 = vector.load %arg1[%get3A_23, %get3A_24] : memref<4096x256xf32, #tpu.memory_space<vmem>>, vector<4096x256xf32>
      %get3A_26 = arith.constant 0 : index
      %get3A_27 = arith.constant 0 : index
      %get3A_28 = vector.load %arg2[%get3A_26, %get3A_27] : memref<256x128xf32, #tpu.memory_space<vmem>>, vector<256x128xf32>
      %dot_general3A_29 = arith.constant dense<0.000000e+00> : vector<4096x128xf32>
      %dot_general3A_30 = tpu.matmul %get3A_25, %get3A_28, %dot_general3A_29 {dimension_numbers = #tpu.dot_dimension_numbers<[1], [0], [0], [1], [0, 0, 1, 1], [], []>, transpose_lhs_hint = false} : vector<4096x256xf32>, vector<256x128xf32>, vector<4096x128xf32> -> vector<4096x128xf32>
      %swap3A_31 = arith.constant 0 : index
      %swap3A_32 = arith.constant 0 : index
      %swap3A_33 = vector.load %arg6[%swap3A_31, %swap3A_32] : memref<4096x128xf32, #tpu.memory_space<vmem>>, vector<4096x128xf32>
      tpu.vector_store %arg6[%swap3A_31, %swap3A_32], %dot_general3A_30 {strides = array<i32>} : memref<4096x128xf32, #tpu.memory_space<vmem>>, vector<4096x128xf32>,
      %broadcast_in_dim3A_34 = arith.constant 0.000000e+00 : f32
      %broadcast_in_dim3A_35 = vector.broadcast %broadcast_in_dim3A_34 : f32 to vector<1x4096xf32>
      %swap3A_36 = arith.constant 0 : index
      %swap3A_37 = arith.constant 0 : index
      %swap3A_38 = vector.load %arg8[%swap3A_36, %swap3A_37] : memref<1x4096xf32, #tpu.memory_space<vmem>>, vector<1x4096xf32>
      tpu.vector_store %arg8[%swap3A_36, %swap3A_37], %broadcast_in_dim3A_35 {strides = array<i32>} : memref<1x4096xf32, #tpu.memory_space<vmem>>, vector<1x4096xf32>,
    } else {
    }
    %get3A = arith.constant 0 : index
    %get3A_2 = arith.constant 0 : index
    %get3A_3 = vector.load %arg3[%get3A, %get3A_2] : memref<512x4096xf32, #tpu.memory_space<vmem>>, vector<512x4096xf32>
    %get3A_4 = arith.constant 0 : index
    %get3A_5 = arith.constant 0 : index
    %get3A_6 = vector.load %arg6[%get3A_4, %get3A_5] : memref<4096x128xf32, #tpu.memory_space<vmem>>, vector<4096x128xf32>
    %dot_general3A = arith.constant dense<0.000000e+00> : vector<512x128xf32>
    %dot_general3A_7 = tpu.matmul %get3A_3, %get3A_6, %dot_general3A {dimension_numbers = #tpu.dot_dimension_numbers<[1], [0], [0], [1], [0, 0, 1, 1], [], []>, transpose_lhs_hint = false} : vector<512x4096xf32>, vector<4096x128xf32>, vector<512x128xf32> -> vector<512x128xf32>
    %tanh3A = math.tanh %dot_general3A_7 : vector<512x128xf32>
    %mul3A = arith.constant 512 : i32
    %mul3A_8 = arith.muli %arg0, %mul3A : i32
    %swap3A = arith.index_cast %mul3A_8 : i32 to index
    %swap3A_9 = arith.constant 0 : index
    %swap3A_10 = vector.load %arg7[%swap3A, %swap3A_9] : memref<4096x128xf32, #tpu.memory_space<vmem>>, vector<512x128xf32>
    tpu.vector_store %arg7[%swap3A, %swap3A_9], %tanh3A {strides = array<i32>} : memref<4096x128xf32, #tpu.memory_space<vmem>>, vector<512x128xf32>,
    %get3A_11 = arith.constant 0 : index
    %get3A_12 = arith.constant 0 : index
    %get3A_13 = vector.load %arg8[%get3A_11, %get3A_12] : memref<1x4096xf32, #tpu.memory_space<vmem>>, vector<1x4096xf32>
    %reduce_sum3A = arith.constant dense<0.000000e+00> : vector<4096xf32>
    %reduce_sum3A_14 = vector.multi_reduction <add>, %get3A_3, %reduce_sum3A [0] : vector<512x4096xf32> to vector<4096xf32>
    %broadcast_in_dim3A = vector.shape_cast %reduce_sum3A_14 : vector<4096xf32> to vector<1x4096xf32>
    %add3A = arith.addf %get3A_13, %broadcast_in_dim3A : vector<1x4096xf32>
    %swap3A_15 = arith.constant 0 : index
    %swap3A_16 = arith.constant 0 : index
    %swap3A_17 = vector.load %arg8[%swap3A_15, %swap3A_16] : memref<1x4096xf32, #tpu.memory_space<vmem>>, vector<1x4096xf32>
    tpu.vector_store %arg8[%swap3A_15, %swap3A_16], %add3A {strides = array<i32>} : memref<1x4096xf32, #tpu.memory_space<vmem>>, vector<1x4096xf32>,
    %eq3A_18 = arith.constant 7 : i32
    %eq3A_19 = arith.cmpi eq, %arg0, %eq3A_18 : i32
    %convert_element_type3A_20 = arith.extui %eq3A_19 : i1 to i32
    %cond3A_21 = arith.constant 0 : i32
    %cond3A_22 = arith.cmpi ne, %convert_element_type3A_20, %cond3A_21 : i32
    scf.if %cond3A_22 {
      %get3A_23 = arith.constant 0 : index
      %get3A_24 = arith.constant 0 : index
      %get3A_25 = vector.load %arg7[%get3A_23, %get3A_24] : memref<4096x128xf32, #tpu.memory_space<vmem>>, vector<4096x128xf32>
      %reduce_sum3A_26 = arith.constant dense<0.000000e+00> : vector<128xf32>
      %reduce_sum3A_27 = vector.multi_reduction <add>, %get3A_25, %reduce_sum3A_26 [0] : vector<4096x128xf32> to vector<128xf32>
      %broadcast_in_dim3A_28 = vector.shape_cast %reduce_sum3A_27 : vector<128xf32> to vector<1x128xf32>
      %mul3A_29 = arith.constant 2.44140625E-4 : f32
      %mul3A_30 = vector.broadcast %mul3A_29 : f32 to vector<1x128xf32>
      %mul3A_31 = arith.mulf %broadcast_in_dim3A_28, %mul3A_30 : vector<1x128xf32>
      %swap3A_32 = arith.constant 0 : index
      %swap3A_33 = arith.constant 0 : index
      %swap3A_34 = vector.load %arg4[%swap3A_32, %swap3A_33] : memref<1x128xf32, #tpu.memory_space<vmem>>, vector<1x128xf32>
      tpu.vector_store %arg4[%swap3A_32, %swap3A_33], %mul3A_31 {strides = array<i32>} : memref<1x128xf32, #tpu.memory_space<vmem>>, vector<1x128xf32>,
      %get3A_35 = arith.constant 0 : index
      %get3A_36 = arith.constant 0 : index
      %get3A_37 = vector.load %arg8[%get3A_35, %get3A_36] : memref<1x4096xf32, #tpu.memory_space<vmem>>, vector<1x4096xf32>
      %mul3A_38 = arith.constant 2.44140625E-4 : f32
      %mul3A_39 = vector.broadcast %mul3A_38 : f32 to vector<1x4096xf32>
      %mul3A_40 = arith.mulf %get3A_37, %mul3A_39 : vector<1x4096xf32>
      %dot_general3A_41 = arith.constant dense<0.000000e+00> : vector<1x128xf32>
      %dot_general3A_42 = tpu.matmul %mul3A_40, %get3A_25, %dot_general3A_41 {dimension_numbers = #tpu.dot_dimension_numbers<[1], [0], [0], [1], [0, 0, 1, 1], [], []>, transpose_lhs_hint = false} : vector<1x4096xf32>, vector<4096x128xf32>, vector<1x128xf32> -> vector<1x128xf32>
      %swap3A_43 = arith.constant 0 : index
      %swap3A_44 = arith.constant 0 : index
      %swap3A_45 = vector.load %arg5[%swap3A_43, %swap3A_44] : memref<1x128xf32, #tpu.memory_space<vmem>>, vector<1x128xf32>
      tpu.vector_store %arg5[%swap3A_43, %swap3A_44], %dot_general3A_42 {strides = array<i32>} : memref<1x128xf32, #tpu.memory_space<vmem>>, vector<1x128xf32>,
    } else {
    }
    return
  }
  func.func @transform_0(%arg0: i32) -> (i32, i32) {
    %c0_i32 = arith.constant 0 : i32
    %c0_i32_0 = arith.constant 0 : i32
    %c0_i32_1 = arith.constant 0 : i32
    return %c0_i32, %c0_i32_0 : i32, i32
  }
  func.func @transform_1(%arg0: i32) -> (i32, i32) {
    %c0_i32 = arith.constant 0 : i32
    %c0_i32_0 = arith.constant 0 : i32
    %c0_i32_1 = arith.constant 0 : i32
    return %c0_i32, %c0_i32_0 : i32, i32
  }
  func.func @transform_2(%arg0: i32) -> (i32, i32) {
    %c0_i32 = arith.constant 0 : i32
    %c0_i32_0 = arith.constant 0 : i32
    return %arg0, %c0_i32 : i32, i32
  }
  func.func @transform_3(%arg0: i32) -> (i32, i32) {
    %c0_i32 = arith.constant 0 : i32
    %c0_i32_0 = arith.constant 0 : i32
    %c0_i32_1 = arith.constant 0 : i32
    return %c0_i32, %c0_i32_0 : i32, i32
  }
  func.func @transform_4(%arg0: i32) -> (i32, i32) {
    %c0_i32 = arith.constant 0 : i32
    %c0_i32_0 = arith.constant 0 : i32
    %c0_i32_1 = arith.constant 0 : i32
    return %c0_i32, %c0_i32_0 : i32, i32
  }
}

module attributes {stable_mosaic.version = 14 : i64} {
  func.func @_decode_body(%arg0: i32, %arg1: memref<16xi32, #tpu.memory_space<smem>>, %arg2: memref<40x128xf32, #tpu.memory_space<vmem>>, %arg3: memref<1x128xf32, #tpu.memory_space<vmem>>, %arg4: memref<1x128xf32, #tpu.memory_space<vmem>>, %arg5: memref<128x128xf32, #tpu.memory_space<vmem>>, %arg6: memref<1x128xf32, #tpu.memory_space<vmem>>, %arg7: memref<128x40xf32, #tpu.memory_space<vmem>>, %arg8: memref<1x40xf32, #tpu.memory_space<vmem>>, %arg9: memref<1x40xf32, #tpu.memory_space<vmem>>, %arg10: memref<1x40xf32, #tpu.memory_space<vmem>>) attributes {dimension_semantics = [#tpu.dimension_semantics<arbitrary>], iteration_bounds = array<i64: 8>, scalar_prefetch = 1 : i64, scratch_operands = 1 : i64, tpu.core_type = #tpu.core_type<tc>, window_params = [{transform_indices = @transform_0, window_bounds = array<i64: 40, 128>}, {pipeline_mode = #tpu.pipeline_mode<synchronous>, transform_indices = @transform_1, window_bounds = array<i64: 1, 128>}, {pipeline_mode = #tpu.pipeline_mode<synchronous>, transform_indices = @transform_2, window_bounds = array<i64: 1, 128>}, {pipeline_mode = #tpu.pipeline_mode<synchronous>, transform_indices = @transform_3, window_bounds = array<i64: 128, 128>}, {pipeline_mode = #tpu.pipeline_mode<synchronous>, transform_indices = @transform_4, window_bounds = array<i64: 1, 128>}, {pipeline_mode = #tpu.pipeline_mode<synchronous>, transform_indices = @transform_5, window_bounds = array<i64: 128, 40>}, {pipeline_mode = #tpu.pipeline_mode<synchronous>, transform_indices = @transform_6, window_bounds = array<i64: 1, 40>}, {pipeline_mode = #tpu.pipeline_mode<synchronous>, transform_indices = @transform_7, window_bounds = array<i64: 1, 40>}]} {
    %eq3A = arith.constant 0 : i32
    %eq3A_0 = arith.cmpi eq, %arg0, %eq3A : i32
    %convert_element_type3A = arith.extui %eq3A_0 : i1 to i32
    %cond3A = arith.constant 0 : i32
    %cond3A_1 = arith.cmpi ne, %convert_element_type3A, %cond3A : i32
    scf.if %cond3A_1 {
      %broadcast_in_dim3A_47 = arith.constant 0.000000e+00 : f32
      %broadcast_in_dim3A_48 = vector.broadcast %broadcast_in_dim3A_47 : f32 to vector<1x40xf32>
      %swap3A_49 = arith.constant 0 : index
      %swap3A_50 = arith.constant 0 : index
      %swap3A_51 = vector.load %arg10[%swap3A_49, %swap3A_50] : memref<1x40xf32, #tpu.memory_space<vmem>>, vector<1x40xf32>
      tpu.vector_store %arg10[%swap3A_49, %swap3A_50], %broadcast_in_dim3A_48 {strides = array<i32>} : memref<1x40xf32, #tpu.memory_space<vmem>>, vector<1x40xf32>,
    } else {
    }
    %get3A = arith.index_cast %arg0 : i32 to index
    %get3A_2 = memref.load %arg1[%get3A] : memref<16xi32, #tpu.memory_space<smem>>
    %jit3A = arith.constant 128 : i32
    %div3A = arith.divsi %get3A_2, %jit3A : i32
    %sign3A = arith.constant 0 : i32
    %sign3A_3 = arith.cmpi sgt, %get3A_2, %sign3A : i32
    %sign3A_4 = arith.extui %sign3A_3 : i1 to i32
    %sign3A_5 = arith.constant 0 : i32
    %sign3A_6 = arith.cmpi slt, %get3A_2, %sign3A_5 : i32
    %sign3A_7 = arith.extui %sign3A_6 : i1 to i32
    %sign3A_8 = arith.subi %sign3A_4, %sign3A_7 : i32
    %sign3A_9 = arith.constant 0 : i32
    %sign3A_10 = arith.cmpi sgt, %jit3A, %sign3A_9 : i32
    %sign3A_11 = arith.extui %sign3A_10 : i1 to i32
    %sign3A_12 = arith.constant 0 : i32
    %sign3A_13 = arith.cmpi slt, %jit3A, %sign3A_12 : i32
    %sign3A_14 = arith.extui %sign3A_13 : i1 to i32
    %sign3A_15 = arith.subi %sign3A_11, %sign3A_14 : i32
    %ne3A = arith.cmpi ne, %sign3A_8, %sign3A_15 : i32
    %rem3A = arith.remsi %get3A_2, %jit3A : i32
    %ne3A_16 = arith.constant 0 : i32
    %ne3A_17 = arith.cmpi ne, %rem3A, %ne3A_16 : i32
    %and3A = arith.andi %ne3A, %ne3A_17 : i1
    %sub3A = arith.constant 1 : i32
    %sub3A_18 = arith.subi %div3A, %sub3A : i32
    %select_n3A = arith.select %and3A, %sub3A_18, %div3A : i32
    %mul3A = arith.constant 128 : i32
    %mul3A_19 = arith.muli %select_n3A, %mul3A : i32
    %sub3A_20 = arith.subi %get3A_2, %mul3A_19 : i32
    %get3A_21 = arith.constant 0 : index
    %get3A_22 = arith.constant 0 : index
    %get3A_23 = vector.load %arg2[%get3A_21, %get3A_22] : memref<40x128xf32, #tpu.memory_space<vmem>>, vector<40x128xf32>
    %iota3A = tpu.iota {dimensions = array<i32: 1>} : vector<40x128xi32>
    %mul3A_24 = arith.constant 128 : i32
    %mul3A_25 = arith.muli %select_n3A, %mul3A_24 : i32
    %sub3A_26 = arith.constant 100000 : i32
    %sub3A_27 = arith.subi %sub3A_26, %mul3A_25 : i32
    %lt3A = vector.broadcast %sub3A_27 : i32 to vector<40x128xi32>
    %lt3A_28 = arith.cmpi slt, %iota3A, %lt3A : vector<40x128xi32>
    %jit3A_29 = arith.constant 0.000000e+00 : f32
    %broadcast_in_dim3A = vector.broadcast %jit3A_29 : f32 to vector<40x128xf32>
    %select_n3A_30 = arith.select %lt3A_28, %get3A_23, %broadcast_in_dim3A : vector<40x128xi1>, vector<40x128xf32>
    %iota3A_31 = tpu.iota {dimensions = array<i32: 1>} : vector<1x128xi32>
    %eq3A_32 = vector.broadcast %sub3A_20 : i32 to vector<1x128xi32>
    %eq3A_33 = arith.cmpi eq, %iota3A_31, %eq3A_32 : vector<1x128xi32>
    %convert_element_type3A_34 = arith.extui %eq3A_33 : vector<1x128xi1> to vector<1x128xi32>
    %convert_element_type3A_35 = arith.sitofp %convert_element_type3A_34 : vector<1x128xi32> to vector<1x128xf32>
    %get3A_36 = arith.constant 0 : index
    %get3A_37 = arith.constant 0 : index
    %get3A_38 = vector.load %arg10[%get3A_36, %get3A_37] : memref<1x40xf32, #tpu.memory_space<vmem>>, vector<1x40xf32>
    %dot_general3A = arith.constant dense<0.000000e+00> : vector<1x40xf32>
    %dot_general3A_39 = tpu.matmul %convert_element_type3A_35, %select_n3A_30, %dot_general3A {dimension_numbers = #tpu.dot_dimension_numbers<[1], [1], [0], [0], [0, 0, 1, 0], [], []>, transpose_lhs_hint = false} : vector<1x128xf32>, vector<40x128xf32>, vector<1x40xf32> -> vector<1x40xf32>
    %add3A = arith.addf %get3A_38, %dot_general3A_39 : vector<1x40xf32>
    %swap3A = arith.constant 0 : index
    %swap3A_40 = arith.constant 0 : index
    %swap3A_41 = vector.load %arg10[%swap3A, %swap3A_40] : memref<1x40xf32, #tpu.memory_space<vmem>>, vector<1x40xf32>
    tpu.vector_store %arg10[%swap3A, %swap3A_40], %add3A {strides = array<i32>} : memref<1x40xf32, #tpu.memory_space<vmem>>, vector<1x40xf32>,
    %eq3A_42 = arith.constant 7 : i32
    %eq3A_43 = arith.cmpi eq, %arg0, %eq3A_42 : i32
    %convert_element_type3A_44 = arith.extui %eq3A_43 : i1 to i32
    %cond3A_45 = arith.constant 0 : i32
    %cond3A_46 = arith.cmpi ne, %convert_element_type3A_44, %cond3A_45 : i32
    scf.if %cond3A_46 {
      %get3A_47 = arith.constant 0 : index
      %get3A_48 = arith.constant 0 : index
      %get3A_49 = vector.load %arg10[%get3A_47, %get3A_48] : memref<1x40xf32, #tpu.memory_space<vmem>>, vector<1x40xf32>
      %mul3A_50 = arith.constant 1.250000e-01 : f32
      %mul3A_51 = vector.broadcast %mul3A_50 : f32 to vector<1x40xf32>
      %mul3A_52 = arith.mulf %get3A_49, %mul3A_51 : vector<1x40xf32>
      %get3A_53 = arith.constant 0 : index
      %get3A_54 = arith.constant 0 : index
      %get3A_55 = vector.load %arg3[%get3A_53, %get3A_54] : memref<1x128xf32, #tpu.memory_space<vmem>>, vector<1x128xf32>
      %mul3A_56 = arith.constant 0.699999988 : f32
      %mul3A_57 = vector.broadcast %mul3A_56 : f32 to vector<1x128xf32>
      %mul3A_58 = arith.mulf %get3A_55, %mul3A_57 : vector<1x128xf32>
      %get3A_59 = arith.constant 0 : index
      %get3A_60 = arith.constant 0 : index
      %get3A_61 = vector.load %arg4[%get3A_59, %get3A_60] : memref<1x128xf32, #tpu.memory_space<vmem>>, vector<1x128xf32>
      %mul3A_62 = arith.constant 3.000000e-01 : f32
      %mul3A_63 = vector.broadcast %mul3A_62 : f32 to vector<1x128xf32>
      %mul3A_64 = arith.mulf %get3A_61, %mul3A_63 : vector<1x128xf32>
      %add3A_65 = arith.addf %mul3A_58, %mul3A_64 : vector<1x128xf32>
      %get3A_66 = arith.constant 0 : index
      %get3A_67 = arith.constant 0 : index
      %get3A_68 = vector.load %arg5[%get3A_66, %get3A_67] : memref<128x128xf32, #tpu.memory_space<vmem>>, vector<128x128xf32>
      %dot_general3A_69 = arith.constant dense<0.000000e+00> : vector<1x128xf32>
      %dot_general3A_70 = tpu.matmul %add3A_65, %get3A_68, %dot_general3A_69 {dimension_numbers = #tpu.dot_dimension_numbers<[1], [0], [0], [1], [0, 0, 1, 1], [], []>, transpose_lhs_hint = false} : vector<1x128xf32>, vector<128x128xf32>, vector<1x128xf32> -> vector<1x128xf32>
      %get3A_71 = arith.constant 0 : index
      %get3A_72 = arith.constant 0 : index
      %get3A_73 = vector.load %arg6[%get3A_71, %get3A_72] : memref<1x128xf32, #tpu.memory_space<vmem>>, vector<1x128xf32>
      %add3A_74 = arith.addf %dot_general3A_70, %get3A_73 : vector<1x128xf32>
      %max3A = arith.constant 0.000000e+00 : f32
      %max3A_75 = vector.broadcast %max3A : f32 to vector<1x128xf32>
      %max3A_76 = arith.maximumf %add3A_74, %max3A_75 : vector<1x128xf32>
      %get3A_77 = arith.constant 0 : index
      %get3A_78 = arith.constant 0 : index
      %get3A_79 = vector.load %arg7[%get3A_77, %get3A_78] : memref<128x40xf32, #tpu.memory_space<vmem>>, vector<128x40xf32>
      %dot_general3A_80 = arith.constant dense<0.000000e+00> : vector<1x40xf32>
      %dot_general3A_81 = tpu.matmul %max3A_76, %get3A_79, %dot_general3A_80 {dimension_numbers = #tpu.dot_dimension_numbers<[1], [0], [0], [1], [0, 0, 1, 1], [], []>, transpose_lhs_hint = false} : vector<1x128xf32>, vector<128x40xf32>, vector<1x40xf32> -> vector<1x40xf32>
      %get3A_82 = arith.constant 0 : index
      %get3A_83 = arith.constant 0 : index
      %get3A_84 = vector.load %arg8[%get3A_82, %get3A_83] : memref<1x40xf32, #tpu.memory_space<vmem>>, vector<1x40xf32>
      %add3A_85 = arith.addf %dot_general3A_81, %get3A_84 : vector<1x40xf32>
      %reduce_max3A = arith.constant dense<0xFF800000> : vector<1xf32>
      %reduce_max3A_86 = vector.multi_reduction <maximumf>, %add3A_85, %reduce_max3A [1] : vector<1x40xf32> to vector<1xf32>
      %broadcast_in_dim3A_87 = vector.shape_cast %reduce_max3A_86 : vector<1xf32> to vector<1x1xf32>
      %sub3A_88 = vector.broadcast %broadcast_in_dim3A_87 : vector<1x1xf32> to vector<1x40xf32>
      %sub3A_89 = arith.subf %add3A_85, %sub3A_88 : vector<1x40xf32>
      %exp3A = math.exp %sub3A_89 : vector<1x40xf32>
      %reduce_sum3A = arith.constant dense<0.000000e+00> : vector<1xf32>
      %reduce_sum3A_90 = vector.multi_reduction <add>, %exp3A, %reduce_sum3A [1] : vector<1x40xf32> to vector<1xf32>
      %broadcast_in_dim3A_91 = vector.shape_cast %reduce_sum3A_90 : vector<1xf32> to vector<1x1xf32>
      %div3A_92 = vector.broadcast %broadcast_in_dim3A_91 : vector<1x1xf32> to vector<1x40xf32>
      %div3A_93 = arith.divf %exp3A, %div3A_92 : vector<1x40xf32>
      %mul3A_94 = arith.constant 0.699999988 : f32
      %mul3A_95 = vector.broadcast %mul3A_94 : f32 to vector<1x40xf32>
      %mul3A_96 = arith.mulf %div3A_93, %mul3A_95 : vector<1x40xf32>
      %mul3A_97 = arith.constant 3.000000e-01 : f32
      %mul3A_98 = vector.broadcast %mul3A_97 : f32 to vector<1x40xf32>
      %mul3A_99 = arith.mulf %mul3A_52, %mul3A_98 : vector<1x40xf32>
      %add3A_100 = arith.addf %mul3A_96, %mul3A_99 : vector<1x40xf32>
      %swap3A_101 = arith.constant 0 : index
      %swap3A_102 = arith.constant 0 : index
      %swap3A_103 = vector.load %arg9[%swap3A_101, %swap3A_102] : memref<1x40xf32, #tpu.memory_space<vmem>>, vector<1x40xf32>
      tpu.vector_store %arg9[%swap3A_101, %swap3A_102], %add3A_100 {strides = array<i32>} : memref<1x40xf32, #tpu.memory_space<vmem>>, vector<1x40xf32>,
    } else {
    }
    return
  }
  func.func @transform_0(%arg0: i32, %arg1: memref<16xi32, #tpu.memory_space<smem>>) -> (i32, i32) {
    %get3A = arith.index_cast %arg0 : i32 to index
    %get3A_0 = memref.load %arg1[%get3A] : memref<16xi32, #tpu.memory_space<smem>>
    %jit3A = arith.constant 128 : i32
    %div3A = arith.divsi %get3A_0, %jit3A : i32
    %sign3A = arith.constant 0 : i32
    %sign3A_1 = arith.cmpi sgt, %get3A_0, %sign3A : i32
    %sign3A_2 = arith.extui %sign3A_1 : i1 to i32
    %sign3A_3 = arith.constant 0 : i32
    %sign3A_4 = arith.cmpi slt, %get3A_0, %sign3A_3 : i32
    %sign3A_5 = arith.extui %sign3A_4 : i1 to i32
    %sign3A_6 = arith.subi %sign3A_2, %sign3A_5 : i32
    %sign3A_7 = arith.constant 0 : i32
    %sign3A_8 = arith.cmpi sgt, %jit3A, %sign3A_7 : i32
    %sign3A_9 = arith.extui %sign3A_8 : i1 to i32
    %sign3A_10 = arith.constant 0 : i32
    %sign3A_11 = arith.cmpi slt, %jit3A, %sign3A_10 : i32
    %sign3A_12 = arith.extui %sign3A_11 : i1 to i32
    %sign3A_13 = arith.subi %sign3A_9, %sign3A_12 : i32
    %ne3A = arith.cmpi ne, %sign3A_6, %sign3A_13 : i32
    %rem3A = arith.remsi %get3A_0, %jit3A : i32
    %ne3A_14 = arith.constant 0 : i32
    %ne3A_15 = arith.cmpi ne, %rem3A, %ne3A_14 : i32
    %and3A = arith.andi %ne3A, %ne3A_15 : i1
    %sub3A = arith.constant 1 : i32
    %sub3A_16 = arith.subi %div3A, %sub3A : i32
    %select_n3A = arith.select %and3A, %sub3A_16, %div3A : i32
    %c0_i32 = arith.constant 0 : i32
    %c0_i32_17 = arith.constant 0 : i32
    return %c0_i32, %select_n3A : i32, i32
  }
  func.func @transform_1(%arg0: i32, %arg1: memref<16xi32, #tpu.memory_space<smem>>) -> (i32, i32) {
    %c0_i32 = arith.constant 0 : i32
    %c0_i32_0 = arith.constant 0 : i32
    %c0_i32_1 = arith.constant 0 : i32
    return %c0_i32, %c0_i32_0 : i32, i32
  }
  func.func @transform_2(%arg0: i32, %arg1: memref<16xi32, #tpu.memory_space<smem>>) -> (i32, i32) {
    %c0_i32 = arith.constant 0 : i32
    %c0_i32_0 = arith.constant 0 : i32
    %c0_i32_1 = arith.constant 0 : i32
    return %c0_i32, %c0_i32_0 : i32, i32
  }
  func.func @transform_3(%arg0: i32, %arg1: memref<16xi32, #tpu.memory_space<smem>>) -> (i32, i32) {
    %c0_i32 = arith.constant 0 : i32
    %c0_i32_0 = arith.constant 0 : i32
    %c0_i32_1 = arith.constant 0 : i32
    return %c0_i32, %c0_i32_0 : i32, i32
  }
  func.func @transform_4(%arg0: i32, %arg1: memref<16xi32, #tpu.memory_space<smem>>) -> (i32, i32) {
    %c0_i32 = arith.constant 0 : i32
    %c0_i32_0 = arith.constant 0 : i32
    %c0_i32_1 = arith.constant 0 : i32
    return %c0_i32, %c0_i32_0 : i32, i32
  }
  func.func @transform_5(%arg0: i32, %arg1: memref<16xi32, #tpu.memory_space<smem>>) -> (i32, i32) {
    %c0_i32 = arith.constant 0 : i32
    %c0_i32_0 = arith.constant 0 : i32
    %c0_i32_1 = arith.constant 0 : i32
    return %c0_i32, %c0_i32_0 : i32, i32
  }
  func.func @transform_6(%arg0: i32, %arg1: memref<16xi32, #tpu.memory_space<smem>>) -> (i32, i32) {
    %c0_i32 = arith.constant 0 : i32
    %c0_i32_0 = arith.constant 0 : i32
    %c0_i32_1 = arith.constant 0 : i32
    return %c0_i32, %c0_i32_0 : i32, i32
  }
  func.func @transform_7(%arg0: i32, %arg1: memref<16xi32, #tpu.memory_space<smem>>) -> (i32, i32) {
    %c0_i32 = arith.constant 0 : i32
    %c0_i32_0 = arith.constant 0 : i32
    %c0_i32_1 = arith.constant 0 : i32
    return %c0_i32, %c0_i32_0 : i32, i32
  }
}

</mosaic_0001>

<sc_bundles>
// kernel: kernel.6.cloned.1.call-start
scs
__scs_entry_jumppad:
0x0: {  	(pc) =	sbr.rel $0x88, $3  }
0x1: {  	(tag) =	ssettag $0x0;
	lr =	simm.s32 $0x1  }
0x2: {  	[smem:$0x3F98] =	sst lr;
	_ =	strace $0xD0000000  }
0x3: {  	_ = 	snop  }
0x4: {  	_ = 	snop  }
0x5: {  	_ = 	snop  }
0x6: {  	_ = 	snop  }
0x7: {  	_ = 	snop  }
__scs_overlays_trampoline_lowered:
0x8: {  	[smem:$0x3FA7] =	sst s0  }
0x9: {  	[smem:$0x3FA8] =	sst s1  }
0xa: {  	[smem:$0x3FA9] =	sst s2  }
0xb: {  	[smem:$0x3FAA] =	sst s3  }
0xc: {  	[smem:$0x3FAB] =	sst s4  }
0xd: {  	[smem:$0x3FAC] =	sst s5  }
0xe: {  	[smem:$0x3FAD] =	sst s6  }
0xf: {  	[smem:$0x3FAE] =	sst s7  }
0x10: {  	[smem:$0x3FAF] =	sst s8  }
0x11: {  	[smem:$0x3FB0] =	sst s9;
	s0 =	simm.s32 @!p0 $0x0  }
0x12: {  	s1 =	sld [smem:$0x3F96];
	s0 =	simm.s32 @p0 $0x1  }
0x13: {  	[smem:$0x3FB1] =	sst s0;
	s0 =	simm.s32 @!p1 $0x0  }
0x14: {  	s2 =	sld [smem:$0x3F95];
	s0 =	simm.s32 @p1 $0x1  }
0x15: {  	[smem:$0x3FB2] =	sst s0;
	s0 =	simm.s32 @!p2 $0x0  }
0x16: {  	s3 =	sld [smem:$0x3FDB];
	s0 =	simm.s32 @p2 $0x1  }
0x17: {  	s4 =	simm.s32 $0x1BF5;
	[smem:$0x3FB4] =	sst s0  }
0x18: {  	s0 =	sld [smem:$0x3F97];
	_ =	swait.ge [sflag:s4], $0x0  }
0x19: {  	s7 =	sld [smem:$0x3F98]  }
0x1a: {  	s8 =	sadd.s32 $0xFFFFE003, lr  }
0x1b: {  	s9 =	sadd.s32 $0xFFFFFEF7, lr;
	s5 =	simm.s32 $0xFFFFFFFF;
	p2 =	slt.u32 s8, $0xFFFFF086  }
0x1c: {  	p1 =	slt.u32 s9, $0xF7A;
	s5 =	simm.s32 @!p2 $0x0  }
0x1d: {  	s5 =	simm.s32 @p1 $0x1;
	p0 =	seq.s32 s7, s2  }
0x1e: {  	s7 =	smul.u32 @!p0 $0xF7A, s2;
	p2 =	seq.s32 @!p0 s5, $0x0  }
0x1f: {  	s9 =	smul.u32 $0xF7A, s1;
	s8 =	simm.s32 @!p0 $0x1BF5;
	p2 =	por !p2, p0  }
0x20: {  	[sflag:s8] =	ssyncset.s32 @!p0 $0xFFFFF086;
	s6 =	sadd.s32 @!p0 s3, s7;
	s7 =	simm.s32 @!p0 $0x108  }
0x21: {  	s3 =	sadd.s32 s3, s9;
	s6 =	sadd.s32 @!p0 $0x88, s6;
	s7 =	simm.s32 @p2 $0x1082  }
0x22: {  	[simem:s7], [sflag:s8] =	dma.local @!p0 [hbm:s6], $0xF7A  }
0x23: {  	s9 =	sor.u32 $0xD0000000, s2;
	s6 =	simm.s32 $0x108;
	_ =	swait.ge @!p0 [sflag:s8], $0x0  }
0x24: {  	s3 =	sadd.s32 $0x88, s3;
	s6 =	simm.s32 @!p1 $0x1082;
	[sflag:s4] =	ssyncset.s32 $0xFFFFF086  }
0x25: {  	[simem:s6], [sflag:s4] =	dma.local [hbm:s3], $0xF7A  }
0x26: {  	[smem:$0x3F98] =	sst s1;
	(tag) =	ssettag s2;
	_ =	strace s9  }
0x27: {  	s1 =	sld [smem:$0x3FA8]  }
0x28: {  	s2 =	sld [smem:$0x3FA9]  }
0x29: {  	s4 =	sld [smem:$0x3FAB]  }
0x2a: {  	p0 =	seq.s32 s5, $0x0;
	s5 =	sld [smem:$0x3FAC]  }
0x2b: {  	s6 =	sld [smem:$0x3FAD]  }
0x2c: {  	s7 =	sld [smem:$0x3FAE]  }
0x2d: {  	s3 =	simm.s32 $0x108;
	s8 =	sld [smem:$0x3FAF]  }
0x2e: {  	s3 =	simm.s32 @!p0 $0x1082;
	s9 =	sld [smem:$0x3FB0]  }
0x2f: {  	lr =	sadd.s32 s0, s3;
	s0 =	sld [smem:$0x3FA7]  }
0x30: {  	s3 =	sld [smem:$0x3FAA]  }
0x31: {  	[smem:$0x3FB3] =	sst s10  }
0x32: {  	s10 =	sld [smem:$0x3FB1];
	_ =	sdelay $0x3  }
0x33: {  	p0 =	seq.s32 s10, $0x1;
	s10 =	sld [smem:$0x3FB3];
	_ =	sdelay $0x3  }
0x34: {  	[smem:$0x3FB3] =	sst s10  }
0x35: {  	s10 =	sld [smem:$0x3FB2];
	_ =	sdelay $0x3  }
0x36: {  	p1 =	seq.s32 s10, $0x1;
	s10 =	sld [smem:$0x3FB3];
	_ =	sdelay $0x3  }
0x37: {  	[smem:$0x3FB3] =	sst s10  }
0x38: {  	s10 =	sld [smem:$0x3FB4]  }
0x39: {  	_ = 	snop;
	(pc) =	sbr.ind lr, $3  }
0x3a: {  	_ = 	snop  }
0x3b: {  	_ = 	snop  }
0x3c: {  	p2 =	seq.s32 s10, $0x1;
	s10 =	sld [smem:$0x3FB3]  }
0x3d: {  	_ =	shalt  }
0x3e: {  	_ =	shalt  }
0x3f: {  	_ =	shalt  }
0x40: {  	_ =	shalt  }
0x41: {  	_ =	shalt  }
0x42: {  	_ =	shalt  }
0x43: {  	_ =	shalt  }
0x44: {  	_ =	shalt  }
0x45: {  	_ =	shalt  }
0x46: {  	_ =	shalt  }
0x47: {  	_ =	shalt  }
0x48: {  	_ =	shalt  }
0x49: {  	_ =	shalt  }
0x4a: {  	_ =	shalt  }
0x4b: {  	_ =	shalt  }
0x4c: {  	_ =	shalt  }
0x4d: {  	_ =	shalt  }
0x4e: {  	_ =	shalt  }
0x4f: {  	_ =	shalt  }
0x50: {  	_ =	shalt  }
0x51: {  	_ =	shalt  }
0x52: {  	_ =	shalt  }
0x53: {  	_ =	shalt  }
0x54: {  	_ =	shalt  }
0x55: {  	_ =	shalt  }
0x56: {  	_ =	shalt  }
0x57: {  	_ =	shalt  }
0x58: {  	_ =	shalt  }
0x59: {  	_ =	shalt  }
0x5a: {  	_ =	shalt  }
0x5b: {  	_ =	shalt  }
0x5c: {  	_ =	shalt  }
0x5d: {  	_ =	shalt  }
0x5e: {  	_ =	shalt  }
0x5f: {  	_ =	shalt  }
0x60: {  	_ =	shalt  }
0x61: {  	_ =	shalt  }
0x62: {  	_ =	shalt  }
0x63: {  	_ =	shalt  }
0x64: {  	_ =	shalt  }
0x65: {  	_ =	shalt  }
0x66: {  	_ =	shalt  }
0x67: {  	_ =	shalt  }
0x68: {  	_ =	shalt  }
0x69: {  	_ =	shalt  }
0x6a: {  	_ =	shalt  }
0x6b: {  	_ =	shalt  }
0x6c: {  	_ =	shalt  }
0x6d: {  	_ =	shalt  }
0x6e: {  	_ =	shalt  }
0x6f: {  	_ =	shalt  }
0x70: {  	_ =	shalt  }
0x71: {  	_ =	shalt  }
0x72: {  	_ =	shalt  }
0x73: {  	_ =	shalt  }
0x74: {  	_ =	shalt  }
0x75: {  	_ =	shalt  }
0x76: {  	_ =	shalt  }
0x77: {  	_ =	shalt  }
0x78: {  	_ =	shalt  }
0x79: {  	_ =	shalt  }
0x7a: {  	_ =	shalt  }
0x7b: {  	_ =	shalt  }
0x7c: {  	_ =	shalt  }
0x7d: {  	_ =	shalt  }
0x7e: {  	_ =	shalt  }
0x7f: {  	_ =	shalt  }
0x80: {  	_ =	shalt  }
0x81: {  	_ =	shalt  }
0x82: {  	_ =	shalt  }
0x83: {  	_ =	shalt  }
0x84: {  	_ =	shalt  }
0x85: {  	_ =	shalt  }
0x86: {  	_ =	shalt  }
0x87: {  	_ =	shalt  }
.Lfunc_end0:
.L_simem_size_0:
called_computation_lowered:
.L_overlay_start_0:
0x88: {  	s2 =	sld [smem:$0x3FD9]  }
0x89: {  	s3 =	sld [smem:$0x3FFE];
	_ =	sdelay $0x1  }
0x8a: {  	s1 =	srdreg.scid  }
0x8b: {  	s0 =	sand.u32 $0x1, s1  }
0x8c: {  	s17 =	sshll.u32 s0, $0xA;
	s2 =	sadd.s32 s3, s2  }
0x8d: {  	s2 =	sadd.s32 s2, s17  }
0x8e: {  	[smem:$0x3FBF] =	sst s2  }
0x8f: {  	_ = 	snop  }
0x90: {  	s2 =	sld [smem:$0x3FC6]  }
0x91: {  	s18 =	sld [smem:$0x3FD0];
	(tm) =	ssettm $0x1  }
0x92: {  	s4 =	sld [smem:$0x3FFB];
	_ =	sdelay $0x3  }
0x93: {  	_ =	strace s4  }
0x94: {  	s4 =	sld [smem:$0x3FFC];
	_ =	sdelay $0x3  }
0x95: {  	_ =	strace s4  }
0x96: {  	s4 =	sld [smem:$0x3FFD];
	_ =	sdelay $0x3  }
0x97: {  	_ =	strace s4  }
0x98: {  	_ =	strace $0x8FFFFFFF  }
0x99: {  	s19 =	sld [smem:$0x3FDB];
	_ =	sdelay $0x1  }
0x9a: {  	s5 =	simm.s32 $_scs_section_size  }
0x9b: {  	s6 =	simm.s32 $_size__tile_overlayer_lowered;
	s7 =	simm.s32 $_tile_overlayer_lowered  }
0x9c: {  	s22 =	simm.s32 $0x1BFF;
	s21 =	sshll.u32 s7, $0x1;
	s4 =	sadd.s32 s5, s19  }
0x9d: {  	s8 =	simm.s32 $0x0;
	s20 =	sshll.u32 s6, $0x1;
	s6 =	sadd.s32 s21, s4  }
0x9e: {  	[timem:s8], [sflag:s22] =	dma.local [hbm:s6], s20  }
0x9f: {  	_ =	swait.ge [sflag:s22], s20  }
0xa0: {  	s5 =	ssub.s32 $0x0, s20;
	[sflag:s22] =	ssyncset.done $0x0  }
0xa1: {  	[sflag:s22] =	ssyncadd.s32 s5;
	_ =	sdelay $0x1  }
0xa2: {  	s23 =	simm.s32 $0x1B8B  }
0xa3: {  	_ =	swait.ge [sflag:s23], $0x1  }
0xa4: {  	[sflag:s23] =	ssyncset.done $0x0  }
0xa5: {  	s25 =	simm.s32 $0x1B8E;
	s24 =	sld [smem:$0x3FFE];
	[sflag:s23] =	ssyncadd.s32 $0xFFFFFFFF  }
0xa6: {  	s26 =	simm.s32 $execute0_lowered;
	[smem:$0x3FD2] =	sst s25  }
0xa7: {  	s6 =	sshll.u32 s26, $0x1;
	_ =	strace $0x80000046;
	[dreg:$0x1] =	wrdreg $0xFFFFFFFF  }
0xa8: {  	s28 =	simm.s32 $_size_execute0_lowered;
	s4 =	sadd.s32 s4, s6;
	[dreg:$0x0] =	wrdreg $0x0  }
0xa9: {  	s6 =	sshll.u32 s28, $0x1;
	[dreg:$0x2] =	wrdreg s4  }
0xaa: {  	[dreg:$0x3] =	wrdreg s6  }
0xab: {  	[dreg:$0x4] =	wrdreg $0xC0  }
0xac: {  	_ =	task [dreg:s8], $0x5FFFF  }
0xad: {  	[dreg:$0x1] =	wrdreg $0xFFFFFFFF  }
0xae: {  	[dreg:$0x0] =	wrdreg $0x60  }
0xaf: {  	[dreg:$0x2] =	wrdreg s2  }
0xb0: {  	[dreg:$0x3] =	wrdreg s18  }
0xb1: {  	[dreg:$0x4] =	wrdreg s24  }
0xb2: {  	[dreg:$0x5] =	wrdreg $0x9  }
0xb3: {  	_ =	task.clear_ibuf [dreg:s8], $0x6FFFF;
	_ =	strace $0x90000046  }
0xb4: {  	s29 =	simm.s32 $0x9;
	_ =	strace $0x80000048  }
0xb5: {  	_ =	swait.ge [sflag:s29], $0x1  }
0xb6: {  	[sflag:s29] =	ssyncadd.s32 $0xFFFFFFFF  }
0xb7: {  	_ =	strace $0x90000048  }
0xb8: {  	_ =	sfence  }
0xb9: {  	s30 =	sld [smem:$0x0];
	_ =	sdelay $0x2  }
0xba: {  	s31 =	sshll.u32 s1, $0xD;
	s1 =	sshrl.u32 s1, $0x2  }
0xbb: {  	s3 =	sand.u32 $0x4000, s31;
	s1 =	sadd.s32 s1, s30  }
0xbc: {  	s0 =	sor.u32 s3, s0;
	s1 =	sshll.u32 s1, $0x11  }
0xbd: {  	s0 =	sor.u32 s1, s0  }
0xbe: {  	s0 =	sadd.s32 $0x8F2B, s0  }
0xbf: {  	[sflag:s0] =	ssyncadd.remote.s32 $0x1  }
0xc0: {  	_ =	sfence.sel $0xFFFF  }
0xc1: {  	[dreg:$0x0] =	wrdreg $0xFFFFFFFF;
	(pc) =	sbr.abs _section_cstart, $3  }
0xc2: {  	[dreg:$0x1] =	wrdreg $0xFFFFFFFF  }
0xc3: {  	_ =	task.clear_ibuf [dreg:s8], $0x2FFFF;
	_ =	strace $0x9FFFFFFF  }
0xc4: {  	(tm) =	ssettm $0x7FFFFFFF  }
0xc5: {  	_ =	shalt  }
tec
execute0_lowered:
.L_overlay_start_1:
0x0: {  	(tag) =	ssettag $0x1  }
0x1: {  	s1 =	srdreg.scid;
	s0 =	stileid.u32  }
0x2: {  	s6 =	sand.u32 $0x1, s1;
	s29 =	sshll.u32 s0, $0x1  }
0x3: {  	s1 =	sor.u32 s6, s29  }
0x4: {  	s2 =	smin.u32 s1, $0xD  }
0x5: {  	s2 =	sshll.u32 s2, $0x7  }
0x6: {  	s7 =	sor.u32 $0x18000, s2  }
0x7: {  	v60 =	vlaneseq.u32;
	s8 =	smin.u32 s7, $0x18620  }
0x8: {  	v61 =	vor.u32 $0x10, v60;
	v0 =	vor.u32 s8, v60  }
0x9: {  	v1 =	vmov s8;
	[tilespmem:$0x1FED0] =	vst v0;
	vm0 =	vge.u32 v0, s7;
	v0 =	vor.u32 s8, v61  }
0xa: {  	v62 =	vor.u32 $0x20, v60;
	vm1 =	vlt.u32 v1, $0x186A0;
	vm2 =	vge.u32 v0, s7  }
0xb: {  	vm0 =	vmand vm1, vm0;
	[tilespmem:$0x1FEE0] =	vst v0;
	v0 =	vadd.s32 s8, v62;
	vm1 =	vmand vm1, vm2  }
0xc: {  	vm2 =	vge.u32 v0, s7;
	[tilespmem:$0x1FEF0] =	vst v0;
	vm3 =	vlt.u32 v0, $0x186A0;
	v0 =	vor.u32 $0x30, v60  }
0xd: {  	v63 =	vor.u32 $0x40, v60;
	[tilespmem:$0x1FF00] =	vst v0;
	v0 =	vadd.s32 s8, v0  }
0xe: {  	vm2 =	vmand vm2, vm3;
	vm3 =	vge.u32 v0, s7;
	vm4 =	vlt.u32 v0, $0x186A0  }
0xf: {  	s3 =	rddreg [dreg:$0x1];
	[tilespmem:$0x1FF10] =	vst v0;
	v0 =	vor.u32 s8, v63;
	vm3 =	vmand vm3, vm4  }
0x10: {  	s9 =	rddreg [dreg:$0x2];
	vm4 =	vge.u32 v0, s7;
	[tilespmem:$0x1FF20] =	vst v0;
	vm5 =	vlt.u32 v0, $0x186A0;
	v0 =	vor.u32 $0x50, v60  }
0x11: {  	s4 =	rddreg [dreg:$0x3];
	s5 =	simm.s32 $0x0;
	vm4 =	vmand vm4, vm5;
	[tilespmem:$0x1FF30] =	vst v0;
	v0 =	vor.u32 s8, v0  }
0x12: {  	[smem:$0x7FF] =	sst s5;
	vm5 =	vge.u32 v0, s7;
	[tilespmem:$0x1FF40] =	vst v0;
	vm6 =	vlt.u32 v0, $0x186A0;
	v0 =	vor.u32 $0x60, v60  }
0x13: {  	v18 =	vmul.u32 $0x80, v60;
	s2 =	rddreg [dreg:$0x0];
	v1 =	vor.u32 $0x70, v60;
	_ =	strace $0x80000047;
	[tilespmem:$0x1FF50] =	vst v0  }
0x14: {  	vm7 =	vmxor vm7, vm7;
	p0 =	slt.u32 s0, $0x7;
	[tilespmem:$0x1FF70] =	vst v1  }
0x15: {  	vm7 =	vmneg @p0 vm7;
	v16 =	vor.u32 $0x1000, v18;
	v19 =	vor.u32 $0x1800, v18;
	[tilespmem:$0x1FFA0] =	vst v61  }
0x16: {  	v20 =	vor.u32 $0x2000, v18;
	v21 =	vor.u32 $0x2800, v18;
	v22 =	vor.u32 $0x3000, v18;
	[tilespmem:$0x1FFB0] =	vst v62  }
0x17: {  	s14 =	simm.s32 $0x3;
	s15 =	simm.s32 $0x4000;
	s16 =	simm.s32 $0x1;
	v23 =	vor.u32 $0x3800, v18;
	vm0 =	vmand vm7, vm0;
	vm1 =	vmand vm7, vm1;
	[tilespmem:$0x1FFC0] =	vst v63  }
0x18: {  	s17 =	simm.s32 $0x2;
	s18 =	simm.s32 $0x8880;
	s19 =	simm.s32 $0x8900;
	vm2 =	vmand vm7, vm2;
	vm3 =	vmand vm7, vm3;
	v0 =	vadd.s32 s8, v0;
	[tilespmem:$0x1FFD0] =	vst v18  }
0x19: {  	s20 =	simm.s32 $0x0;
	s11 =	ssub.s32 $0x2, s6;
	s10 =	sshll.u32 s1, $0x1;
	vm5 =	vmand vm5, vm6;
	[tilespmem:$0x1FFF0] =	vst v16;
	vm6 =	vge.u32 v0, s7;
	vm8 =	vlt.u32 v0, $0x186A0  }
0x1a: {  	s30 =	sshll.u32 s1, $0xB;
	s31 =	sshrl.u32 s11, $0x1;
	s12 =	sadd.s32 s10, s9;
	[tilespmem:$0x1FF60] =	vst v0;
	v0 =	vadd.s32 s8, v1;
	v1 =	vmul.u32 $0xFFFFFFFF, v60;
	vm6 =	vmand vm6, vm8  }
0x1b: {  	s13 =	ssub.s32 s11, s31;
	s9 =	sor.u32 $0x60, s1;
	s10 =	sadd.s32 $0x3400, s12;
	vm8 =	vge.u32 v0, s7;
	[tilespmem:$0x1FF80] =	vst v0;
	vm9 =	vlt.u32 v0, $0x186A0;
	v0 =	vor.u32 $0x800, v18  }
0x1c: {  	s11 =	sadd.s32 $0x3600, s12;
	s12 =	smax.u32 s13, $0x1;
	s6 =	sadd.s32 s2, s30;
	vm4 =	vmand vm7, vm4;
	vm8 =	vmand vm8, vm9;
	v1 =	vadd.s32 $0xF, v1;
	[tilespmem:$0x1FFE0] =	vst v0  }
0x1d: {  	s13 =	simm.s32 $0x8000;
	s8 =	sor.u32 $0x40, s1;
	vm5 =	vmand vm7, vm5;
	s7 =	sadd.s32 $0x10000, s6;
	vm6 =	vmand vm7, vm6;
	vm7 =	vmand vm7, vm8;
	[tilespmem:$0x1FF90] =	vst v1  }
.LBB2_1:
0x1e: {  	v1 =	vadd.s32 s5, v60  }
0x1f: {  	v1 =	vand.u32 $0x7F, v1  }
0x20: {  	[tilespmem:s13], [sflag:$0x3] =	stream.linear.gather [hbm4b:s3+s5], $0x80, $0x38;
	[tilespmem:$0x8980] =	vst v63  }
0x21: {  	_ =	swait.ge [sflag:s14], $0x80  }
0x22: {  	[sflag:s14] =	ssyncset.done $0x0  }
0x23: {  	s21 =	simm.s32 $0x1;
	[sflag:s14] =	ssyncadd.s32 $0xFFFFFF80  }
0x24: {  	v2 =	vadd.s32 s21, v60;
	v1 =	vld.idx.msk [tilespmem:v1+s13+$0x0], $0xffff  }
0x25: {  	v2 =	vand.u32 $0x7F, v2;
	_ =	sdelay $0x2  }
0x26: {  	s21 =	simm.s32 $0x8080  }
0x27: {  	s22 =	simm.s32 $0x2;
	[tilespmem:s21+$0x0] =	vst v1  }
0x28: {  	v1 =	vld.idx.msk [tilespmem:v2+s13+$0x0], $0xffff;
	v2 =	vadd.s32 s22, v60;
	s22 =	simm.s32 $0x3  }
.LBB2_2:
0x29: {  	p0 =	sne.s32 s22, $0x7F;
	v2 =	vand.u32 $0x7F, v2;
	_ =	sdelay $0x1  }
.Ltmp0:
0x2a: {  	(pc) =	sbr.rel @p0 .LBB2_2-.Ltmp0, $4  }
0x2b: {  	s21 =	sadd.s32 $0x10, s21  }
0x2c: {  	[tilespmem:s21+$0x0] =	vst v1  }
0x2d: {  	v1 =	vld.idx.msk [tilespmem:v2+s13+$0x0], $0xffff  }
0x2e: {  	v2 =	vadd.s32 s22, v60;
	s22 =	sadd.s32 $0x1, s22  }
0x2f: {  	v2 =	vand.u32 $0x7F, v2;
	_ =	sdelay $0x2  }
0x30: {  	s21 =	sadd.s32 $0x10, s21  }
0x31: {  	[tilespmem:s21+$0x0] =	vst v1  }
0x32: {  	v1 =	vld.idx.msk [tilespmem:v2+s13+$0x0], $0xffff;
	_ =	sdelay $0x3  }
0x33: {  	s21 =	sadd.s32 $0x10, s21  }
0x34: {  	[tilespmem:s21+$0x0] =	vst v1;
	s21 =	simm.s32 $0x0  }
0x35: {  	v1 =	vimm.f32 $-3.000000010e+38;
	[tilespmem:s21], [sflag:$0x1] =	stream.linear.gather [hbm4b:s6+s21], $0x4000, $0x38;
	[tilespmem:$0x8980] =	vst v63  }
0x36: {  	[tilespmem:$0x1FEB0] =	vst v1;
	v1 =	vimm.s32 $0x0  }
0x37: {  	s22 =	simm.s32 $0x0;
	[tilespmem:$0x1FEC0] =	vst v1  }
0x38: {  	[tilespmem:s15], [sflag:$0x2] =	stream.linear.gather [hbm4b:s7+s21], $0x4000, $0x38;
	[tilespmem:$0x8980] =	vst v63  }
.LBB2_4:
0x39: {  	v3 =	vadd.s32 s21, v60  }
0x3a: {  	v5 =	vand.u32 $0x7F, v3  }
0x3b: {  	s23 =	simm.s32 $0x1;
	_ =	swait.ge [sflag:s16], $0x4000;
	v7 =	vor.u32 v18, v5  }
0x3c: {  	v1 =	vadd.s32 s23, v60;
	[sflag:s16] =	ssyncset.done $0x0;
	v8 =	vor.u32 v16, v5  }
0x3d: {  	s23 =	simm.s32 $0x8090;
	v2 =	vand.u32 $0x7F, v1;
	[sflag:s16] =	ssyncadd.s32 $0xFFFFC000;
	v13 =	vor.u32 v23, v5  }
0x3e: {  	v4 =	vor.u32 v16, v2;
	v6 =	vld [tilespmem:s23+$0xFFFFFFF0]  }
0x3f: {  	v1 =	vor.u32 v20, v2;
	v3 =	vld [tilespmem:s23+$0x0]  }
0x40: {  	v12 =	vor.u32 v21, v2;
	v7 =	vld.idx.msk [tilespmem:v7+s5+$0x0], $0xffff  }
0x41: {  	v8 =	vld.idx.msk [tilespmem:v8+s5+$0x0], $0xffff  }
0x42: {  	v10 =	vimm.f32 $0.0e+00;
	v14 =	vor.u32 v19, v5;
	v40 =	vld.idx.msk [tilespmem:v13+s5+$0x0], $0xffff  }
0x43: {  	v34 =	vimm.f32 $0.0e+00;
	v29 =	vimm.f32 $0.0e+00;
	v15 =	vor.u32 v18, v2;
	v4 =	vld.idx.msk [tilespmem:v4+s5+$0x0], $0xffff  }
0x44: {  	v27 =	vimm.f32 $0.0e+00;
	v11 =	vor.u32 v0, v5;
	v13 =	vor.u32 v23, v2;
	v28 =	vld.idx.msk [tilespmem:v1+s5+$0x0], $0xffff  }
0x45: {  	v32 =	vor.u32 v21, v5;
	v33 =	vor.u32 v22, v5;
	v30 =	vld.idx.msk [tilespmem:v12+s5+$0x0], $0xffff;
	v12 =	vor.u32 v20, v5  }
0x46: {  	v9 =	vor.u32 v0, v2;
	v25 =	vor.u32 v19, v2;
	v26 =	vmul.f32 v8, v6  }
0x47: {  	v38 =	vld.idx.msk [tilespmem:v14+s5+$0x0], $0xffff;
	v5 =	vor.u32 v22, v2;
	v8 =	vmul.f32 v8, v8;
	v45 =	vmul.f32 v7, v7  }
0x48: {  	v14 =	vimm.f32 $0.0e+00;
	v37 =	vld.idx.msk [tilespmem:v15+s5+$0x0], $0xffff;
	v43 =	vmul.f32 v40, v6;
	v41 =	vmul.f32 v4, v3  }
0x49: {  	v15 =	vimm.f32 $0.0e+00;
	v39 =	vld.idx.msk [tilespmem:v13+s5+$0x0], $0xffff;
	v35 =	vmul.f32 v4, v4;
	v4 =	vmul.f32 v7, v6  }
0x4a: {  	v13 =	vimm.f32 $0.0e+00;
	v1 =	vmul.f32 v28, v3;
	v2 =	vmul.f32 v30, v3;
	v42 =	vld.idx.msk [tilespmem:v12+s5+$0x0], $0xffff  }
0x4b: {  	v7 =	vimm.f32 $0.0e+00;
	v12 =	vimm.f32 $0.0e+00;
	v36 =	vadd.f32 v4, v10;
	v4 =	vld.idx.msk [tilespmem:v25+s5+$0x0], $0xffff  }
0x4c: {  	v31 =	vld.idx.msk [tilespmem:v5+s5+$0x0], $0xffff;
	v5 =	vimm.f32 $0.0e+00;
	v46 =	vadd.f32 v26, v10;
	v44 =	vadd.f32 v8, v10  }
0x4d: {  	s24 =	simm.s32 $0x2;
	v26 =	vimm.f32 $0.0e+00;
	v8 =	vimm.f32 $0.0e+00;
	v25 =	vimm.f32 $0.0e+00  }
.LBB2_5:
0x4e: {  	p0 =	sne.s32 s24, $0x7E;
	v10 =	vadd.f32 v45, v10  }
0x4f: {  	v32 =	vld.idx.msk [tilespmem:v32+s5+$0x0], $0xffff;
	v40 =	vmul.f32 v40, v40;
	v45 =	vmul.f32 v37, v37;
	s23 =	sadd.s32 $0x20, s23;
	v47 =	vmov v6;
	s25 =	smov.u32 s24;
	s24 =	sadd.s32 $0x2, s24  }
0x50: {  	v48 =	vmul.f32 v28, v28;
	v6 =	vld.idx.msk [tilespmem:v9+s5+$0x0], $0xffff;
	v46 =	vadd.f32 v41, v46;
	v41 =	vmul.f32 v4, v3  }
0x51: {  	v28 =	vld.idx.msk [tilespmem:v33+s5+$0x0], $0xffff;
	v9 =	vadd.f32 v40, v25;
	v25 =	vmul.f32 v37, v3;
	v37 =	vmul.f32 v39, v3  }
0x52: {  	v30 =	vmul.f32 v30, v30;
	v44 =	vadd.f32 v35, v44;
	v10 =	vadd.f32 v45, v10  }
0x53: {  	v34 =	vadd.f32 v43, v34;
	v33 =	vmul.f32 v39, v39;
	v43 =	vmul.f32 v31, v3  }
0x54: {  	v35 =	vmul.f32 v38, v38;
	v39 =	vmul.f32 v42, v42;
	v36 =	vadd.f32 v25, v36;
	v11 =	vld.idx.msk [tilespmem:v11+s5+$0x0], $0xffff  }
0x55: {  	s26 =	sadd.s32 $0x1, s25;
	v38 =	vmul.f32 v38, v47;
	v40 =	vmul.f32 v42, v47;
	v25 =	vadd.f32 v33, v9  }
0x56: {  	v9 =	vadd.s32 s26, v60;
	v33 =	vmul.f32 v32, v32;
	v42 =	vmul.f32 v6, v3  }
0x57: {  	v45 =	vand.u32 $0x7F, v9;
	v49 =	vmul.f32 v6, v6;
	v3 =	vmul.f32 v28, v28  }
0x58: {  	v9 =	vor.u32 v0, v45;
	v50 =	vor.u32 v16, v45;
	v51 =	vor.u32 v20, v45  }
0x59: {  	v26 =	vadd.f32 v38, v26;
	v52 =	vor.u32 v21, v45;
	v29 =	vadd.f32 v39, v29  }
0x5a: {  	v6 =	vadd.s32 s25, v60;
	v15 =	vadd.f32 v3, v15;
	v38 =	vmul.f32 v11, v47  }
0x5b: {  	v31 =	vmul.f32 v31, v31;
	v39 =	vand.u32 $0x7F, v6;
	v53 =	vmul.f32 v11, v11  }
0x5c: {  	v55 =	vmul.f32 v32, v47;
	v54 =	vor.u32 v18, v39;
	v11 =	vor.u32 v0, v39  }
0x5d: {  	v13 =	vadd.f32 v40, v13;
	v56 =	vor.u32 v16, v39;
	v57 =	vor.u32 v19, v39;
	v6 =	vld [tilespmem:s23+$0xFFFFFFF0]  }
0x5e: {  	v40 =	vmul.f32 v28, v47;
	v58 =	vor.u32 v20, v39;
	v32 =	vor.u32 v21, v39;
	v3 =	vld [tilespmem:s23+$0x0]  }
0x5f: {  	v59 =	vor.u32 v18, v45;
	v14 =	vadd.f32 v55, v14;
	v47 =	vor.u32 v23, v39;
	v28 =	vld.idx.msk [tilespmem:v51+s5+$0x0], $0xffff  }
0x60: {  	v7 =	vadd.f32 v33, v7;
	v27 =	vadd.f32 v40, v27;
	v51 =	vor.u32 v23, v45;
	v50 =	vld.idx.msk [tilespmem:v50+s5+$0x0], $0xffff  }
0x61: {  	v26 =	vadd.f32 v41, v26;
	v55 =	vor.u32 v19, v45;
	v15 =	vadd.f32 v31, v15;
	v54 =	vld.idx.msk [tilespmem:v54+s5+$0x0], $0xffff  }
0x62: {  	v33 =	vor.u32 v22, v39;
	v13 =	vadd.f32 v1, v13;
	v7 =	vadd.f32 v30, v7;
	v31 =	vld.idx.msk [tilespmem:v56+s5+$0x0], $0xffff  }
0x63: {  	v34 =	vadd.f32 v37, v34;
	v12 =	vadd.f32 v53, v12;
	v30 =	vld.idx.msk [tilespmem:v52+s5+$0x0], $0xffff;
	v52 =	vmul.f32 v4, v4  }
0x64: {  	v8 =	vadd.f32 v35, v8;
	v5 =	vadd.f32 v38, v5;
	v40 =	vld.idx.msk [tilespmem:v47+s5+$0x0], $0xffff;
	v47 =	vor.u32 v22, v45  }
0x65: {  	v29 =	vadd.f32 v48, v29;
	v14 =	vadd.f32 v2, v14;
	v1 =	vmul.f32 v28, v3;
	v37 =	vld.idx.msk [tilespmem:v59+s5+$0x0], $0xffff  }
.Ltmp1:
0x66: {  	v5 =	vadd.f32 v42, v5;
	v41 =	vmul.f32 v50, v3;
	v35 =	vmul.f32 v50, v50;
	v4 =	vld.idx.msk [tilespmem:v55+s5+$0x0], $0xffff;
	(pc) =	sbr.rel @p0 .LBB2_5-.Ltmp1, $4  }
0x67: {  	v12 =	vadd.f32 v49, v12;
	v2 =	vmul.f32 v54, v6;
	v45 =	vmul.f32 v54, v54;
	v39 =	vld.idx.msk [tilespmem:v51+s5+$0x0], $0xffff  }
0x68: {  	v8 =	vadd.f32 v52, v8;
	v42 =	vmul.f32 v31, v6;
	v48 =	vmul.f32 v31, v31;
	v38 =	vld.idx.msk [tilespmem:v57+s5+$0x0], $0xffff  }
0x69: {  	v27 =	vadd.f32 v43, v27;
	v36 =	vadd.f32 v2, v36;
	v2 =	vmul.f32 v30, v3;
	v31 =	vld.idx.msk [tilespmem:v47+s5+$0x0], $0xffff  }
0x6a: {  	v46 =	vadd.f32 v42, v46;
	v44 =	vadd.f32 v48, v44;
	v43 =	vmul.f32 v40, v6;
	v42 =	vld.idx.msk [tilespmem:v58+s5+$0x0], $0xffff  }
0x6b: {  	_ =	sdelay $0x1  }
0x6c: {  	v40 =	vmul.f32 v40, v40  }
0x6d: {  	v59 =	vmul.f32 v37, v37;
	v48 =	vmul.f32 v4, v3  }
0x6e: {  	v10 =	vadd.f32 v45, v10;
	v28 =	vmul.f32 v28, v28;
	v33 =	vld.idx.msk [tilespmem:v33+s5+$0x0], $0xffff;
	v49 =	vmul.f32 v37, v3  }
0x6f: {  	v32 =	vld.idx.msk [tilespmem:v32+s5+$0x0], $0xffff;
	v30 =	vmul.f32 v30, v30;
	v4 =	vmul.f32 v4, v4;
	v41 =	vadd.f32 v41, v46  }
0x70: {  	v11 =	vld.idx.msk [tilespmem:v11+s5+$0x0], $0xffff;
	v50 =	vmul.f32 v39, v3;
	v35 =	vadd.f32 v35, v44;
	v52 =	vmul.f32 v39, v39  }
0x71: {  	v34 =	vadd.f32 v43, v34;
	v25 =	vadd.f32 v40, v25;
	v53 =	vmul.f32 v38, v38  }
0x72: {  	v9 =	vld.idx.msk [tilespmem:v9+s5+$0x0], $0xffff;
	v10 =	vadd.f32 v59, v10;
	v55 =	vmul.f32 v38, v6;
	v51 =	vmul.f32 v31, v3  }
0x73: {  	v36 =	vadd.f32 v49, v36;
	v54 =	vmul.f32 v42, v42;
	v56 =	vmul.f32 v42, v6  }
0x74: {  	v25 =	vadd.f32 v52, v25;
	v57 =	vmul.f32 v33, v33;
	v58 =	vmul.f32 v32, v32  }
0x75: {  	v26 =	vadd.f32 v55, v26;
	v32 =	vmul.f32 v32, v6;
	v59 =	vmul.f32 v11, v11  }
0x76: {  	v33 =	vmul.f32 v33, v6;
	v6 =	vmul.f32 v11, v6;
	v11 =	vadd.f32 v50, v34  }
0x77: {  	v3 =	vmul.f32 v9, v3;
	v29 =	vadd.f32 v54, v29;
	v13 =	vadd.f32 v56, v13  }
0x78: {  	s23 =	sshll.u32 s22, $0x6;
	v9 =	vmul.f32 v9, v9;
	v26 =	vadd.f32 v48, v26;
	v12 =	vadd.f32 v59, v12  }
0x79: {  	s24 =	sor.u32 s1, s23;
	(erf) = vrcp.f32 v10;
	v15 =	vadd.f32 v57, v15;
	v14 =	vadd.f32 v32, v14  }
0x7a: {  	v0 =	vld [tilespmem:$0x1FF00];
	s24 =	sshll.u32 s24, $0x7;
	v31 =	vmul.f32 v31, v31;
	v7 =	vadd.f32 v58, v7;
	v9 =	vadd.f32 v9, v12  }
0x7b: {  	v10 =	vor.u32 s24, v62;
	v5 =	vadd.f32 v6, v5;
	v6 =	vadd.f32 v53, v8  }
0x7c: {  	v27 =	vadd.f32 v33, v27;
	v1 =	vadd.f32 v1, v13;
	(erf) = vrcp.f32 v9  }
0x7d: {  	v8 =	vadd.f32 v28, v29;
	v4 =	vadd.f32 v4, v6;
	(erf) = vrcp.f32 v35  }
0x7e: {  	vm12 =	vlt.u32 v10, $0x186A0;
	v15 =	vadd.f32 v31, v15;
	v7 =	vadd.f32 v30, v7  }
0x7f: {  	v2 =	vadd.f32 v2, v14;
	v12 =	vor.u32 s24, v0;
	v0 =	vld [tilespmem:$0x1FF30];
	(erf) = vrcp.f32 v4  }
0x80: {  	v3 =	vadd.f32 v3, v5;
	(erf) = vrcp.f32 v8;
	v8 =	vand.u32 $0x7FFFFFFF, v36  }
0x81: {  	v6 =	vmov s24;
	(erf) = vrcp.f32 v7;
	v7 =	vmul.f32 v8, v36  }
0x82: {  	v5 =	vadd.f32 v51, v27;
	vm11 =	vlt.u32 v6, $0x186A0;
	v9 =	vor.u32 s24, v60;
	v13 =	vpop (erf)  }
0x83: {  	v8 =	vand.u32 $0x7FFFFFFF, v3;
	(erf) = vrcp.f32 v15;
	v7 =	vmul.f32 v13, v7  }
0x84: {  	v3 =	vmul.f32 v8, v3;
	v8 =	vand.u32 $0x7FFFFFFF, v41;
	v15 =	vor.u32 s24, v0  }
0x85: {  	v0 =	vld [tilespmem:$0x1FF50];
	(erf) = vrcp.f32 v25;
	v8 =	vmul.f32 v8, v41;
	v7 =	vnsel vm11, $0xFF61B1E6, v7;
	v14 =	vpop (erf)  }
0x86: {  	v6 =	vor.u32 s24, v61;
	vm9 =	vlt.u32 v12, $0x186A0;
	v4 =	vor.u32 s24, v63;
	(xrf1) =	vsort.dscd.msk.f32 $0xffff, v7, v9;
	v13 =	vpop (erf)  }
0x87: {  	v3 =	vmul.f32 v14, v3;
	v8 =	vmul.f32 v13, v8;
	v13 =	vand.u32 $0x7FFFFFFF, v26  }
0x88: {  	vm8 =	vlt.u32 v4, $0x186A0;
	vm10 =	vlt.u32 v15, $0x186A0;
	v13 =	vmul.f32 v13, v26  }
0x89: {  	v9 =	vand.u32 $0x7FFFFFFF, v5;
	v14 =	vand.u32 $0x7FFFFFFF, v1;
	v3 =	vnsel vm11, $0xFF61B1E6, v3  }
0x8a: {  	v25 =	vor.u32 s24, v0;
	v0 =	vld [tilespmem:$0x1FF70];
	v1 =	vmul.f32 v14, v1;
	v14 =	vand.u32 $0x7FFFFFFF, v2;
	v26 =	vpop (erf);
	(xrf1) =	vsort.dscd.msk.f32 $0xffff, v3, v6  }
0x8b: {  	v2 =	vmul.f32 v14, v2;
	v8 =	vnsel vm12, $0xFF61B1E6, v8;
	v27 =	vpop (erf);
	v7 =	vmul.f32 v26, v13  }
0x8c: {  	v3 =	vmul.f32 v9, v5;
	v5 =	vand.u32 $0x7FFFFFFF, v11;
	v1 =	vmul.f32 v27, v1;
	v13 =	vpop (erf)  }
0x8d: {  	(xrf1) =	vsort.dscd.msk.f32 $0xffff, v8, v10;
	v5 =	vmul.f32 v5, v11;
	v7 =	vnsel vm9, $0xFF61B1E6, v7;
	v6 =	vpop (erf);
	v2 =	vmul.f32 v13, v2  }
0x8e: {  	vm15 =	vlt.u32 v25, $0x186A0;
	v1 =	vnsel vm8, $0xFF61B1E6, v1;
	(xrf1) =	vsort.dscd.msk.f32 $0xffff, v7, v12;
	v3 =	vmul.f32 v6, v3;
	v6 =	vpop (erf)  }
0x8f: {  	v7 =	vor.u32 s24, v0;
	(xrf1) =	vsort.dscd.msk.f32 $0xffff, v1, v4;
	v1 =	vnsel vm10, $0xFF61B1E6, v2;
	v2 =	vmul.f32 v6, v5  }
0x90: {  	v16 =	vld [tilespmem:$0x1FF90];
	vm8 =	vlt.u32 v7, $0x186A0;
	(xrf1) =	vsort.dscd.msk.f32 $0xffff, v1, v15;
	v1 =	vnsel vm15, $0xFF61B1E6, v3  }
0x91: {  	(xrf1) =	vsort.dscd.msk.f32 $0xffff, v1, v25;
	v1 =	vnsel vm8, $0xFF61B1E6, v2;
	_ =	sdelay $0x2  }
0x92: {  	(xrf1) =	vsort.dscd.msk.f32 $0xffff, v1, v7;
	v1, v2, _ =	vpop (xrf1)  }
0x93: {  	v0 =	vperm.xlane v1, v16;
	_ =	sdelay $0x1  }
0x94: {  	[tilespmem:$0x1FDB0] =	vst v0;
	v0 =	vperm.xlane v2, v16  }
0x95: {  	v3, v4, _ =	vpop (xrf1)  }
0x96: {  	[tilespmem:$0x1FDC0] =	vst v0;
	v0 =	vperm.xlane v3, v16;
	_ =	sdelay $0x1  }
0x97: {  	[tilespmem:$0x1FDD0] =	vst v0;
	v0 =	vperm.xlane v4, v16  }
0x98: {  	s25 =	sadd.s32 s8, s23;
	v5, v6, _ =	vpop (xrf1)  }
0x99: {  	s25 =	smin.u32 s25, $0x30D;
	[tilespmem:$0x1FDE0] =	vst v0;
	v0 =	vperm.xlane v5, v16  }
0x9a: {  	s25 =	sshll.u32 s25, $0x7  }
0x9b: {  	s25 =	smin.u32 s25, $0x18620;
	v7, v8, _ =	vpop (xrf1);
	[tilespmem:$0x1FDF0] =	vst v0;
	v0 =	vperm.xlane v6, v16  }
0x9c: {  	s25 =	sshll.u32 s25, $0x4;
	v9, v10, _ =	vpop (xrf1)  }
0x9d: {  	s26 =	simm.s32 $0x0;
	s25 =	sadd.s32 s2, s25;
	v1, v11, _ =	vpop (xrf1);
	[tilespmem:$0x1FE00] =	vst v0;
	v0 =	vperm.xlane v7, v16  }
0x9e: {  	[tilespmem:s26], [sflag:$0x1] =	stream.linear.gather [hbm4b:s25+s26], $0x4000, $0x38;
	v2, v3, _ =	vpop (xrf1);
	[tilespmem:$0x8980] =	vst v63  }
0x9f: {  	v5, v6, _ =	vpop (xrf1);
	[tilespmem:$0x1FE10] =	vst v0;
	v0 =	vperm.xlane v8, v16  }
0xa0: {  	_ =	swait.ge [sflag:s17], $0x4000  }
0xa1: {  	v4 =	vadd.s32 s26, v60;
	[tilespmem:$0x1FE20] =	vst v0;
	v0 =	vperm.xlane v9, v16  }
0xa2: {  	v52 =	vor.u32 $0x4000, v18;
	v4 =	vand.u32 $0x7F, v4  }
0xa3: {  	v7 =	vor.u32 v52, v4;
	[tilespmem:$0x1FE30] =	vst v0;
	v0 =	vperm.xlane v10, v16;
	_ =	sdelay $0x1  }
0xa4: {  	v54 =	vor.u32 $0x6800, v18;
	[sflag:s17] =	ssyncset.done $0x0;
	[tilespmem:$0x1FE40] =	vst v0;
	v0 =	vperm.xlane v1, v16  }
0xa5: {  	s29 =	simm.s32 $0x8090;
	s26 =	simm.s32 $0x1;
	v13 =	vor.u32 v54, v4;
	[sflag:s17] =	ssyncadd.s32 $0xFFFFC000  }
0xa6: {  	v53 =	vor.u32 $0x5000, v18;
	v12 =	vadd.s32 s26, v60;
	v14 =	vld [tilespmem:s29+$0xFFFFFFF0];
	[tilespmem:$0x1FE50] =	vst v0;
	v0 =	vperm.xlane v11, v16  }
0xa7: {  	v8 =	vor.u32 v53, v4;
	v9 =	vand.u32 $0x7F, v12;
	v7 =	vld.idx.msk [tilespmem:v7+s5+$0x0], $0xffff  }
0xa8: {  	v56 =	vor.u32 $0x5800, v18;
	v10 =	vor.u32 v52, v9;
	[tilespmem:$0x1FE60] =	vst v0;
	v0 =	vperm.xlane v2, v16  }
0xa9: {  	v12 =	vor.u32 v56, v4;
	v1 =	vperm.xlane v3, v16  }
0xaa: {  	v57 =	vor.u32 $0x7000, v18;
	v25 =	vor.u32 v53, v9;
	v13 =	vld.idx.msk [tilespmem:v13+s5+$0x0], $0xffff  }
0xab: {  	v29 =	vor.u32 v54, v9;
	v15 =	vld [tilespmem:s29+$0x0];
	v11 =	vor.u32 v57, v9;
	[tilespmem:$0x1FE80] =	vst v1;
	v1 =	vperm.xlane v5, v16  }
0xac: {  	v8 =	vld.idx.msk [tilespmem:v8+s5+$0x0], $0xffff;
	v28 =	vmul.f32 v7, v14;
	v7 =	vmul.f32 v7, v7;
	[tilespmem:$0x1FE70] =	vst v0;
	v0 =	vmov v18  }
0xad: {  	v10 =	vld.idx.msk [tilespmem:v10+s5+$0x0], $0xffff;
	v2 =	vor.u32 v56, v9;
	[tilespmem:$0x1FE90] =	vst v1;
	v1 =	vperm.xlane v6, v16;
	v61 =	vor.u32 $0x4800, v0  }
0xae: {  	v6 =	vld.idx.msk [tilespmem:v12+s5+$0x0], $0xffff;
	v12 =	vimm.f32 $0.0e+00;
	v62 =	vor.u32 $0x7800, v0;
	v3 =	vor.u32 v61, v9  }
0xaf: {  	v37 =	vld.idx.msk [tilespmem:v25+s5+$0x0], $0xffff;
	v31 =	vadd.f32 v28, v12;
	v28 =	vmul.f32 v13, v13;
	v5 =	vor.u32 v62, v4  }
0xb0: {  	v29 =	vld.idx.msk [tilespmem:v29+s5+$0x0], $0xffff;
	v13 =	vmul.f32 v13, v14;
	[tilespmem:$0x1FEA0] =	vst v1;
	v1 =	vor.u32 $0x6000, v0;
	v26 =	vor.u32 v61, v4  }
0xb1: {  	v7 =	vadd.f32 v7, v12;
	v11 =	vld.idx.msk [tilespmem:v11+s5+$0x0], $0xffff;
	v28 =	vadd.f32 v28, v12;
	v27 =	vor.u32 v1, v4  }
0xb2: {  	v13 =	vadd.f32 v13, v12;
	v51 =	vmul.f32 v10, v10;
	v33 =	vld.idx.msk [tilespmem:v2+s5+$0x0], $0xffff;
	v4 =	vor.u32 v57, v4  }
0xb3: {  	v18 =	vlaneseq.u32;
	v10 =	vmul.f32 v10, v15;
	v25 =	vmul.f32 v6, v6;
	v3 =	vld.idx.msk [tilespmem:v3+s5+$0x0], $0xffff  }
0xb4: {  	v6 =	vmul.f32 v6, v14;
	v30 =	vor.u32 v1, v9;
	v2 =	vor.u32 v62, v9;
	v5 =	vld.idx.msk [tilespmem:v5+s5+$0x0], $0xffff  }
0xb5: {  	s30 =	simm.s32 $0x3;
	v9 =	vmul.f32 v8, v14;
	v8 =	vmul.f32 v8, v8;
	v42 =	vadd.f32 v10, v31;
	v26 =	vld.idx.msk [tilespmem:v26+s5+$0x0], $0xffff  }
0xb6: {  	v63 =	vadd.s32 s30, v18;
	v34 =	vadd.f32 v6, v12;
	v6 =	vadd.f32 v51, v7;
	v27 =	vld.idx.msk [tilespmem:v27+s5+$0x0], $0xffff  }
0xb7: {  	v10 =	vmul.f32 v11, v11;
	v43 =	vadd.f32 v8, v12;
	v11 =	vmul.f32 v11, v15;
	v4 =	vld.idx.msk [tilespmem:v4+s5+$0x0], $0xffff  }
0xb8: {  	v8 =	vadd.f32 v25, v12;
	v25 =	vmul.f32 v37, v15;
	v55 =	vmul.f32 v33, v33  }
0xb9: {  	v51 =	vand.u32 $0x7F, v63;
	v35 =	vld.idx.msk [tilespmem:v2+s5+$0x0], $0xffff;
	v2 =	vmul.f32 v29, v15;
	v31 =	vmul.f32 v3, v15  }
0xba: {  	v9 =	vadd.f32 v9, v12;
	v41 =	vmul.f32 v26, v14;
	v26 =	vmul.f32 v26, v26  }
0xbb: {  	v39 =	vor.u32 v61, v51;
	v47 =	vmul.f32 v5, v5;
	v7 =	vmul.f32 v27, v27  }
0xbc: {  	s31 =	simm.s32 $0x2;
	v9 =	vadd.f32 v25, v9;
	v44 =	vmul.f32 v4, v14;
	v5 =	vmul.f32 v5, v14  }
0xbd: {  	v50 =	vld.idx.msk [tilespmem:v30+s5+$0x0], $0xffff;
	v3 =	vmul.f32 v3, v3;
	v49 =	vmul.f32 v4, v4;
	v4 =	vadd.s32 s31, v18  }
0xbe: {  	v45 =	vmul.f32 v27, v14;
	v59 =	vand.u32 $0x7F, v4;
	v38 =	vadd.f32 v41, v12  }
0xbf: {  	v26 =	vadd.f32 v26, v12;
	v32 =	vadd.f32 v5, v12;
	v58 =	vor.u32 v52, v59  }
0xc0: {  	v47 =	vadd.f32 v47, v12;
	v60 =	vor.u32 v54, v59;
	v46 =	vor.u32 v53, v59  }
0xc1: {  	s25 =	simm.s32 $0x80B0;
	v40 =	vor.u32 v56, v59;
	v7 =	vadd.f32 v7, v12;
	v25 =	vor.u32 v61, v59  }
0xc2: {  	v30 =	vld [tilespmem:s25+$0x0];
	v5 =	vadd.f32 v55, v8;
	v55 =	vadd.f32 v2, v13;
	v8 =	vmul.f32 v50, v50  }
0xc3: {  	v27 =	vld [tilespmem:s25+$0xFFFFFFF0];
	v48 =	vor.u32 v62, v59;
	v2 =	vadd.f32 v45, v12;
	v13 =	vmul.f32 v35, v15  }
0xc4: {  	v41 =	vor.u32 v52, v51;
	v4 =	vadd.f32 v3, v26;
	v3 =	vadd.f32 v49, v12;
	v49 =	vld.idx.msk [tilespmem:v58+s5+$0x0], $0xffff  }
0xc5: {  	v45 =	vor.u32 v1, v51;
	v26 =	vor.u32 v57, v51;
	v14 =	vadd.f32 v31, v38;
	v36 =	vld.idx.msk [tilespmem:v46+s5+$0x0], $0xffff  }
0xc6: {  	v63 =	vadd.f32 v8, v7;
	v7 =	vmul.f32 v35, v35;
	v31 =	vadd.f32 v10, v3;
	v3 =	vld.idx.msk [tilespmem:v60+s5+$0x0], $0xffff  }
0xc7: {  	v12 =	vadd.f32 v44, v12;
	v32 =	vadd.f32 v13, v32;
	v8 =	vld.idx.msk [tilespmem:v40+s5+$0x0], $0xffff;
	v40 =	vor.u32 v56, v51  }
0xc8: {  	v13 =	vor.u32 v54, v51;
	v10 =	vmul.f32 v50, v15;
	v44 =	vadd.f32 v7, v47;
	v50 =	vld.idx.msk [tilespmem:v48+s5+$0x0], $0xffff  }
0xc9: {  	v7 =	vor.u32 v62, v51;
	v60 =	vmul.f32 v37, v37;
	v37 =	vmul.f32 v33, v15;
	v47 =	vld.idx.msk [tilespmem:v41+s5+$0x0], $0xffff  }
0xca: {  	v15 =	vor.u32 v1, v59;
	v59 =	vor.u32 v57, v59;
	v33 =	vadd.f32 v11, v12;
	v58 =	vld.idx.msk [tilespmem:v26+s5+$0x0], $0xffff  }
0xcb: {  	v26 =	vld.idx.msk [tilespmem:v39+s5+$0x0], $0xffff;
	v38 =	vadd.f32 v60, v43;
	v39 =	vor.u32 v53, v51;
	v60 =	vmul.f32 v49, v27  }
0xcc: {  	v37 =	vadd.f32 v37, v34;
	v51 =	vmul.f32 v49, v49;
	v43 =	vmul.f32 v36, v27;
	v11 =	vld.idx.msk [tilespmem:v40+s5+$0x0], $0xffff  }
0xcd: {  	s28 =	simm.s32 $0x4;
	v12 =	vmul.f32 v3, v3;
	v49 =	vadd.f32 v60, v42;
	v60 =	vld.idx.msk [tilespmem:v45+s5+$0x0], $0xffff;
	v42 =	vmul.f32 v36, v36  }
.LBB2_7:
0xce: {  	s29 =	sadd.s32 $0x1, s28  }
0xcf: {  	v34 =	vld.idx.msk [tilespmem:v7+s5+$0x0], $0xffff;
	s25 =	sadd.s32 $0x20, s25;
	v7 =	vmul.f32 v29, v29;
	v35 =	vmov v30;
	s30 =	smov.u32 s28;
	s26 =	sadd.s32 $0x2, s28  }
0xd0: {  	p0 =	sne.s32 s28, $0x7E;
	v6 =	vadd.f32 v51, v6;
	v30 =	vadd.s32 s29, v18;
	v36 =	vld.idx.msk [tilespmem:v39+s5+$0x0], $0xffff  }
0xd1: {  	v39 =	vmul.f32 v8, v8;
	v25 =	vld.idx.msk [tilespmem:v25+s5+$0x0], $0xffff;
	v7 =	vadd.f32 v7, v28  }
0xd2: {  	v9 =	vadd.f32 v43, v9;
	v2 =	vadd.f32 v10, v2;
	v40 =	vmul.f32 v47, v47;
	v29 =	vld.idx.msk [tilespmem:v13+s5+$0x0], $0xffff  }
0xd3: {  	v8 =	vmul.f32 v8, v27;
	v13 =	vmul.f32 v47, v35;
	v10 =	vld.idx.msk [tilespmem:v59+s5+$0x0], $0xffff  }
0xd4: {  	v3 =	vmul.f32 v3, v27;
	v41 =	vmul.f32 v11, v11;
	v15 =	vld.idx.msk [tilespmem:v15+s5+$0x0], $0xffff  }
0xd5: {  	v43 =	vmul.f32 v58, v58;
	v28 =	vadd.f32 v12, v7;
	v12 =	vadd.f32 v13, v49  }
0xd6: {  	v38 =	vadd.f32 v42, v38;
	v45 =	vmul.f32 v58, v35;
	v37 =	vadd.f32 v8, v37  }
0xd7: {  	v42 =	vmul.f32 v26, v35;
	v5 =	vadd.f32 v39, v5;
	v7 =	vmul.f32 v36, v35  }
0xd8: {  	v47 =	vadd.f32 v3, v55;
	v8 =	vmul.f32 v25, v27;
	v13 =	vmul.f32 v25, v25  }
0xd9: {  	v3 =	vmul.f32 v50, v50;
	v6 =	vadd.f32 v40, v6  }
0xda: {  	v14 =	vadd.f32 v8, v14;
	v40 =	vmul.f32 v10, v27;
	v8 =	vmul.f32 v15, v15  }
0xdb: {  	v26 =	vmul.f32 v26, v26;
	v25 =	vmul.f32 v50, v27;
	v9 =	vadd.f32 v7, v9  }
0xdc: {  	v4 =	vadd.f32 v13, v4;
	v7 =	vmul.f32 v10, v10  }
0xdd: {  	v49 =	vand.u32 $0x7F, v30;
	v10 =	vadd.s32 s30, v18;
	v32 =	vadd.f32 v25, v32  }
0xde: {  	v44 =	vadd.f32 v3, v44;
	v10 =	vand.u32 $0x7F, v10  }
0xdf: {  	v50 =	vmul.f32 v15, v27;
	v3 =	vor.u32 v52, v10;
	v39 =	vor.u32 v54, v10  }
0xe0: {  	v13 =	vor.u32 v53, v10;
	v51 =	vor.u32 v56, v10;
	v63 =	vadd.f32 v8, v63  }
0xe1: {  	v5 =	vadd.f32 v41, v5;
	v25 =	vor.u32 v61, v10;
	v15 =	vor.u32 v1, v10  }
0xe2: {  	v41 =	vor.u32 v52, v49;
	v59 =	vor.u32 v57, v10;
	v4 =	vadd.f32 v26, v4;
	v30 =	vld [tilespmem:s25+$0x0]  }
0xe3: {  	v46 =	vor.u32 v1, v49;
	v26 =	vor.u32 v57, v49;
	v31 =	vadd.f32 v7, v31;
	v27 =	vld [tilespmem:s25+$0xFFFFFFF0]  }
0xe4: {  	v24 =	vor.u32 v61, v49;
	v0 =	vor.u32 v56, v49;
	v8 =	vmul.f32 v29, v35;
	v48 =	vld.idx.msk [tilespmem:v3+s5+$0x0], $0xffff  }
0xe5: {  	v17 =	vmul.f32 v60, v60;
	v10 =	vor.u32 v62, v10;
	v16 =	vld.idx.msk [tilespmem:v13+s5+$0x0], $0xffff;
	v13 =	vor.u32 v54, v49  }
0xe6: {  	v7 =	vor.u32 v62, v49;
	v55 =	vadd.f32 v8, v47;
	v3 =	vld.idx.msk [tilespmem:v39+s5+$0x0], $0xffff;
	v39 =	vor.u32 v53, v49  }
0xe7: {  	v14 =	vadd.f32 v42, v14;
	v42 =	vmul.f32 v34, v35;
	v2 =	vadd.f32 v50, v2;
	v8 =	vld.idx.msk [tilespmem:v51+s5+$0x0], $0xffff  }
0xe8: {  	v33 =	vadd.f32 v40, v33;
	v63 =	vadd.f32 v17, v63;
	v17 =	vmul.f32 v34, v34;
	v58 =	vld.idx.msk [tilespmem:v26+s5+$0x0], $0xffff  }
.Ltmp2:
0xe9: {  	v31 =	vadd.f32 v43, v31;
	v32 =	vadd.f32 v42, v32;
	v26 =	vld.idx.msk [tilespmem:v24+s5+$0x0], $0xffff;
	v24 =	vmul.f32 v36, v36;
	(pc) =	sbr.rel @p0 .LBB2_7-.Ltmp2, $4  }
0xea: {  	v34 =	vmul.f32 v11, v35;
	v44 =	vadd.f32 v17, v44;
	v50 =	vld.idx.msk [tilespmem:v10+s5+$0x0], $0xffff;
	v10 =	vmul.f32 v60, v35  }
0xeb: {  	v11 =	vmul.f32 v48, v27;
	v51 =	vmul.f32 v48, v48;
	v47 =	vld.idx.msk [tilespmem:v41+s5+$0x0], $0xffff;
	v38 =	vadd.f32 v24, v38  }
0xec: {  	v33 =	vadd.f32 v45, v33;
	v43 =	vmul.f32 v16, v27;
	v42 =	vmul.f32 v16, v16;
	v60 =	vld.idx.msk [tilespmem:v46+s5+$0x0], $0xffff  }
0xed: {  	s28 =	smov.u32 s26;
	v37 =	vadd.f32 v34, v37;
	v49 =	vadd.f32 v11, v12;
	v12 =	vmul.f32 v3, v3;
	v11 =	vld.idx.msk [tilespmem:v0+s5+$0x0], $0xffff  }
0xee: {  	v0 =	vld [tilespmem:$0x1FEB0]  }
0xef: {  	v1 =	vld [tilespmem:$0x1FDB0]  }
0xf0: {  	v48 =	vld [tilespmem:$0x1FEC0]  }
0xf1: {  	v16 =	vld [tilespmem:$0x1FDC0];
	_ =	sdelay $0x3  }
0xf2: {  	vm8 =	vge.f32 v0, v1  }
0xf3: {  	v0 =	vsel vm8, v0, v1;
	v1 =	vsel vm8, v48, v16  }
0xf4: {  	(xrf1) =	vsort.dscd.msk.f32 $0xffff, v0, v1;
	_ =	sdelay $0x9  }
0xf5: {  	v16 =	vld [tilespmem:$0x1FDD0];
	_ =	sdelay $0x3  }
0xf6: {  	v0, v1, _ =	vpop (xrf1)  }
0xf7: {  	vm8 =	vge.f32 v0, v16  }
0xf8: {  	v0 =	vsel vm8, v0, v16;
	v16 =	vld [tilespmem:$0x1FDE0];
	_ =	sdelay $0x4  }
0xf9: {  	v1 =	vsel vm8, v1, v16  }
0xfa: {  	(xrf1) =	vsort.dscd.msk.f32 $0xffff, v0, v1;
	_ =	sdelay $0x9  }
0xfb: {  	v16 =	vld [tilespmem:$0x1FDF0];
	_ =	sdelay $0x3  }
0xfc: {  	v0, v1, _ =	vpop (xrf1)  }
0xfd: {  	vm8 =	vge.f32 v0, v16  }
0xfe: {  	v0 =	vsel vm8, v0, v16;
	v16 =	vld [tilespmem:$0x1FE00];
	_ =	sdelay $0x4  }
0xff: {  	v1 =	vsel vm8, v1, v16  }
0x100: {  	(xrf1) =	vsort.dscd.msk.f32 $0xffff, v0, v1;
	_ =	sdelay $0x9  }
0x101: {  	v16 =	vld [tilespmem:$0x1FE10];
	_ =	sdelay $0x3  }
0x102: {  	v0, v1, _ =	vpop (xrf1)  }
0x103: {  	vm8 =	vge.f32 v0, v16  }
0x104: {  	v0 =	vsel vm8, v0, v16;
	v16 =	vld [tilespmem:$0x1FE20];
	_ =	sdelay $0x4  }
0x105: {  	v1 =	vsel vm8, v1, v16  }
0x106: {  	(xrf1) =	vsort.dscd.msk.f32 $0xffff, v0, v1;
	_ =	sdelay $0x9  }
0x107: {  	v16 =	vld [tilespmem:$0x1FE30];
	_ =	sdelay $0x3  }
0x108: {  	v0, v1, _ =	vpop (xrf1)  }
0x109: {  	vm8 =	vge.f32 v0, v16  }
0x10a: {  	v0 =	vsel vm8, v0, v16;
	v16 =	vld [tilespmem:$0x1FE40];
	_ =	sdelay $0x4  }
0x10b: {  	v1 =	vsel vm8, v1, v16  }
0x10c: {  	(xrf1) =	vsort.dscd.msk.f32 $0xffff, v0, v1;
	_ =	sdelay $0x9  }
0x10d: {  	v16 =	vld [tilespmem:$0x1FE50];
	_ =	sdelay $0x3  }
0x10e: {  	v0, v1, _ =	vpop (xrf1)  }
0x10f: {  	vm8 =	vge.f32 v0, v16  }
0x110: {  	v0 =	vsel vm8, v0, v16;
	v16 =	vld [tilespmem:$0x1FE60];
	_ =	sdelay $0x4  }
0x111: {  	v1 =	vsel vm8, v1, v16  }
0x112: {  	(xrf1) =	vsort.dscd.msk.f32 $0xffff, v0, v1;
	_ =	sdelay $0x9  }
0x113: {  	v16 =	vld [tilespmem:$0x1FE70];
	_ =	sdelay $0x3  }
0x114: {  	v0, v1, _ =	vpop (xrf1)  }
0x115: {  	vm8 =	vge.f32 v0, v16  }
0x116: {  	v0 =	vsel vm8, v0, v16;
	v16 =	vld [tilespmem:$0x1FE80];
	_ =	sdelay $0x4  }
0x117: {  	v1 =	vsel vm8, v1, v16  }
0x118: {  	v52 =	vadd.f32 v51, v6;
	v53 =	vmul.f32 v47, v47;
	(xrf1) =	vsort.dscd.msk.f32 $0xffff, v0, v1;
	_ =	sdelay $0x1  }
0x119: {  	v0 =	vadd.f32 v53, v52;
	_ =	sdelay $0x1  }
0x11a: {  	(erf) = vrcp.f32 v0;
	_ =	sdelay $0x3  }
0x11b: {  	v54 =	vmul.f32 v47, v30;
	_ =	sdelay $0x1  }
0x11c: {  	v24 =	vld [tilespmem:$0x1FE90];
	v0 =	vadd.f32 v54, v49  }
0x11d: {  	v62 =	vld [tilespmem:$0x1FEA0]  }
0x11e: {  	v56 =	vand.u32 $0x7FFFFFFF, v0  }
0x11f: {  	v0 =	vmul.f32 v56, v0;
	v17 =	vpop (erf)  }
0x120: {  	v61 =	vld.idx.msk [tilespmem:v25+s5+$0x0], $0xffff;
	s24 =	sor.u32 $0x1000, s24;
	v57, v16, _ =	vpop (xrf1)  }
0x121: {  	v0 =	vmul.f32 v17, v0;
	v17 =	vmov s24;
	vm8 =	vge.f32 v57, v24  }
0x122: {  	v6 =	vsel vm8, v57, v24;
	v16 =	vsel vm8, v16, v62;
	vm8 =	vlt.u32 v17, $0x186A0  }
0x123: {  	v24 =	vor.u32 s24, v18;
	(xrf1) =	vsort.dscd.msk.f32 $0xffff, v6, v16;
	v0 =	vnsel vm8, $0xFF61B1E6, v0  }
0x124: {  	(xrf1) =	vsort.dscd.msk.f32 $0xffff, v0, v24  }
0x125: {  	v25 =	vmul.f32 v61, v61;
	_ =	sdelay $0x1  }
0x126: {  	v34 =	vmul.f32 v26, v26;
	v0 =	vadd.f32 v25, v4;
	_ =	sdelay $0x1  }
0x127: {  	v0 =	vadd.f32 v34, v0;
	_ =	sdelay $0x1  }
0x128: {  	v35 =	vmul.f32 v61, v27;
	(erf) = vrcp.f32 v0;
	_ =	sdelay $0x1  }
0x129: {  	v36 =	vmul.f32 v26, v30;
	v0 =	vadd.f32 v35, v14  }
0x12a: {  	v17 =	vld [tilespmem:$0x1FF90]  }
0x12b: {  	v0 =	vadd.f32 v36, v0;
	_ =	sdelay $0x1  }
0x12c: {  	v16 =	vand.u32 $0x7FFFFFFF, v0;
	v41, v40, _ =	vpop (xrf1)  }
0x12d: {  	v61 =	vld [tilespmem:$0x1FFA0];
	v45, v46, _ =	vpop (xrf1)  }
0x12e: {  	v0 =	vmul.f32 v16, v0;
	v6 =	vperm.xlane v45, v17  }
0x12f: {  	v16 =	vpop (erf);
	v14 =	vperm.xlane v46, v17  }
0x130: {  	v0 =	vmul.f32 v16, v0;
	vm9 =	vge.f32 v41, v6  }
0x131: {  	v47 =	vld.idx.msk [tilespmem:v39+s5+$0x0], $0xffff;
	v1 =	vsel vm9, v41, v6;
	v4 =	vsel vm9, v40, v14  }
0x132: {  	v48 =	vor.u32 s24, v61;
	v0 =	vnsel vm8, $0xFF61B1E6, v0;
	(xrf1) =	vsort.dscd.msk.f32 $0xffff, v1, v4  }
0x133: {  	(xrf1) =	vsort.dscd.msk.f32 $0xffff, v0, v48;
	_ =	sdelay $0x2  }
0x134: {  	v51 =	vmul.f32 v47, v47;
	v49 =	vadd.f32 v42, v38;
	_ =	sdelay $0x1  }
0x135: {  	v0 =	vadd.f32 v51, v49;
	_ =	sdelay $0x1  }
0x136: {  	v52 =	vadd.f32 v43, v9;
	v53 =	vmul.f32 v47, v30;
	(erf) = vrcp.f32 v0;
	_ =	sdelay $0x1  }
0x137: {  	v0 =	vadd.f32 v53, v52;
	_ =	sdelay $0x1  }
0x138: {  	v62 =	vand.u32 $0x7FFFFFFF, v0  }
0x139: {  	v0 =	vmul.f32 v62, v0;
	v62 =	vld [tilespmem:$0x1FFB0]  }
0x13a: {  	v54, v4, _ =	vpop (xrf1)  }
0x13b: {  	v57, v56, _ =	vpop (xrf1)  }
0x13c: {  	v6 =	vperm.xlane v57, v17  }
0x13d: {  	v24 =	vpop (erf);
	v9 =	vperm.xlane v56, v17  }
0x13e: {  	v25 =	vor.u32 s24, v62;
	v0 =	vmul.f32 v24, v0;
	vm8 =	vge.f32 v54, v6  }
0x13f: {  	v1 =	vsel vm8, v54, v6;
	v4 =	vsel vm8, v4, v9;
	vm8 =	vlt.u32 v25, $0x186A0  }
0x140: {  	(xrf1) =	vsort.dscd.msk.f32 $0xffff, v1, v4;
	v0 =	vnsel vm8, $0xFF61B1E6, v0  }
0x141: {  	(xrf1) =	vsort.dscd.msk.f32 $0xffff, v0, v25  }
0x142: {  	v26 =	vmul.f32 v8, v8;
	_ =	sdelay $0x1  }
0x143: {  	v34 =	vmul.f32 v11, v11;
	v0 =	vadd.f32 v26, v5;
	_ =	sdelay $0x1  }
0x144: {  	v0 =	vadd.f32 v34, v0;
	_ =	sdelay $0x1  }
0x145: {  	(erf) = vrcp.f32 v0  }
0x146: {  	v35 =	vmul.f32 v8, v27;
	_ =	sdelay $0x1  }
0x147: {  	v36 =	vmul.f32 v11, v30;
	v0 =	vadd.f32 v35, v37;
	_ =	sdelay $0x1  }
0x148: {  	v43 =	vld [tilespmem:$0x1FF00];
	v0 =	vadd.f32 v36, v0  }
0x149: {  	v37, v4, _ =	vpop (xrf1)  }
0x14a: {  	v40 =	vand.u32 $0x7FFFFFFF, v0;
	v39, v38, _ =	vpop (xrf1)  }
0x14b: {  	v0 =	vmul.f32 v40, v0;
	v5 =	vperm.xlane v39, v17  }
0x14c: {  	v41 =	vld.idx.msk [tilespmem:v15+s5+$0x0], $0xffff;
	v42 =	vpop (erf);
	v6 =	vperm.xlane v38, v17  }
0x14d: {  	v9 =	vor.u32 s24, v43;
	v0 =	vmul.f32 v42, v0;
	vm8 =	vge.f32 v37, v5  }
0x14e: {  	v1 =	vsel vm8, v37, v5;
	v4 =	vsel vm8, v4, v6;
	vm8 =	vlt.u32 v9, $0x186A0  }
0x14f: {  	(xrf1) =	vsort.dscd.msk.f32 $0xffff, v1, v4;
	v0 =	vnsel vm8, $0xFF61B1E6, v0  }
0x150: {  	(xrf1) =	vsort.dscd.msk.f32 $0xffff, v0, v9  }
0x151: {  	v45 =	vmul.f32 v41, v41;
	_ =	sdelay $0x1  }
0x152: {  	v46 =	vmul.f32 v60, v60;
	v0 =	vadd.f32 v45, v63;
	_ =	sdelay $0x1  }
0x153: {  	v0 =	vadd.f32 v46, v0;
	_ =	sdelay $0x1  }
0x154: {  	(erf) = vrcp.f32 v0  }
0x155: {  	v47 =	vadd.f32 v10, v2;
	v48 =	vmul.f32 v41, v27;
	_ =	sdelay $0x1  }
0x156: {  	v49 =	vmul.f32 v60, v30;
	v0 =	vadd.f32 v48, v47;
	_ =	sdelay $0x1  }
0x157: {  	v63 =	vld [tilespmem:$0x1FFC0];
	v0 =	vadd.f32 v49, v0  }
0x158: {  	v52, v51, _ =	vpop (xrf1)  }
0x159: {  	v56 =	vand.u32 $0x7FFFFFFF, v0;
	v54, v53, _ =	vpop (xrf1)  }
0x15a: {  	v0 =	vmul.f32 v56, v0;
	v4 =	vperm.xlane v54, v17  }
0x15b: {  	v57 =	vpop (erf);
	v5 =	vperm.xlane v53, v17  }
0x15c: {  	v60 =	vor.u32 s24, v63;
	v0 =	vmul.f32 v57, v0;
	vm8 =	vge.f32 v52, v4  }
0x15d: {  	v9 =	vld.idx.msk [tilespmem:v13+s5+$0x0], $0xffff;
	v1 =	vsel vm8, v52, v4;
	v2 =	vsel vm8, v51, v5;
	vm8 =	vlt.u32 v60, $0x186A0  }
0x15e: {  	v10 =	vmul.f32 v29, v29;
	(xrf1) =	vsort.dscd.msk.f32 $0xffff, v1, v2;
	v0 =	vnsel vm8, $0xFF61B1E6, v0  }
0x15f: {  	(xrf1) =	vsort.dscd.msk.f32 $0xffff, v0, v60  }
0x160: {  	v11 =	vadd.f32 v10, v28;
	_ =	sdelay $0x1  }
0x161: {  	v13 =	vmul.f32 v9, v9;
	v0 =	vadd.f32 v12, v11;
	_ =	sdelay $0x1  }
0x162: {  	v0 =	vadd.f32 v13, v0;
	_ =	sdelay $0x1  }
0x163: {  	(erf) = vrcp.f32 v0  }
0x164: {  	v14 =	vmul.f32 v3, v27;
	_ =	sdelay $0x1  }
0x165: {  	v15 =	vmul.f32 v9, v30;
	v0 =	vadd.f32 v14, v55;
	_ =	sdelay $0x1  }
0x166: {  	v35 =	vld [tilespmem:$0x1FF30];
	v0 =	vadd.f32 v15, v0  }
0x167: {  	v24, v2, _ =	vpop (xrf1)  }
0x168: {  	v28 =	vand.u32 $0x7FFFFFFF, v0;
	v25, v26, _ =	vpop (xrf1)  }
0x169: {  	v0 =	vmul.f32 v28, v0;
	v3 =	vperm.xlane v25, v17  }
0x16a: {  	v29 =	vld.idx.msk [tilespmem:v59+s5+$0x0], $0xffff;
	v34 =	vpop (erf);
	v4 =	vperm.xlane v26, v17  }
0x16b: {  	v6 =	vor.u32 s24, v35;
	v0 =	vmul.f32 v34, v0;
	vm8 =	vge.f32 v24, v3  }
0x16c: {  	v1 =	vsel vm8, v24, v3;
	v2 =	vsel vm8, v2, v4;
	vm8 =	vlt.u32 v6, $0x186A0  }
0x16d: {  	(xrf1) =	vsort.dscd.msk.f32 $0xffff, v1, v2;
	v0 =	vnsel vm8, $0xFF61B1E6, v0  }
0x16e: {  	(xrf1) =	vsort.dscd.msk.f32 $0xffff, v0, v6  }
0x16f: {  	v36 =	vmul.f32 v29, v29;
	_ =	sdelay $0x1  }
0x170: {  	v37 =	vmul.f32 v58, v58;
	v0 =	vadd.f32 v36, v31;
	_ =	sdelay $0x1  }
0x171: {  	v0 =	vadd.f32 v37, v0;
	_ =	sdelay $0x1  }
0x172: {  	(erf) = vrcp.f32 v0  }
0x173: {  	v38 =	vmul.f32 v29, v27;
	_ =	sdelay $0x1  }
0x174: {  	v39 =	vmul.f32 v58, v30;
	v0 =	vadd.f32 v38, v33;
	_ =	sdelay $0x1  }
0x175: {  	v46 =	vld [tilespmem:$0x1FF50];
	v0 =	vadd.f32 v39, v0  }
0x176: {  	v40, v2, _ =	vpop (xrf1)  }
0x177: {  	v43 =	vand.u32 $0x7FFFFFFF, v0;
	v41, v42, _ =	vpop (xrf1)  }
0x178: {  	v0 =	vmul.f32 v43, v0;
	v3 =	vperm.xlane v41, v17  }
0x179: {  	v45 =	vpop (erf);
	v4 =	vperm.xlane v42, v17  }
0x17a: {  	v5 =	vor.u32 s24, v46;
	v0 =	vmul.f32 v45, v0;
	vm8 =	vge.f32 v40, v3  }
0x17b: {  	v47 =	vld.idx.msk [tilespmem:v7+s5+$0x0], $0xffff;
	v1 =	vsel vm8, v40, v3;
	v2 =	vsel vm8, v2, v4;
	vm8 =	vlt.u32 v5, $0x186A0  }
0x17c: {  	(xrf1) =	vsort.dscd.msk.f32 $0xffff, v1, v2;
	v0 =	vnsel vm8, $0xFF61B1E6, v0  }
0x17d: {  	(xrf1) =	vsort.dscd.msk.f32 $0xffff, v0, v5  }
0x17e: {  	v48 =	vmul.f32 v50, v50;
	_ =	sdelay $0x1  }
0x17f: {  	v49 =	vmul.f32 v47, v47;
	v0 =	vadd.f32 v48, v44;
	_ =	sdelay $0x1  }
0x180: {  	v0 =	vadd.f32 v49, v0;
	_ =	sdelay $0x1  }
0x181: {  	(erf) = vrcp.f32 v0  }
0x182: {  	v50 =	vmul.f32 v50, v27;
	_ =	sdelay $0x1  }
0x183: {  	v51 =	vmul.f32 v47, v30;
	v0 =	vadd.f32 v50, v32;
	_ =	sdelay $0x1  }
0x184: {  	v57 =	vld [tilespmem:$0x1FF70];
	v0 =	vadd.f32 v51, v0  }
0x185: {  	v52, v2, _ =	vpop (xrf1)  }
0x186: {  	v55 =	vand.u32 $0x7FFFFFFF, v0;
	v54, v53, _ =	vpop (xrf1)  }
0x187: {  	v0 =	vmul.f32 v55, v0;
	v3 =	vperm.xlane v54, v17  }
0x188: {  	v56 =	vpop (erf);
	v4 =	vperm.xlane v53, v17  }
0x189: {  	v5 =	vor.u32 s24, v57;
	v0 =	vmul.f32 v56, v0;
	vm8 =	vge.f32 v52, v3  }
0x18a: {  	v1 =	vsel vm8, v52, v3;
	v2 =	vsel vm8, v2, v4;
	vm8 =	vlt.u32 v5, $0x186A0  }
0x18b: {  	(xrf1) =	vsort.dscd.msk.f32 $0xffff, v1, v2;
	v0 =	vnsel vm8, $0xFF61B1E6, v0  }
0x18c: {  	(xrf1) =	vsort.dscd.msk.f32 $0xffff, v0, v5;
	_ =	sdelay $0xc  }
0x18d: {  	v58, v1, _ =	vpop (xrf1)  }
0x18e: {  	v60, v59, _ =	vpop (xrf1)  }
0x18f: {  	v2 =	vperm.xlane v60, v17  }
0x190: {  	v3 =	vperm.xlane v59, v17  }
0x191: {  	vm8 =	vge.f32 v58, v2  }
0x192: {  	v0 =	vsel vm8, v58, v2;
	v1 =	vsel vm8, v1, v3  }
0x193: {  	(xrf1) =	vsort.dscd.msk.f32 $0xffff, v0, v1;
	_ =	sdelay $0x8  }
0x194: {  	p0 =	seq.s32 s22, $0xB  }
.Ltmp3:
0x195: {  	_ = 	snop;
	(pc) =	sbr.rel @p0 .LBB2_10-.Ltmp3, $2  }
0x196: {  	_ =	sdelay $0x2  }
0x197: {  	v60 =	vlaneseq.u32;
	v59, v58, _ =	vpop (xrf1)  }
0x198: {  	s23 =	sadd.s32 s9, s23  }
0x199: {  	s23 =	smin.u32 s23, $0x30D  }
.Ltmp4:
0x19a: {  	s23 =	sshll.u32 s23, $0x7;
	(pc) =	sbr.rel .LBB2_4-.Ltmp4, $4  }
0x19b: {  	s23 =	smin.u32 s23, $0x18620  }
0x19c: {  	[tilespmem:$0x1FEB0] =	vst v59;
	v18 =	vld [tilespmem:$0x1FFD0];
	s23 =	sshll.u32 s23, $0x4  }
0x19d: {  	[tilespmem:$0x1FEC0] =	vst v58;
	s22 =	sadd.s32 $0x1, s22;
	v16 =	vld [tilespmem:$0x1FFF0];
	s23 =	sadd.s32 s2, s23  }
0x19e: {  	v0 =	vld [tilespmem:$0x1FFE0];
	[tilespmem:s15], [sflag:$0x2] =	stream.linear.gather [hbm4b:s23+s5], $0x4000, $0x38  }
.LBB2_10:
0x19f: {  	_ =	swait.ge [sflag:s16], $0x4000  }
0x1a0: {  	s21 =	simm.s32 $0x1;
	v57 =	vld [tilespmem:$0x1FFF0]  }
0x1a1: {  	s31 =	simm.s32 $0x0;
	v0 =	vadd.s32 s21, v60;
	v18 =	vld [tilespmem:$0x1FFD0]  }
0x1a2: {  	v1 =	vadd.s32 s31, v60;
	v0 =	vand.u32 $0x7F, v0  }
0x1a3: {  	v4 =	vand.u32 $0x7F, v1;
	v2 =	vor.u32 v20, v0  }
0x1a4: {  	[sflag:s16] =	ssyncset.done $0x0;
	v9 =	vor.u32 v23, v4  }
0x1a5: {  	s21 =	simm.s32 $0x8090;
	v56 =	vld [tilespmem:$0x1FFE0];
	[sflag:s16] =	ssyncadd.s32 $0xFFFFC000;
	v3 =	vor.u32 v57, v0  }
0x1a6: {  	v1 =	vld [tilespmem:s21+$0xFFFFFFF0];
	v5 =	vor.u32 v18, v4  }
0x1a7: {  	v27 =	vld [tilespmem:s21+$0x0];
	v6 =	vor.u32 v57, v4  }
0x1a8: {  	v7 =	vor.u32 v21, v0;
	v8 =	vld.idx.msk [tilespmem:v2+s5+$0x0], $0xffff  }
0x1a9: {  	v34 =	vimm.f32 $0.0e+00;
	v28 =	vimm.f32 $0.0e+00;
	v13 =	vld.idx.msk [tilespmem:v9+s5+$0x0], $0xffff  }
0x1aa: {  	v14 =	vimm.f32 $0.0e+00;
	v33 =	vimm.f32 $0.0e+00;
	v10 =	vor.u32 v18, v0;
	v2 =	vld.idx.msk [tilespmem:v3+s5+$0x0], $0xffff  }
0x1ab: {  	v29 =	vimm.f32 $0.0e+00;
	v37 =	vimm.f32 $0.0e+00;
	v11 =	vor.u32 v19, v4;
	v3 =	vld.idx.msk [tilespmem:v5+s5+$0x0], $0xffff  }
0x1ac: {  	v36 =	vimm.f32 $0.0e+00;
	v25 =	vimm.f32 $0.0e+00;
	v16 =	vor.u32 v20, v4;
	v6 =	vld.idx.msk [tilespmem:v6+s5+$0x0], $0xffff  }
0x1ad: {  	v12 =	vor.u32 v21, v4;
	v30 =	vor.u32 v22, v4;
	v32 =	vld.idx.msk [tilespmem:v7+s5+$0x0], $0xffff;
	v7 =	vor.u32 v19, v0  }
0x1ae: {  	v26 =	vor.u32 v56, v0;
	v9 =	vor.u32 v23, v0;
	v5 =	vmul.f32 v8, v27  }
0x1af: {  	v0 =	vor.u32 v22, v0;
	v43 =	vld.idx.msk [tilespmem:v10+s5+$0x0], $0xffff;
	v10 =	vmul.f32 v13, v1;
	v41 =	vmul.f32 v2, v27  }
0x1b0: {  	v35 =	vor.u32 v56, v4;
	v39 =	vld.idx.msk [tilespmem:v11+s5+$0x0], $0xffff;
	v40 =	vmul.f32 v2, v2;
	v2 =	vmul.f32 v3, v1  }
0x1b1: {  	v11 =	vimm.f32 $0.0e+00;
	v38 =	vld.idx.msk [tilespmem:v16+s5+$0x0], $0xffff;
	v4 =	vmul.f32 v6, v1;
	v6 =	vmul.f32 v6, v6  }
0x1b2: {  	v31 =	vld.idx.msk [tilespmem:v7+s5+$0x0], $0xffff;
	v7 =	vimm.f32 $0.0e+00;
	v46 =	vmul.f32 v3, v3;
	v45 =	vadd.f32 v2, v34  }
0x1b3: {  	v3 =	vmul.f32 v32, v27;
	v44 =	vadd.f32 v4, v34;
	v42 =	vadd.f32 v6, v34;
	v6 =	vld.idx.msk [tilespmem:v9+s5+$0x0], $0xffff  }
0x1b4: {  	s22 =	simm.s32 $0x2;
	v15 =	vld.idx.msk [tilespmem:v0+s5+$0x0], $0xffff;
	v2 =	vimm.f32 $0.0e+00;
	v4 =	vimm.f32 $0.0e+00;
	v9 =	vimm.f32 $0.0e+00  }
.LBB2_11:
0x1b5: {  	p0 =	sne.s32 s22, $0x7E;
	v0 =	vadd.f32 v46, v34  }
0x1b6: {  	v12 =	vld.idx.msk [tilespmem:v12+s5+$0x0], $0xffff;
	v13 =	vmul.f32 v13, v13;
	v16 =	vmul.f32 v43, v43;
	s21 =	sadd.s32 $0x20, s21;
	v17 =	vmov v1;
	s23 =	smov.u32 s22;
	s22 =	sadd.s32 $0x2, s22  }
0x1b7: {  	v1 =	vld.idx.msk [tilespmem:v26+s5+$0x0], $0xffff;
	v24 =	vadd.f32 v41, v44;
	v41 =	vmul.f32 v31, v27;
	v44 =	vmul.f32 v8, v8  }
0x1b8: {  	v26 =	vmul.f32 v43, v27;
	v43 =	vmul.f32 v6, v27;
	v8 =	vld.idx.msk [tilespmem:v30+s5+$0x0], $0xffff;
	v13 =	vadd.f32 v13, v28  }
0x1b9: {  	v34 =	vadd.f32 v16, v0;
	v0 =	vadd.f32 v40, v42;
	v16 =	vmul.f32 v32, v32  }
0x1ba: {  	v2 =	vadd.f32 v10, v2;
	v6 =	vmul.f32 v6, v6;
	v10 =	vmul.f32 v15, v27  }
0x1bb: {  	v40 =	vmul.f32 v39, v39;
	v42 =	vadd.f32 v26, v45;
	v32 =	vmul.f32 v38, v38;
	v30 =	vld.idx.msk [tilespmem:v35+s5+$0x0], $0xffff  }
0x1bc: {  	s24 =	sadd.s32 $0x1, s23;
	v38 =	vmul.f32 v38, v17;
	v28 =	vadd.f32 v6, v13;
	v35 =	vmul.f32 v39, v17  }
0x1bd: {  	v6 =	vadd.s32 s24, v60;
	v13 =	vmul.f32 v12, v12;
	v39 =	vmul.f32 v1, v27  }
0x1be: {  	v6 =	vand.u32 $0x7F, v6;
	v45 =	vmul.f32 v1, v1;
	v27 =	vmul.f32 v8, v8  }
0x1bf: {  	v26 =	vor.u32 v56, v6;
	v46 =	vor.u32 v57, v6;
	v47 =	vor.u32 v20, v6  }
0x1c0: {  	v48 =	vor.u32 v21, v6;
	v33 =	vadd.f32 v32, v33;
	v14 =	vadd.f32 v35, v14  }
0x1c1: {  	v1 =	vadd.s32 s23, v60;
	v7 =	vadd.f32 v27, v7;
	v49 =	vmul.f32 v30, v17  }
0x1c2: {  	v15 =	vmul.f32 v15, v15;
	v32 =	vand.u32 $0x7F, v1;
	v50 =	vmul.f32 v30, v30  }
0x1c3: {  	v51 =	vmul.f32 v12, v17;
	v35 =	vor.u32 v56, v32;
	v30 =	vor.u32 v18, v32  }
0x1c4: {  	v29 =	vadd.f32 v38, v29;
	v52 =	vor.u32 v57, v32;
	v53 =	vor.u32 v19, v32;
	v1 =	vld [tilespmem:s21+$0xFFFFFFF0]  }
0x1c5: {  	v38 =	vor.u32 v20, v32;
	v12 =	vor.u32 v21, v32;
	v17 =	vmul.f32 v8, v17;
	v27 =	vld [tilespmem:s21+$0x0]  }
0x1c6: {  	v55 =	vor.u32 v18, v6;
	v4 =	vadd.f32 v51, v4;
	v54 =	vor.u32 v23, v32;
	v8 =	vld.idx.msk [tilespmem:v47+s5+$0x0], $0xffff  }
0x1c7: {  	v9 =	vadd.f32 v13, v9;
	v11 =	vadd.f32 v17, v11;
	v47 =	vor.u32 v23, v6;
	v46 =	vld.idx.msk [tilespmem:v46+s5+$0x0], $0xffff  }
0x1c8: {  	v51 =	vor.u32 v19, v6;
	v14 =	vadd.f32 v41, v14;
	v7 =	vadd.f32 v15, v7;
	v17 =	vld.idx.msk [tilespmem:v30+s5+$0x0], $0xffff  }
0x1c9: {  	v29 =	vadd.f32 v5, v29;
	v9 =	vadd.f32 v16, v9;
	v30 =	vor.u32 v22, v32;
	v15 =	vld.idx.msk [tilespmem:v52+s5+$0x0], $0xffff  }
0x1ca: {  	v2 =	vadd.f32 v43, v2;
	v16 =	vadd.f32 v50, v37;
	v32 =	vld.idx.msk [tilespmem:v48+s5+$0x0], $0xffff;
	v48 =	vmul.f32 v31, v31  }
0x1cb: {  	v25 =	vadd.f32 v40, v25;
	v50 =	vor.u32 v22, v6;
	v6 =	vadd.f32 v49, v36;
	v13 =	vld.idx.msk [tilespmem:v54+s5+$0x0], $0xffff  }
0x1cc: {  	v33 =	vadd.f32 v44, v33;
	v4 =	vadd.f32 v3, v4;
	v5 =	vmul.f32 v8, v27;
	v43 =	vld.idx.msk [tilespmem:v55+s5+$0x0], $0xffff  }
.Ltmp5:
0x1cd: {  	v36 =	vadd.f32 v39, v6;
	v41 =	vmul.f32 v46, v27;
	v40 =	vmul.f32 v46, v46;
	v31 =	vld.idx.msk [tilespmem:v51+s5+$0x0], $0xffff;
	(pc) =	sbr.rel @p0 .LBB2_11-.Ltmp5, $4  }
0x1ce: {  	v37 =	vadd.f32 v45, v16;
	v3 =	vmul.f32 v17, v1;
	v46 =	vmul.f32 v17, v17;
	v6 =	vld.idx.msk [tilespmem:v47+s5+$0x0], $0xffff  }
0x1cf: {  	v25 =	vadd.f32 v48, v25;
	v16 =	vmul.f32 v15, v1;
	v17 =	vmul.f32 v15, v15;
	v39 =	vld.idx.msk [tilespmem:v53+s5+$0x0], $0xffff  }
0x1d0: {  	v11 =	vadd.f32 v10, v11;
	v45 =	vadd.f32 v3, v42;
	v3 =	vmul.f32 v32, v27;
	v15 =	vld.idx.msk [tilespmem:v50+s5+$0x0], $0xffff  }
0x1d1: {  	v44 =	vadd.f32 v16, v24;
	v42 =	vadd.f32 v17, v0;
	v10 =	vmul.f32 v13, v1;
	v38 =	vld.idx.msk [tilespmem:v38+s5+$0x0], $0xffff  }
0x1d2: {  	v0 =	vadd.f32 v46, v34;
	v16 =	vmul.f32 v43, v43;
	_ =	sdelay $0x1  }
0x1d3: {  	v0 =	vadd.f32 v16, v0;
	_ =	sdelay $0x1  }
0x1d4: {  	(erf) = vrcp.f32 v0;
	_ =	sdelay $0x2  }
0x1d5: {  	v0 =	vmul.f32 v43, v27;
	_ =	sdelay $0x1  }
0x1d6: {  	v0 =	vadd.f32 v0, v45;
	_ =	sdelay $0x1  }
0x1d7: {  	v16 =	vand.u32 $0x7FFFFFFF, v0  }
0x1d8: {  	v18 =	vld [tilespmem:$0x1FED0];
	v0 =	vmul.f32 v16, v0  }
0x1d9: {  	v17 =	vpop (erf)  }
0x1da: {  	v0 =	vmul.f32 v17, v0  }
0x1db: {  	v16 =	vld.idx.msk [tilespmem:v35+s5+$0x0], $0xffff  }
0x1dc: {  	v0 =	vnsel vm0, $0xFF61B1E6, v0  }
0x1dd: {  	v17 =	vld.idx.msk [tilespmem:v26+s5+$0x0], $0xffff;
	(xrf1) =	vsort.dscd.msk.f32 $0xffff, v0, v18;
	_ =	sdelay $0x2  }
0x1de: {  	v0 =	vmul.f32 v16, v16;
	_ =	sdelay $0x1  }
0x1df: {  	v24 =	vmul.f32 v17, v17;
	v0 =	vadd.f32 v0, v37;
	_ =	sdelay $0x1  }
0x1e0: {  	v0 =	vadd.f32 v24, v0;
	_ =	sdelay $0x1  }
0x1e1: {  	(erf) = vrcp.f32 v0  }
0x1e2: {  	v35 =	vld [tilespmem:$0x1FF90];
	v0 =	vmul.f32 v16, v1;
	v16 =	vmul.f32 v17, v27;
	_ =	sdelay $0x1  }
0x1e3: {  	v0 =	vadd.f32 v0, v36;
	_ =	sdelay $0x1  }
0x1e4: {  	v0 =	vadd.f32 v16, v0;
	v16, v17, _ =	vpop (xrf1)  }
0x1e5: {  	v16 =	vperm.xlane v16, v35  }
0x1e6: {  	v17 =	vperm.xlane v17, v35  }
0x1e7: {  	vm8 =	vge.f32 v59, v16  }
0x1e8: {  	v52 =	vand.u32 $0x7FFFFFFF, v0;
	v16 =	vsel vm8, v59, v16;
	v17 =	vsel vm8, v58, v17  }
0x1e9: {  	v0 =	vmul.f32 v52, v0;
	(xrf1) =	vsort.dscd.msk.f32 $0xffff, v16, v17;
	v16 =	vld [tilespmem:$0x1FEE0]  }
0x1ea: {  	v53 =	vpop (erf)  }
0x1eb: {  	v0 =	vmul.f32 v53, v0;
	_ =	sdelay $0x1  }
0x1ec: {  	v0 =	vnsel vm1, $0xFF61B1E6, v0  }
0x1ed: {  	(xrf1) =	vsort.dscd.msk.f32 $0xffff, v0, v16;
	_ =	sdelay $0x8  }
0x1ee: {  	v0 =	vadd.f32 v40, v42;
	_ =	sdelay $0x1  }
0x1ef: {  	(erf) = vrcp.f32 v0;
	_ =	sdelay $0x1  }
0x1f0: {  	v16, v17, _ =	vpop (xrf1)  }
0x1f1: {  	v55, v54, _ =	vpop (xrf1)  }
0x1f2: {  	v24 =	vperm.xlane v55, v35  }
0x1f3: {  	v0 =	vadd.f32 v41, v44;
	v26 =	vperm.xlane v54, v35  }
0x1f4: {  	vm8 =	vge.f32 v16, v24  }
0x1f5: {  	v58 =	vand.u32 $0x7FFFFFFF, v0;
	v16 =	vsel vm8, v16, v24;
	v17 =	vsel vm8, v17, v26  }
0x1f6: {  	v0 =	vmul.f32 v58, v0;
	(xrf1) =	vsort.dscd.msk.f32 $0xffff, v16, v17;
	v16 =	vld [tilespmem:$0x1FEF0]  }
0x1f7: {  	v59 =	vpop (erf)  }
0x1f8: {  	v0 =	vmul.f32 v59, v0;
	_ =	sdelay $0x1  }
0x1f9: {  	v0 =	vnsel vm2, $0xFF61B1E6, v0  }
0x1fa: {  	(xrf1) =	vsort.dscd.msk.f32 $0xffff, v0, v16  }
0x1fb: {  	v0 =	vmul.f32 v39, v39;
	_ =	sdelay $0x1  }
0x1fc: {  	v16 =	vmul.f32 v31, v31;
	v0 =	vadd.f32 v0, v25;
	_ =	sdelay $0x1  }
0x1fd: {  	v0 =	vadd.f32 v16, v0;
	_ =	sdelay $0x1  }
0x1fe: {  	(erf) = vrcp.f32 v0  }
0x1ff: {  	v16 =	vmul.f32 v31, v27;
	v0 =	vmul.f32 v39, v1;
	_ =	sdelay $0x1  }
0x200: {  	v0 =	vadd.f32 v0, v14;
	_ =	sdelay $0x1  }
0x201: {  	v0 =	vadd.f32 v16, v0  }
0x202: {  	v34, v16, _ =	vpop (xrf1)  }
0x203: {  	v37 =	vand.u32 $0x7FFFFFFF, v0;
	v17, v36, _ =	vpop (xrf1)  }
0x204: {  	v40 =	vld [tilespmem:$0x1FF10];
	v0 =	vmul.f32 v37, v0;
	v17 =	vperm.xlane v17, v35  }
0x205: {  	v24 =	vperm.xlane v36, v35;
	v39 =	vpop (erf)  }
0x206: {  	v0 =	vmul.f32 v39, v0;
	vm8 =	vge.f32 v34, v17  }
0x207: {  	v14 =	vsel vm8, v34, v17;
	v16 =	vsel vm8, v16, v24  }
0x208: {  	v0 =	vnsel vm3, $0xFF61B1E6, v0;
	(xrf1) =	vsort.dscd.msk.f32 $0xffff, v14, v16  }
0x209: {  	(xrf1) =	vsort.dscd.msk.f32 $0xffff, v0, v40  }
0x20a: {  	v0 =	vmul.f32 v38, v38;
	_ =	sdelay $0x1  }
0x20b: {  	v8 =	vmul.f32 v8, v8;
	v0 =	vadd.f32 v0, v33;
	_ =	sdelay $0x1  }
0x20c: {  	v0 =	vadd.f32 v8, v0;
	_ =	sdelay $0x1  }
0x20d: {  	(erf) = vrcp.f32 v0;
	v0 =	vmul.f32 v38, v1;
	_ =	sdelay $0x1  }
0x20e: {  	v0 =	vadd.f32 v0, v29;
	_ =	sdelay $0x1  }
0x20f: {  	v0 =	vadd.f32 v5, v0;
	_ =	sdelay $0x1  }
0x210: {  	v17 =	vand.u32 $0x7FFFFFFF, v0;
	v42, v41, _ =	vpop (xrf1)  }
0x211: {  	v14, v16, _ =	vpop (xrf1)  }
0x212: {  	v43 =	vld [tilespmem:$0x1FF20];
	v0 =	vmul.f32 v17, v0;
	v14 =	vperm.xlane v14, v35  }
0x213: {  	v16 =	vperm.xlane v16, v35;
	v17 =	vpop (erf)  }
0x214: {  	v0 =	vmul.f32 v17, v0;
	vm8 =	vge.f32 v42, v14  }
0x215: {  	v12 =	vld.idx.msk [tilespmem:v12+s5+$0x0], $0xffff;
	v5 =	vsel vm8, v42, v14;
	v8 =	vsel vm8, v41, v16  }
0x216: {  	v0 =	vnsel vm4, $0xFF61B1E6, v0;
	(xrf1) =	vsort.dscd.msk.f32 $0xffff, v5, v8  }
0x217: {  	(xrf1) =	vsort.dscd.msk.f32 $0xffff, v0, v43;
	_ =	sdelay $0x2  }
0x218: {  	v0 =	vmul.f32 v12, v12;
	_ =	sdelay $0x1  }
0x219: {  	v44 =	vmul.f32 v32, v32;
	v0 =	vadd.f32 v0, v9;
	_ =	sdelay $0x1  }
0x21a: {  	v0 =	vadd.f32 v44, v0;
	_ =	sdelay $0x1  }
0x21b: {  	(erf) = vrcp.f32 v0;
	v0 =	vmul.f32 v12, v1;
	_ =	sdelay $0x1  }
0x21c: {  	v0 =	vadd.f32 v0, v4;
	_ =	sdelay $0x1  }
0x21d: {  	v0 =	vadd.f32 v3, v0;
	v3, v45, _ =	vpop (xrf1)  }
0x21e: {  	v47, v46, _ =	vpop (xrf1)  }
0x21f: {  	v5 =	vperm.xlane v47, v35  }
0x220: {  	v8 =	vperm.xlane v46, v35  }
0x221: {  	vm8 =	vge.f32 v3, v5  }
0x222: {  	v48 =	vand.u32 $0x7FFFFFFF, v0;
	v3 =	vsel vm8, v3, v5;
	v4 =	vsel vm8, v45, v8  }
0x223: {  	v0 =	vmul.f32 v48, v0;
	(xrf1) =	vsort.dscd.msk.f32 $0xffff, v3, v4;
	v3 =	vld [tilespmem:$0x1FF40]  }
0x224: {  	v50 =	vpop (erf)  }
0x225: {  	v49 =	vld.idx.msk [tilespmem:v30+s5+$0x0], $0xffff;
	v0 =	vmul.f32 v50, v0;
	_ =	sdelay $0x1  }
0x226: {  	v0 =	vnsel vm5, $0xFF61B1E6, v0  }
0x227: {  	(xrf1) =	vsort.dscd.msk.f32 $0xffff, v0, v3;
	_ =	sdelay $0x1  }
0x228: {  	v0 =	vmul.f32 v49, v49;
	_ =	sdelay $0x1  }
0x229: {  	v3 =	vmul.f32 v15, v15;
	v0 =	vadd.f32 v0, v7;
	_ =	sdelay $0x1  }
0x22a: {  	v0 =	vadd.f32 v3, v0;
	_ =	sdelay $0x1  }
0x22b: {  	(erf) = vrcp.f32 v0  }
0x22c: {  	v0 =	vmul.f32 v49, v1;
	v1 =	vmul.f32 v15, v27;
	_ =	sdelay $0x1  }
0x22d: {  	v0 =	vadd.f32 v0, v11;
	_ =	sdelay $0x1  }
0x22e: {  	v0 =	vadd.f32 v1, v0;
	v1, v3, _ =	vpop (xrf1)  }
0x22f: {  	v52, v51, _ =	vpop (xrf1)  }
0x230: {  	v4 =	vperm.xlane v52, v35  }
0x231: {  	v5 =	vperm.xlane v51, v35  }
0x232: {  	vm8 =	vge.f32 v1, v4  }
0x233: {  	v53 =	vand.u32 $0x7FFFFFFF, v0;
	v1 =	vsel vm8, v1, v4;
	v3 =	vsel vm8, v3, v5  }
0x234: {  	v0 =	vmul.f32 v53, v0;
	(xrf1) =	vsort.dscd.msk.f32 $0xffff, v1, v3;
	v1 =	vld [tilespmem:$0x1FF60]  }
0x235: {  	v54 =	vpop (erf)  }
0x236: {  	v0 =	vmul.f32 v54, v0;
	_ =	sdelay $0x1  }
0x237: {  	v0 =	vnsel vm6, $0xFF61B1E6, v0  }
0x238: {  	(xrf1) =	vsort.dscd.msk.f32 $0xffff, v0, v1;
	_ =	sdelay $0x4  }
0x239: {  	v0 =	vmul.f32 v13, v13;
	_ =	sdelay $0x1  }
0x23a: {  	v1 =	vmul.f32 v6, v6;
	v0 =	vadd.f32 v0, v28;
	_ =	sdelay $0x1  }
0x23b: {  	v0 =	vadd.f32 v1, v0;
	v1 =	vadd.f32 v10, v2;
	_ =	sdelay $0x1  }
0x23c: {  	(erf) = vrcp.f32 v0;
	v0 =	vmul.f32 v6, v27;
	_ =	sdelay $0x1  }
0x23d: {  	v0 =	vadd.f32 v0, v1;
	v1, v2, _ =	vpop (xrf1)  }
0x23e: {  	v3, v55, _ =	vpop (xrf1)  }
0x23f: {  	v3 =	vperm.xlane v3, v35  }
0x240: {  	v4 =	vperm.xlane v55, v35  }
0x241: {  	vm8 =	vge.f32 v1, v3  }
0x242: {  	v58 =	vand.u32 $0x7FFFFFFF, v0;
	v1 =	vsel vm8, v1, v3;
	v2 =	vsel vm8, v2, v4  }
0x243: {  	v0 =	vmul.f32 v58, v0;
	(xrf1) =	vsort.dscd.msk.f32 $0xffff, v1, v2;
	v1 =	vld [tilespmem:$0x1FF80]  }
0x244: {  	v59 =	vpop (erf)  }
0x245: {  	v0 =	vmul.f32 v59, v0;
	_ =	sdelay $0x1  }
0x246: {  	v0 =	vnsel vm7, $0xFF61B1E6, v0  }
0x247: {  	(xrf1) =	vsort.dscd.msk.f32 $0xffff, v0, v1;
	_ =	sdelay $0xc  }
0x248: {  	v0, v1, _ =	vpop (xrf1)  }
0x249: {  	v2, v3, _ =	vpop (xrf1)  }
0x24a: {  	v2 =	vperm.xlane v2, v35  }
0x24b: {  	v3 =	vperm.xlane v3, v35  }
0x24c: {  	vm8 =	vge.f32 v0, v2  }
0x24d: {  	v0 =	vsel vm8, v0, v2;
	v1 =	vsel vm8, v1, v3  }
0x24e: {  	(xrf1) =	vsort.dscd.msk.f32 $0xffff, v0, v1;
	_ =	sdelay $0xd  }
0x24f: {  	v0, v1, _ =	vpop (xrf1)  }
0x250: {  	[tilespmem:$0x8880] =	vst v0  }
0x251: {  	[tilespmem:$0x8900] =	vst v1  }
0x252: {  	[hbm4b:s10+s5] =	stream.linear.scatter [tilespmem:s18], [sflag:$0x3], $0x10, $0x38;
	[tilespmem:$0x8980] =	vst v63  }
0x253: {  	s20 =	sadd.s32 $0x1, s20;
	v18 =	vld [tilespmem:$0x1FFD0];
	_ =	swait.ge [sflag:s14], $0x10  }
0x254: {  	p0 =	sne.s32 s20, s12;
	[sflag:s14] =	ssyncset.done $0x0  }
.Ltmp6:
0x255: {  	[sflag:s14] =	ssyncadd.s32 $0xFFFFFFF0;
	(pc) =	sbr.rel @p0 .LBB2_1-.Ltmp6, $4  }
0x256: {  	[hbm4b:s11+s5] =	stream.linear.scatter [tilespmem:s19], [sflag:$0x3], $0x10, $0x38;
	[tilespmem:$0x8980] =	vst v63  }
0x257: {  	_ =	swait.ge [sflag:s14], $0x10  }
0x258: {  	[sflag:s14] =	ssyncset.done $0x0  }
0x259: {  	v16 =	vmov v57;
	v0 =	vmov v56;
	[sflag:s14] =	ssyncadd.s32 $0xFFFFFFF0  }
0x25a: {  	_ =	sfence.sel $0x180000  }
0x25b: {  	[bflag:$0x0] =	sbarrier.arrive $0xFFFF  }
0x25c: {  	p0 =	sne.s32 s0, $0x0;
	_ =	strace $0x90000047  }
0x25d: {  	s0 =	sadd.s32 @!p0 $0x100000, s4;
	[bflag:$0x2] =	sbarrier.arrive $0xFFFF  }
0x25e: {  	[sflag:s0] =	ssyncadd.tile.s32 @!p0 $0x1;
	_ =	shalt  }
.Lfunc_end2:
_tile_overlayer_lowered:
.L_overlay_start_2:
0x25f: {  	(tag) =	ssettag $0x2  }
0x260: {  	s0 =	rddreg [dreg:$0x0];
	s2 =	stileid.u32  }
0x261: {  	s1 =	rddreg [dreg:$0x1];
	p0 =	sne.s32 s2, $0x0  }
0x262: {  	s3 =	rddreg [dreg:$0x2];
	[bflag:$0x3] =	sbarrier.arrive $0xFFFF;
	s2 =	simm.s32 @!p0 $0x1C03  }
0x263: {  	[timem:s3], [sflag:s2] =	dma.local @!p0 [hbm:s0], s1  }
0x264: {  	s0 =	simm.s32 @!p0 $0x3  }
0x265: {  	_ =	swait.ge @!p0 [sflag:s0], s1  }
0x266: {  	s1 =	ssub.s32 @!p0 $0x0, s1;
	[sflag:s0] =	ssyncset.done @!p0 $0x0  }
0x267: {  	[sflag:s0] =	ssyncadd.s32 @!p0 s1  }
0x268: {  	[bflag:$0x3] =	sbarrier.arrive $0xFFFF  }
0x269: {  	_ =	shalt  }

// kernel: kernel.9.cloned.1.call-start
scs
__scs_entry_jumppad:
0x0: {  	(pc) =	sbr.rel $0x88, $3  }
0x1: {  	(tag) =	ssettag $0x0;
	lr =	simm.s32 $0x1  }
0x2: {  	[smem:$0x3F98] =	sst lr;
	_ =	strace $0xD0000000  }
0x3: {  	_ = 	snop  }
0x4: {  	_ = 	snop  }
0x5: {  	_ = 	snop  }
0x6: {  	_ = 	snop  }
0x7: {  	_ = 	snop  }
__scs_overlays_trampoline_lowered:
0x8: {  	[smem:$0x3FA7] =	sst s0  }
0x9: {  	[smem:$0x3FA8] =	sst s1  }
0xa: {  	[smem:$0x3FA9] =	sst s2  }
0xb: {  	[smem:$0x3FAA] =	sst s3  }
0xc: {  	[smem:$0x3FAB] =	sst s4  }
0xd: {  	[smem:$0x3FAC] =	sst s5  }
0xe: {  	[smem:$0x3FAD] =	sst s6  }
0xf: {  	[smem:$0x3FAE] =	sst s7  }
0x10: {  	[smem:$0x3FAF] =	sst s8  }
0x11: {  	[smem:$0x3FB0] =	sst s9;
	s0 =	simm.s32 @!p0 $0x0  }
0x12: {  	s1 =	sld [smem:$0x3F96];
	s0 =	simm.s32 @p0 $0x1  }
0x13: {  	[smem:$0x3FB1] =	sst s0;
	s0 =	simm.s32 @!p1 $0x0  }
0x14: {  	s2 =	sld [smem:$0x3F95];
	s0 =	simm.s32 @p1 $0x1  }
0x15: {  	[smem:$0x3FB2] =	sst s0;
	s0 =	simm.s32 @!p2 $0x0  }
0x16: {  	s3 =	sld [smem:$0x3FDB];
	s0 =	simm.s32 @p2 $0x1  }
0x17: {  	s4 =	simm.s32 $0x1BF5;
	[smem:$0x3FB4] =	sst s0  }
0x18: {  	s0 =	sld [smem:$0x3F97];
	_ =	swait.ge [sflag:s4], $0x0  }
0x19: {  	s7 =	sld [smem:$0x3F98]  }
0x1a: {  	s8 =	sadd.s32 $0xFFFFE003, lr  }
0x1b: {  	s9 =	sadd.s32 $0xFFFFFEF7, lr;
	s5 =	simm.s32 $0xFFFFFFFF;
	p2 =	slt.u32 s8, $0xFFFFF086  }
0x1c: {  	p1 =	slt.u32 s9, $0xF7A;
	s5 =	simm.s32 @!p2 $0x0  }
0x1d: {  	s5 =	simm.s32 @p1 $0x1;
	p0 =	seq.s32 s7, s2  }
0x1e: {  	s7 =	smul.u32 @!p0 $0xF7A, s2;
	p2 =	seq.s32 @!p0 s5, $0x0  }
0x1f: {  	s9 =	smul.u32 $0xF7A, s1;
	s8 =	simm.s32 @!p0 $0x1BF5;
	p2 =	por !p2, p0  }
0x20: {  	[sflag:s8] =	ssyncset.s32 @!p0 $0xFFFFF086;
	s6 =	sadd.s32 @!p0 s3, s7;
	s7 =	simm.s32 @!p0 $0x108  }
0x21: {  	s3 =	sadd.s32 s3, s9;
	s6 =	sadd.s32 @!p0 $0x88, s6;
	s7 =	simm.s32 @p2 $0x1082  }
0x22: {  	[simem:s7], [sflag:s8] =	dma.local @!p0 [hbm:s6], $0xF7A  }
0x23: {  	s9 =	sor.u32 $0xD0000000, s2;
	s6 =	simm.s32 $0x108;
	_ =	swait.ge @!p0 [sflag:s8], $0x0  }
0x24: {  	s3 =	sadd.s32 $0x88, s3;
	s6 =	simm.s32 @!p1 $0x1082;
	[sflag:s4] =	ssyncset.s32 $0xFFFFF086  }
0x25: {  	[simem:s6], [sflag:s4] =	dma.local [hbm:s3], $0xF7A  }
0x26: {  	[smem:$0x3F98] =	sst s1;
	(tag) =	ssettag s2;
	_ =	strace s9  }
0x27: {  	s1 =	sld [smem:$0x3FA8]  }
0x28: {  	s2 =	sld [smem:$0x3FA9]  }
0x29: {  	s4 =	sld [smem:$0x3FAB]  }
0x2a: {  	p0 =	seq.s32 s5, $0x0;
	s5 =	sld [smem:$0x3FAC]  }
0x2b: {  	s6 =	sld [smem:$0x3FAD]  }
0x2c: {  	s7 =	sld [smem:$0x3FAE]  }
0x2d: {  	s3 =	simm.s32 $0x108;
	s8 =	sld [smem:$0x3FAF]  }
0x2e: {  	s3 =	simm.s32 @!p0 $0x1082;
	s9 =	sld [smem:$0x3FB0]  }
0x2f: {  	lr =	sadd.s32 s0, s3;
	s0 =	sld [smem:$0x3FA7]  }
0x30: {  	s3 =	sld [smem:$0x3FAA]  }
0x31: {  	[smem:$0x3FB3] =	sst s10  }
0x32: {  	s10 =	sld [smem:$0x3FB1];
	_ =	sdelay $0x3  }
0x33: {  	p0 =	seq.s32 s10, $0x1;
	s10 =	sld [smem:$0x3FB3];
	_ =	sdelay $0x3  }
0x34: {  	[smem:$0x3FB3] =	sst s10  }
0x35: {  	s10 =	sld [smem:$0x3FB2];
	_ =	sdelay $0x3  }
0x36: {  	p1 =	seq.s32 s10, $0x1;
	s10 =	sld [smem:$0x3FB3];
	_ =	sdelay $0x3  }
0x37: {  	[smem:$0x3FB3] =	sst s10  }
0x38: {  	s10 =	sld [smem:$0x3FB4]  }
0x39: {  	_ = 	snop;
	(pc) =	sbr.ind lr, $3  }
0x3a: {  	_ = 	snop  }
0x3b: {  	_ = 	snop  }
0x3c: {  	p2 =	seq.s32 s10, $0x1;
	s10 =	sld [smem:$0x3FB3]  }
0x3d: {  	_ =	shalt  }
0x3e: {  	_ =	shalt  }
0x3f: {  	_ =	shalt  }
0x40: {  	_ =	shalt  }
0x41: {  	_ =	shalt  }
0x42: {  	_ =	shalt  }
0x43: {  	_ =	shalt  }
0x44: {  	_ =	shalt  }
0x45: {  	_ =	shalt  }
0x46: {  	_ =	shalt  }
0x47: {  	_ =	shalt  }
0x48: {  	_ =	shalt  }
0x49: {  	_ =	shalt  }
0x4a: {  	_ =	shalt  }
0x4b: {  	_ =	shalt  }
0x4c: {  	_ =	shalt  }
0x4d: {  	_ =	shalt  }
0x4e: {  	_ =	shalt  }
0x4f: {  	_ =	shalt  }
0x50: {  	_ =	shalt  }
0x51: {  	_ =	shalt  }
0x52: {  	_ =	shalt  }
0x53: {  	_ =	shalt  }
0x54: {  	_ =	shalt  }
0x55: {  	_ =	shalt  }
0x56: {  	_ =	shalt  }
0x57: {  	_ =	shalt  }
0x58: {  	_ =	shalt  }
0x59: {  	_ =	shalt  }
0x5a: {  	_ =	shalt  }
0x5b: {  	_ =	shalt  }
0x5c: {  	_ =	shalt  }
0x5d: {  	_ =	shalt  }
0x5e: {  	_ =	shalt  }
0x5f: {  	_ =	shalt  }
0x60: {  	_ =	shalt  }
0x61: {  	_ =	shalt  }
0x62: {  	_ =	shalt  }
0x63: {  	_ =	shalt  }
0x64: {  	_ =	shalt  }
0x65: {  	_ =	shalt  }
0x66: {  	_ =	shalt  }
0x67: {  	_ =	shalt  }
0x68: {  	_ =	shalt  }
0x69: {  	_ =	shalt  }
0x6a: {  	_ =	shalt  }
0x6b: {  	_ =	shalt  }
0x6c: {  	_ =	shalt  }
0x6d: {  	_ =	shalt  }
0x6e: {  	_ =	shalt  }
0x6f: {  	_ =	shalt  }
0x70: {  	_ =	shalt  }
0x71: {  	_ =	shalt  }
0x72: {  	_ =	shalt  }
0x73: {  	_ =	shalt  }
0x74: {  	_ =	shalt  }
0x75: {  	_ =	shalt  }
0x76: {  	_ =	shalt  }
0x77: {  	_ =	shalt  }
0x78: {  	_ =	shalt  }
0x79: {  	_ =	shalt  }
0x7a: {  	_ =	shalt  }
0x7b: {  	_ =	shalt  }
0x7c: {  	_ =	shalt  }
0x7d: {  	_ =	shalt  }
0x7e: {  	_ =	shalt  }
0x7f: {  	_ =	shalt  }
0x80: {  	_ =	shalt  }
0x81: {  	_ =	shalt  }
0x82: {  	_ =	shalt  }
0x83: {  	_ =	shalt  }
0x84: {  	_ =	shalt  }
0x85: {  	_ =	shalt  }
0x86: {  	_ =	shalt  }
0x87: {  	_ =	shalt  }
.Lfunc_end0:
.L_simem_size_0:
called_computation.1_lowered:
.L_overlay_start_0:
0x88: {  	s2 =	sld [smem:$0x3FD9]  }
0x89: {  	s3 =	sld [smem:$0x3FFE];
	_ =	sdelay $0x1  }
0x8a: {  	s1 =	srdreg.scid  }
0x8b: {  	s0 =	sand.u32 $0x1, s1  }
0x8c: {  	s17 =	sshll.u32 s0, $0xA;
	s2 =	sadd.s32 s3, s2  }
0x8d: {  	s2 =	sadd.s32 s2, s17  }
0x8e: {  	[smem:$0x3FBF] =	sst s2  }
0x8f: {  	_ = 	snop  }
0x90: {  	s2 =	sld [smem:$0x3FC6]  }
0x91: {  	s18 =	sld [smem:$0x3FD0];
	(tm) =	ssettm $0x1  }
0x92: {  	s4 =	sld [smem:$0x3FFB];
	_ =	sdelay $0x3  }
0x93: {  	_ =	strace s4  }
0x94: {  	s4 =	sld [smem:$0x3FFC];
	_ =	sdelay $0x3  }
0x95: {  	_ =	strace s4  }
0x96: {  	s4 =	sld [smem:$0x3FFD];
	_ =	sdelay $0x3  }
0x97: {  	_ =	strace s4  }
0x98: {  	_ =	strace $0x8FFFFFFF  }
0x99: {  	s19 =	sld [smem:$0x3FDB];
	_ =	sdelay $0x1  }
0x9a: {  	s5 =	simm.s32 $_scs_section_size  }
0x9b: {  	s6 =	simm.s32 $_size__tile_overlayer_lowered;
	s7 =	simm.s32 $_tile_overlayer_lowered  }
0x9c: {  	s22 =	simm.s32 $0x1BFF;
	s21 =	sshll.u32 s7, $0x1;
	s4 =	sadd.s32 s5, s19  }
0x9d: {  	s8 =	simm.s32 $0x0;
	s20 =	sshll.u32 s6, $0x1;
	s6 =	sadd.s32 s21, s4  }
0x9e: {  	[timem:s8], [sflag:s22] =	dma.local [hbm:s6], s20  }
0x9f: {  	_ =	swait.ge [sflag:s22], s20  }
0xa0: {  	s5 =	ssub.s32 $0x0, s20;
	[sflag:s22] =	ssyncset.done $0x0  }
0xa1: {  	[sflag:s22] =	ssyncadd.s32 s5;
	_ =	sdelay $0x1  }
0xa2: {  	s23 =	simm.s32 $0x1B8B  }
0xa3: {  	_ =	swait.ge [sflag:s23], $0x1  }
0xa4: {  	[sflag:s23] =	ssyncset.done $0x0  }
0xa5: {  	s25 =	simm.s32 $0x1B8E;
	s24 =	sld [smem:$0x3FFE];
	[sflag:s23] =	ssyncadd.s32 $0xFFFFFFFF  }
0xa6: {  	s26 =	simm.s32 $execute0_lowered;
	[smem:$0x3FD2] =	sst s25  }
0xa7: {  	s6 =	sshll.u32 s26, $0x1;
	_ =	strace $0x80000049;
	[dreg:$0x1] =	wrdreg $0xFFFFFFFF  }
0xa8: {  	s28 =	simm.s32 $_size_execute0_lowered;
	s4 =	sadd.s32 s4, s6;
	[dreg:$0x0] =	wrdreg $0x0  }
0xa9: {  	s6 =	sshll.u32 s28, $0x1;
	[dreg:$0x2] =	wrdreg s4  }
0xaa: {  	[dreg:$0x3] =	wrdreg s6  }
0xab: {  	[dreg:$0x4] =	wrdreg $0xC0  }
0xac: {  	_ =	task [dreg:s8], $0x5FFFF  }
0xad: {  	[dreg:$0x1] =	wrdreg $0xFFFFFFFF  }
0xae: {  	[dreg:$0x0] =	wrdreg $0x60  }
0xaf: {  	[dreg:$0x2] =	wrdreg s2  }
0xb0: {  	[dreg:$0x3] =	wrdreg s24  }
0xb1: {  	[dreg:$0x4] =	wrdreg s18  }
0xb2: {  	[dreg:$0x5] =	wrdreg $0x9  }
0xb3: {  	_ =	task.clear_ibuf [dreg:s8], $0x6FFFF;
	_ =	strace $0x90000049  }
0xb4: {  	s29 =	simm.s32 $0x9;
	_ =	strace $0x8000004B  }
0xb5: {  	_ =	swait.ge [sflag:s29], $0x1  }
0xb6: {  	[sflag:s29] =	ssyncadd.s32 $0xFFFFFFFF  }
0xb7: {  	_ =	strace $0x9000004B  }
0xb8: {  	_ =	sfence  }
0xb9: {  	s30 =	sld [smem:$0x0];
	_ =	sdelay $0x2  }
0xba: {  	s31 =	sshll.u32 s1, $0xD;
	s1 =	sshrl.u32 s1, $0x2  }
0xbb: {  	s3 =	sand.u32 $0x4000, s31;
	s1 =	sadd.s32 s1, s30  }
0xbc: {  	s0 =	sor.u32 s3, s0;
	s1 =	sshll.u32 s1, $0x11  }
0xbd: {  	s0 =	sor.u32 s1, s0  }
0xbe: {  	s0 =	sadd.s32 $0x8F2B, s0  }
0xbf: {  	[sflag:s0] =	ssyncadd.remote.s32 $0x1  }
0xc0: {  	_ =	sfence.sel $0xFFFF  }
0xc1: {  	[dreg:$0x0] =	wrdreg $0xFFFFFFFF;
	(pc) =	sbr.abs _section_cstart, $3  }
0xc2: {  	[dreg:$0x1] =	wrdreg $0xFFFFFFFF  }
0xc3: {  	_ =	task.clear_ibuf [dreg:s8], $0x2FFFF;
	_ =	strace $0x9FFFFFFF  }
0xc4: {  	(tm) =	ssettm $0x7FFFFFFF  }
0xc5: {  	_ =	shalt  }
tec
execute0_lowered:
.L_overlay_start_1:
0x0: {  	(tag) =	ssettag $0x1  }
0x1: {  	s0 =	srdreg.scid  }
0x2: {  	s4 =	sand.u32 $0x1, s0;
	s0 =	stileid.u32  }
0x3: {  	s5 =	sor.u32 s0, s4  }
0x4: {  	p0 =	sne.s32 s5, $0x0  }
.Ltmp0:
0x5: {  	_ = 	snop;
	(pc) =	sbr.rel @p0 .LBB2_5-.Ltmp0, $4  }
0x6: {  	s1 =	rddreg [dreg:$0x0]  }
0x7: {  	s6 =	rddreg [dreg:$0x1]  }
0x8: {  	s3 =	rddreg [dreg:$0x2]  }
0x9: {  	s2 =	rddreg [dreg:$0x3];
	_ =	strace $0x8000004A  }
0xa: {  	s7 =	ssub.s32 $0x2, s4;
	s4 =	sadd.s32 $0x3400, s6;
	s5 =	sadd.s32 $0x3600, s6  }
0xb: {  	s6 =	sadd.s32 $0x3800, s6;
	v0 =	vlaneseq.u32;
	s9 =	simm.s32 $0x2;
	s10 =	simm.s32 $0x200  }
0xc: {  	s11 =	simm.s32 $0x400;
	s12 =	simm.s32 $0x10;
	s13 =	simm.s32 $0x480;
	v0 =	vmul.u32 $0xFFFFFFFF, v0  }
0xd: {  	s14 =	simm.s32 $0x1;
	s15 =	simm.s32 $0xC80;
	s8 =	sshrl.u32 s7, $0x1  }
0xe: {  	s16 =	simm.s32 $0x0;
	s7 =	ssub.s32 s7, s8;
	s8 =	simm.s32 $0x0;
	v0 =	vadd.s32 $0xF, v0  }
.LBB2_2:
0xf: {  	[tilespmem:s8], [sflag:$0x2] =	stream.linear.gather [hbm4b:s4+s8], $0x200, $0x38;
	[tilespmem:$0xD00] =	vst v63  }
0x10: {  	_ =	swait.ge [sflag:s9], $0x200  }
0x11: {  	[sflag:s9] =	ssyncset.done $0x0  }
0x12: {  	[sflag:s9] =	ssyncadd.s32 $0xFFFFFE00  }
0x13: {  	[tilespmem:s10], [sflag:$0x2] =	stream.linear.gather [hbm4b:s5+s8], $0x200, $0x38;
	[tilespmem:$0xD00] =	vst v63  }
0x14: {  	_ =	swait.ge [sflag:s9], $0x200  }
0x15: {  	[sflag:s9] =	ssyncset.done $0x0  }
0x16: {  	s17 =	simm.s32 $0x0;
	[sflag:s9] =	ssyncadd.s32 $0xFFFFFE00  }
0x17: {  	v1 =	vld [tilespmem:s17+$0x0]  }
0x18: {  	v2 =	vld [tilespmem:s17+$0x200];
	_ =	sdelay $0x3  }
0x19: {  	v1 =	vperm.xlane v1, v0  }
0x1a: {  	v3 =	vimm.f32 $-3.000000010e+38;
	v2 =	vperm.xlane v2, v0  }
0x1b: {  	v4 =	vimm.s32 $0x0;
	vm0 =	vge.f32 v3, v1  }
0x1c: {  	v1 =	vsel vm0, v3, v1;
	v2 =	vsel vm0, v4, v2  }
0x1d: {  	(xrf1) =	vsort.dscd.msk.f32 $0xffff, v1, v2;
	_ =	sdelay $0x6  }
0x1e: {  	s18 =	simm.s32 $0x10;
	s17 =	simm.s32 $0x80  }
.LBB2_3:
0x1f: {  	p0 =	sne.s32 s17, $0x7C0;
	v1 =	vld [tilespmem:s18+$0x0]  }
0x20: {  	v2 =	vld [tilespmem:s18+$0x200];
	_ =	sdelay $0x3  }
0x21: {  	v1 =	vperm.xlane v1, v0  }
0x22: {  	v2 =	vperm.xlane v2, v0;
	v3, v4, _ =	vpop (xrf1)  }
0x23: {  	vm0 =	vge.f32 v3, v1  }
0x24: {  	v1 =	vsel vm0, v3, v1;
	v2 =	vsel vm0, v4, v2  }
0x25: {  	(xrf1) =	vsort.dscd.msk.f32 $0xffff, v1, v2;
	_ =	sdelay $0x2  }
.Ltmp1:
0x26: {  	(pc) =	sbr.rel @p0 .LBB2_3-.Ltmp1, $2  }
0x27: {  	_ =	sdelay $0x2  }
0x28: {  	s18 =	sshra.s32 s17, $0x2;
	s17 =	sadd.s32 $0x40, s17  }
0x29: {  	v1 =	vld [tilespmem:s18+$0x0]  }
0x2a: {  	v2 =	vld [tilespmem:s18+$0x200];
	_ =	sdelay $0x3  }
0x2b: {  	v1 =	vperm.xlane v1, v0  }
0x2c: {  	v2 =	vperm.xlane v2, v0;
	v3, v4, _ =	vpop (xrf1)  }
0x2d: {  	vm0 =	vge.f32 v3, v1  }
0x2e: {  	v1 =	vsel vm0, v3, v1;
	v2 =	vsel vm0, v4, v2  }
0x2f: {  	(xrf1) =	vsort.dscd.msk.f32 $0xffff, v1, v2;
	_ =	sdelay $0xd  }
0x30: {  	v1, v2, _ =	vpop (xrf1)  }
0x31: {  	[tilespmem:$0x400] =	vst v2  }
0x32: {  	[hbm4b:s6+s8] =	stream.linear.scatter [tilespmem:s11], [sflag:$0x2], $0x80, $0x38;
	[tilespmem:$0xD00] =	vst v63  }
0x33: {  	_ =	swait.ge [sflag:s9], $0x80  }
0x34: {  	[sflag:s9] =	ssyncset.done $0x0  }
0x35: {  	[sflag:s9] =	ssyncadd.s32 $0xFFFFFF80  }
0x36: {  	[tilespmem:s13], [sflag:$0x1] =	stream.indirect.gather [hbm4b:s1+s12], $0x80, s11, s12, $0xb8;
	[tilespmem:$0xD00] =	vst v63  }
0x37: {  	_ =	swait.ge [sflag:s14], $0x800  }
0x38: {  	[sflag:s14] =	ssyncset.done $0x0  }
0x39: {  	[sflag:s14] =	ssyncadd.s32 $0xFFFFF800  }
0x3a: {  	v1 =	vld [tilespmem:$0x480]  }
0x3b: {  	v2 =	vld [tilespmem:$0x500]  }
0x3c: {  	v3 =	vld [tilespmem:$0x580]  }
0x3d: {  	v59 =	vld [tilespmem:$0x600]  }
0x3e: {  	v5 =	vld [tilespmem:$0x680]  }
0x3f: {  	v6 =	vld [tilespmem:$0x700]  }
0x40: {  	v7 =	vld [tilespmem:$0x780]  }
0x41: {  	v8 =	vld [tilespmem:$0x800]  }
0x42: {  	v9 =	vld [tilespmem:$0x490]  }
0x43: {  	v10 =	vld [tilespmem:$0x510]  }
0x44: {  	v11 =	vld [tilespmem:$0x590]  }
0x45: {  	v12 =	vld [tilespmem:$0x610]  }
0x46: {  	v13 =	vld [tilespmem:$0x690]  }
0x47: {  	v14 =	vld [tilespmem:$0x710]  }
0x48: {  	v15 =	vld [tilespmem:$0x790]  }
0x49: {  	v16 =	vld [tilespmem:$0x810]  }
0x4a: {  	v17 =	vld [tilespmem:$0x4A0]  }
0x4b: {  	v18 =	vld [tilespmem:$0x520]  }
0x4c: {  	v19 =	vld [tilespmem:$0x5A0]  }
0x4d: {  	v20 =	vld [tilespmem:$0x620]  }
0x4e: {  	v21 =	vld [tilespmem:$0x6A0]  }
0x4f: {  	v22 =	vld [tilespmem:$0x720]  }
0x50: {  	v23 =	vld [tilespmem:$0x7A0]  }
0x51: {  	v24 =	vld [tilespmem:$0x820]  }
0x52: {  	v25 =	vld [tilespmem:$0x4B0]  }
0x53: {  	v26 =	vld [tilespmem:$0x530]  }
0x54: {  	v27 =	vld [tilespmem:$0x5B0]  }
0x55: {  	v28 =	vld [tilespmem:$0x630]  }
0x56: {  	v29 =	vld [tilespmem:$0x6B0]  }
0x57: {  	v30 =	vld [tilespmem:$0x730]  }
0x58: {  	v31 =	vld [tilespmem:$0x7B0]  }
0x59: {  	v32 =	vld [tilespmem:$0x830]  }
0x5a: {  	v33 =	vld [tilespmem:$0x4C0]  }
0x5b: {  	v34 =	vld [tilespmem:$0x540]  }
0x5c: {  	v35 =	vld [tilespmem:$0x5C0]  }
0x5d: {  	v36 =	vld [tilespmem:$0x640]  }
0x5e: {  	v37 =	vld [tilespmem:$0x6C0];
	v1 =	vadd.f32 $0.0e+00, v1;
	v9 =	vadd.f32 $0.0e+00, v9  }
0x5f: {  	v63 =	vld [tilespmem:$0x4D0];
	v61 =	vadd.f32 $0.0e+00, v25;
	v47 =	vadd.f32 $0.0e+00, v33  }
0x60: {  	v60 =	vld [tilespmem:$0x740];
	v1 =	vadd.f32 v2, v1;
	v2 =	vadd.f32 $0.0e+00, v17  }
0x61: {  	v62 =	vld [tilespmem:$0x7C0];
	v9 =	vadd.f32 v10, v9;
	v10 =	vadd.f32 v26, v61  }
0x62: {  	v26 =	vld [tilespmem:$0x550];
	v1 =	vadd.f32 v3, v1;
	v2 =	vadd.f32 v18, v2  }
0x63: {  	v38 =	vld [tilespmem:$0x5D0];
	v9 =	vadd.f32 v11, v9;
	v10 =	vadd.f32 v27, v10  }
0x64: {  	v39 =	vld [tilespmem:$0x650];
	v11 =	vadd.f32 $0.0e+00, v63;
	v18 =	vadd.f32 v34, v47  }
0x65: {  	v40 =	vld [tilespmem:$0x6D0];
	v1 =	vadd.f32 v59, v1;
	v2 =	vadd.f32 v19, v2  }
0x66: {  	v41 =	vld [tilespmem:$0x750];
	v9 =	vadd.f32 v12, v9;
	v10 =	vadd.f32 v28, v10  }
0x67: {  	v42 =	vld [tilespmem:$0x7D0];
	v18 =	vadd.f32 v35, v18;
	v4 =	vadd.f32 v26, v11  }
0x68: {  	v43 =	vld [tilespmem:$0x850];
	v1 =	vadd.f32 v5, v1;
	v2 =	vadd.f32 v20, v2  }
0x69: {  	v44 =	vld [tilespmem:$0x4E0];
	v9 =	vadd.f32 v13, v9;
	v10 =	vadd.f32 v29, v10  }
0x6a: {  	v45 =	vld [tilespmem:$0x4F0];
	v18 =	vadd.f32 v36, v18;
	v4 =	vadd.f32 v38, v4  }
0x6b: {  	v46 =	vld [tilespmem:$0x560];
	v1 =	vadd.f32 v6, v1;
	v2 =	vadd.f32 v21, v2  }
0x6c: {  	v48 =	vld [tilespmem:$0x570];
	v9 =	vadd.f32 v14, v9;
	v10 =	vadd.f32 v30, v10  }
0x6d: {  	v49 =	vld [tilespmem:$0x5E0];
	v18 =	vadd.f32 v37, v18;
	v4 =	vadd.f32 v39, v4  }
0x6e: {  	v50 =	vld [tilespmem:$0x5F0];
	v1 =	vadd.f32 v7, v1;
	v2 =	vadd.f32 v22, v2  }
0x6f: {  	v51 =	vld [tilespmem:$0x660];
	v9 =	vadd.f32 v15, v9;
	v15 =	vadd.f32 $0.0e+00, v44  }
0x70: {  	v52 =	vld [tilespmem:$0x670];
	v1 =	vadd.f32 v8, v1;
	v8 =	vadd.f32 $0.0e+00, v45  }
0x71: {  	v53 =	vld [tilespmem:$0x6E0];
	v10 =	vadd.f32 v31, v10;
	v15 =	vadd.f32 v46, v15  }
0x72: {  	v54 =	vld [tilespmem:$0x6F0];
	v59 =	vadd.f32 v60, v18;
	v8 =	vadd.f32 v48, v8  }
0x73: {  	v56 =	vld [tilespmem:$0x760];
	v4 =	vadd.f32 v40, v4;
	v15 =	vadd.f32 v49, v15  }
0x74: {  	v57 =	vld [tilespmem:$0x770];
	v2 =	vadd.f32 v23, v2;
	v55 =	vadd.f32 v50, v8  }
0x75: {  	v58 =	vld [tilespmem:$0x7E0];
	v9 =	vadd.f32 v16, v9;
	v11 =	vadd.f32 v51, v15  }
0x76: {  	v3 =	vld [tilespmem:$0x840];
	v10 =	vadd.f32 v32, v10;
	v5 =	vadd.f32 v52, v55  }
0x77: {  	v60 =	vld [tilespmem:$0x7F0];
	v4 =	vadd.f32 v41, v4;
	v11 =	vadd.f32 v53, v11  }
0x78: {  	v61 =	vld [tilespmem:$0x860];
	v2 =	vadd.f32 v24, v2;
	v5 =	vadd.f32 v54, v5  }
0x79: {  	[tilespmem:$0xC80] =	vst v1;
	v1 =	vadd.f32 v62, v59;
	v62 =	vld [tilespmem:$0x870];
	v8 =	vadd.f32 v56, v11  }
0x7a: {  	[tilespmem:$0xC90] =	vst v9;
	v4 =	vadd.f32 v42, v4;
	v5 =	vadd.f32 v57, v5  }
0x7b: {  	[tilespmem:$0xCA0] =	vst v2;
	v1 =	vadd.f32 v3, v1;
	v2 =	vadd.f32 v58, v8  }
0x7c: {  	[tilespmem:$0xCB0] =	vst v10;
	v3 =	vadd.f32 v43, v4;
	v63 =	vadd.f32 v60, v5  }
0x7d: {  	[tilespmem:$0xCC0] =	vst v1;
	v1 =	vadd.f32 v61, v2  }
0x7e: {  	s16 =	sadd.s32 $0x1, s16;
	[tilespmem:$0xCD0] =	vst v3;
	v2 =	vadd.f32 v62, v63  }
0x7f: {  	p0 =	sne.s32 s16, s7;
	[tilespmem:$0xCE0] =	vst v1  }
.Ltmp2:
0x80: {  	[tilespmem:$0xCF0] =	vst v2;
	(pc) =	sbr.rel @p0 .LBB2_2-.Ltmp2, $4  }
0x81: {  	[hbm4b:s3+s8] =	stream.linear.scatter [tilespmem:s15], [sflag:$0x2], $0x80, $0x38;
	[tilespmem:$0xD00] =	vst v63  }
0x82: {  	_ =	swait.ge [sflag:s9], $0x80  }
0x83: {  	[sflag:s9] =	ssyncset.done $0x0  }
0x84: {  	[sflag:s9] =	ssyncadd.s32 $0xFFFFFF80  }
.LBB2_5:
0x85: {  	_ =	sfence.sel $0x180000  }
0x86: {  	[bflag:$0x0] =	sbarrier.arrive $0xFFFF  }
0x87: {  	p0 =	sne.s32 s0, $0x0;
	_ =	strace $0x9000004A  }
0x88: {  	s0 =	sadd.s32 @!p0 $0x100000, s2;
	[bflag:$0x2] =	sbarrier.arrive $0xFFFF  }
0x89: {  	[sflag:s0] =	ssyncadd.tile.s32 @!p0 $0x1;
	_ =	shalt  }
.Lfunc_end2:
_tile_overlayer_lowered:
.L_overlay_start_2:
0x8a: {  	(tag) =	ssettag $0x2  }
0x8b: {  	s0 =	rddreg [dreg:$0x0];
	s2 =	stileid.u32  }
0x8c: {  	s1 =	rddreg [dreg:$0x1];
	p0 =	sne.s32 s2, $0x0  }
0x8d: {  	s3 =	rddreg [dreg:$0x2];
	[bflag:$0x3] =	sbarrier.arrive $0xFFFF;
	s2 =	simm.s32 @!p0 $0x1C02  }
0x8e: {  	[timem:s3], [sflag:s2] =	dma.local @!p0 [hbm:s0], s1  }
0x8f: {  	s0 =	simm.s32 @!p0 $0x2  }
0x90: {  	_ =	swait.ge @!p0 [sflag:s0], s1  }
0x91: {  	s1 =	ssub.s32 @!p0 $0x0, s1;
	[sflag:s0] =	ssyncset.done @!p0 $0x0  }
0x92: {  	[sflag:s0] =	ssyncadd.s32 @!p0 s1  }
0x93: {  	[bflag:$0x3] =	sbarrier.arrive $0xFFFF  }
0x94: {  	_ =	shalt  }

</sc_bundles>
